<compile_context>
chip_gen: v7x
topology: tpu7x:2x2x1
jax: 0.10.2.dev20260603
libtpu: 0.0.44.dev20260713+nightly
codegen_flags: <defaults>
</compile_context>

<pallas_src>
import functools

import jax
import jax.numpy as jnp
import numpy as np
from jax import lax
from jax.experimental import pallas as pl
from jax.experimental.pallas import tpu as pltpu
from jax.experimental.pallas import tpu_sc as plsc

_NUM_PATHS = 3200
_BATCH = 16
_TOTAL_ARCS = 819200
_L_HYP = 128
_L_REF = 128
_LIMBS = 8
_NW = 32
_ROWS = _TOTAL_ARCS // _NW // 128

_W_np = np.zeros((_LIMBS, _L_REF), np.float32)
for _l in range(_LIMBS):
    for _e in range(16):
        _W_np[_l, 16 * _l + _e] = float(2 ** _e)


def _sc_segsum(arc_scores, arc_to_path, zeros_init):
    scores2d = arc_scores.reshape(_NW * _ROWS, 128)
    idx2d = arc_to_path.reshape(_NW * _ROWS, 128)
    mesh = plsc.VectorSubcoreMesh(core_axis_name="c", subcore_axis_name="s")

    @functools.partial(
        pl.kernel,
        mesh=mesh,
        out_type=jax.ShapeDtypeStruct((2, _NUM_PATHS), jnp.float32),
        scratch_types=[
            pltpu.VMEM((_ROWS, 128), jnp.float32),
            pltpu.VMEM((_ROWS, 128), jnp.int32),
            pltpu.VMEM_SHARED((_NUM_PATHS,), jnp.float32),
            pltpu.SemaphoreType.DMA,
        ],
    )
    def seg_kernel(scores_hbm, idx_hbm, zeros_hbm, out_hbm, vals_v, idx_v,
                   acc_sh, sem):
        c = lax.axis_index("c")
        s = lax.axis_index("s")
        w = c * 16 + s

        @pl.when(s == 0)
        def _zero():
            pltpu.sync_copy(zeros_hbm, acc_sh)

        base = w * _ROWS
        pltpu.sync_copy(scores_hbm.at[pl.ds(base, _ROWS)], vals_v)
        pltpu.sync_copy(idx_hbm.at[pl.ds(base, _ROWS)], idx_v)
        plsc.subcore_barrier()

        def start_body(j, carry):
            pltpu.async_copy(vals_v.at[j], acc_sh.at[idx_v.at[j]], sem,
                             add=True)
            return carry

        lax.fori_loop(0, _ROWS, start_body, 0)

        def wait_body(j, carry):
            pltpu.make_async_copy(vals_v.at[j], acc_sh.at[idx_v.at[j]],
                                  sem).wait()
            return carry

        lax.fori_loop(0, _ROWS, wait_body, 0)
        plsc.subcore_barrier()

        @pl.when(s == 0)
        def _out():
            pltpu.sync_copy(acc_sh, out_hbm.at[c])

    return seg_kernel(scores2d, idx2d, zeros_init)


_M16 = 0xFFFF


def _up(x, k):
    return jnp.concatenate(
        [jnp.zeros((k, x.shape[1]), jnp.int32), x[:-k, :]], axis=0)


def _add128(a, b):
    s = a + b
    g = s >> 16
    s = s & _M16
    p = (s + 1) >> 16
    g = g | (p & _up(g, 1))
    p = p & _up(p, 1)
    g = g | (p & _up(g, 2))
    p = p & _up(p, 2)
    g = g | (p & _up(g, 4))
    return (s + _up(g, 1)) & _M16


def _sl1(x):
    return ((x << 1) & _M16) | _up(x >> 15, 1)


def _not16(x):
    return x ^ _M16


_CPB = 16


def _dp_body(hyp_ref, utt_ref, hlen_ref, refT_ref, rlen_ref,
             w_ref, out_ref, refpp, vp_r, vn_r, score_r, capt_r, maskrl_r,
             c1_r):
    i = pl.program_id(0)
    P = _NUM_PATHS

    @pl.when(i == 0)
    def _init():
        utt = utt_ref[0:1, :]
        rp = jnp.zeros((_L_REF, P), jnp.int32)
        rl = jnp.zeros((1, P), jnp.int32)
        for u in range(_BATCH):
            m = utt == u
            rp = jnp.where(m, refT_ref[:, u:u + 1], rp)
            rl = jnp.where(m, rlen_ref[0, u], rl)
        refpp[:, :] = rp
        liota = lax.broadcasted_iota(jnp.int32, (_LIMBS, P), 0)
        rlm1 = rl - 1
        limb = rlm1 >> 4
        bit = rlm1 & 15
        maskval = jnp.left_shift(jnp.ones_like(bit), bit)
        maskrl_r[:, :] = jnp.where(liota == limb, maskval, 0)
        c1_r[:, :] = jnp.where(liota == 0, 1, 0)
        score_r[:, :] = jnp.where(liota == 0, rl, 0)
        capt_r[:, :] = jnp.zeros((_LIMBS, P), jnp.int32)
        vp_r[:, :] = jnp.full((_LIMBS, P), 0xFFFF, jnp.int32)
        vn_r[:, :] = jnp.zeros((_LIMBS, P), jnp.int32)

    vp = vp_r[:, :]
    vn = vn_r[:, :]
    score = score_r[:, :]
    capt = capt_r[:, :]
    mrl = maskrl_r[:, :]
    c1 = c1_r[:, :]
    rp = refpp[:, :]
    w = w_ref[:, :]
    hlen = hlen_ref[0:1, :]

    for k in range(_CPB):
        hyp_i = hyp_ref[k, 0:1, :]
        e_f = jnp.where(rp == hyp_i, 1.0, 0.0).astype(jnp.float32)
        eq = lax.dot_general(w, e_f, (((1,), (0,)), ((), ())),
                             preferred_element_type=jnp.float32
                             ).astype(jnp.int32)

        xv = eq | vn
        xh = (_add128(eq & vp, vp) ^ vp) | eq
        hp = vn | _not16(xh | vp)
        hn = vp & xh

        dplus = jnp.where((hp & mrl) != 0, 1, 0)
        dminus = jnp.where((hn & mrl) != 0, 1, 0)
        score = score + dplus - dminus
        hit = hlen == (i * _CPB + k + 1)
        capt = jnp.where(hit, score, capt)

        hps = _sl1(hp) | c1
        hns = _sl1(hn)
        vp = hns | _not16(xv | hps)
        vn = hps & xv

    vp_r[:, :] = vp
    vn_r[:, :] = vn
    score_r[:, :] = score
    capt_r[:, :] = capt

    @pl.when(i == _L_HYP // _CPB - 1)
    def _fin():
        out_ref[:, :] = jnp.sum(capt, axis=0, keepdims=True
                                ).astype(jnp.float32)


def _final_body(partial_ref, wers_ref, utt_ref, out_ref):
    P = _NUM_PATHS
    wers = wers_ref[:, :]
    plp = partial_ref[0:1, :] + partial_ref[1:2, :]
    pprob = jnp.exp(plp)
    utt = utt_ref[:, :]
    den = jnp.zeros((1, P), jnp.float32)
    for u in range(_BATCH):
        m = utt == u
        du = jnp.sum(jnp.where(m, pprob, 0.0))
        den = jnp.where(m, du, den)
    dlp = jnp.log(den)
    out_ref[:, :] = jnp.sum(jnp.exp(plp - dlp) * wers, axis=1,
                            keepdims=True)


def _tc_final(partials, wers, utt2):
    P = _NUM_PATHS
    return pl.pallas_call(
        _final_body,
        out_shape=jax.ShapeDtypeStruct((1, 1), jnp.float32),
    )(partials, wers, utt2)


def _tc_mwer(hyp_T3, utt2, hlen2, refT, rlen2, wmat):
    P = _NUM_PATHS
    return pl.pallas_call(
        _dp_body,
        grid=(_L_HYP // _CPB,),
        in_specs=[
            pl.BlockSpec((_CPB, 1, P), lambda i: (i, 0, 0)),
            pl.BlockSpec((1, P), lambda i: (0, 0)),
            pl.BlockSpec((1, P), lambda i: (0, 0)),
            pl.BlockSpec((_L_REF, _BATCH), lambda i: (0, 0)),
            pl.BlockSpec((1, _BATCH), lambda i: (0, 0)),
            pl.BlockSpec((_LIMBS, _L_REF), lambda i: (0, 0)),
        ],
        out_specs=pl.BlockSpec((1, P), lambda i: (0, 0)),
        out_shape=jax.ShapeDtypeStruct((1, P), jnp.float32),
        scratch_shapes=[
            pltpu.VMEM((_L_REF, P), jnp.int32),
            pltpu.VMEM((_LIMBS, P), jnp.int32),
            pltpu.VMEM((_LIMBS, P), jnp.int32),
            pltpu.VMEM((_LIMBS, P), jnp.int32),
            pltpu.VMEM((_LIMBS, P), jnp.int32),
            pltpu.VMEM((_LIMBS, P), jnp.int32),
            pltpu.VMEM((_LIMBS, P), jnp.int32),
        ],
        compiler_params=pltpu.CompilerParams(
            dimension_semantics=("arbitrary",)),
    )(hyp_T3, utt2, hlen2, refT, rlen2, wmat)


def kernel(arc_scores, arc_to_path, path_to_utt, hyp_tokens, hyp_lens,
           ref_tokens, ref_lens, num_paths, nbest_scale):
    del num_paths, nbest_scale
    partials = _sc_segsum(arc_scores, arc_to_path.astype(jnp.int32),
                          jnp.zeros((_NUM_PATHS,), jnp.float32))
    hyp_T3 = hyp_tokens.T.reshape(_L_HYP, 1, _NUM_PATHS)
    utt2 = path_to_utt.reshape(1, _NUM_PATHS)
    wers = _tc_mwer(
        hyp_T3,
        utt2,
        hyp_lens.reshape(1, _NUM_PATHS),
        ref_tokens.T,
        ref_lens.reshape(1, _BATCH),
        jnp.asarray(_W_np),
    )
    out = _tc_final(partials, wers, utt2)
    return out[0, 0]

# --- scband reference (transcript-rebuilt; emitter-appended) ---
"""Pipeline reference for scband-mwerloss-18837726560947 (READ-ONLY COPY).

The authoritative reference and input builder live on the scoring server;
editing this copy changes nothing except your own understanding.
"""

import jax, jax.numpy as jnp
import numpy as np

TEMPERATURE = 1.0
NUM_PATHS = 3200
BATCH = 16
TOTAL_ARCS = 819200
L_HYP = 128
L_REF = 128
VOCAB = 500


def _levenshtein(hyp, ref, hlen, rlen):
    # Full edit-distance DP matrix; answer read at (hlen, rlen) so padding
    # tokens beyond the true lengths cannot affect the result.
    row0 = jnp.arange(L_REF + 1, dtype=jnp.int32)

    def outer(prev_row, xs):
        h_tok, i = xs

        def inner(left, ys):
            up, diag, r_tok = ys
            cost = jnp.where(h_tok == r_tok, 0, 1).astype(jnp.int32)
            cur = jnp.minimum(jnp.minimum(up + 1, left + 1), diag + cost)
            return cur, cur

        _, tail = jax.lax.scan(inner, i, (prev_row[1:], prev_row[:-1], ref))
        new_row = jnp.concatenate([i[None], tail])
        return new_row, new_row

    idx = jnp.arange(1, L_HYP + 1, dtype=jnp.int32)
    _, rows = jax.lax.scan(outer, row0, (hyp, idx))
    D = jnp.concatenate([row0[None, :], rows], axis=0)
    return D[hlen, rlen]


def setup_inputs(seed: int = 0) -> dict:
    key = jax.random.key(seed)
    ks = jax.random.split(key, 8)
    # scale 0.1 keeps exp(path_logp) in float32 range (sum of ~256 arcs/path)
    arc_scores = jax.random.normal(ks[0], (TOTAL_ARCS,), dtype=jnp.float32) * 0.1
    arc_to_path = jnp.sort(jax.random.randint(ks[1], (TOTAL_ARCS,), 0, NUM_PATHS)).astype(jnp.int32)
    path_to_utt = jnp.sort(jax.random.randint(ks[2], (NUM_PATHS,), 0, BATCH)).astype(jnp.int32)
    hyp_tokens = jax.random.randint(ks[3], (NUM_PATHS, L_HYP), 0, VOCAB).astype(jnp.int32)
    hyp_lens = jax.random.randint(ks[4], (NUM_PATHS,), 1, L_HYP + 1).astype(jnp.int32)
    ref_tokens = jax.random.randint(ks[5], (BATCH, L_REF), 0, VOCAB).astype(jnp.int32)
    ref_lens = jax.random.randint(ks[6], (BATCH,), 1, L_REF + 1).astype(jnp.int32)
    return {
        'arc_scores': arc_scores,
        'arc_to_path': arc_to_path,
        'path_to_utt': path_to_utt,
        'hyp_tokens': hyp_tokens,
        'hyp_lens': hyp_lens,
        'ref_tokens': ref_tokens,
        'ref_lens': ref_lens,
        'num_paths': 200,
        'nbest_scale': 1,
    }


def reference(arc_scores, arc_to_path, path_to_utt, hyp_tokens, hyp_lens,
              ref_tokens, ref_lens, num_paths, nbest_scale):
    # path_logp = ragged sum of arc scores per sampled path, scaled by temperature
    path_logp = jax.ops.segment_sum(arc_scores, arc_to_path, num_segments=NUM_PATHS) / TEMPERATURE
    path_prob = jnp.exp(path_logp)
    # denominator: sum of path probs within each utterance
    den_prob = jax.ops.segment_sum(path_prob, path_to_utt, num_segments=BATCH)
    den_logp = jnp.log(den_prob)[path_to_utt]
    # WER via Levenshtein alignment of each hyp path against its utterance ref
    ref_per_path = ref_tokens[path_to_utt]
    rlen_per_path = ref_lens[path_to_utt]
    wers = jax.vmap(_levenshtein)(hyp_tokens, ref_per_path, hyp_lens, rlen_per_path)
    wers = wers.astype(arc_scores.dtype)
    prob_normalized = jnp.exp(path_logp - den_logp) * wers
    # reduction == 'sum'
    return jnp.sum(prob_normalized)

if __name__ == "__main__":
    import jax
    _d = setup_inputs()
    print(jax.jit(kernel)(*tuple(_d.values())))

</pallas_src>

<mosaic_0001>
#map = affine_map<(d0, d1) -> (0, 0)>
#map1 = affine_map<(d0, d1) -> (0)>
module attributes {stable_mosaic.version = 14 : i64} {
  func.func @seg_kernel(%arg0: i32, %arg1: i32, %arg2: memref<6400x128xf32, #tpu.memory_space<hbm>>, %arg3: memref<6400x128xi32, #tpu.memory_space<hbm>>, %arg4: memref<3200xf32, #tpu.memory_space<hbm>>, %arg5: memref<2x3200xf32, #tpu.memory_space<hbm>>, %arg6: memref<200x128xf32, #tpu.memory_space<vmem>>, %arg7: memref<200x128xi32, #tpu.memory_space<vmem>>, %arg8: memref<3200xf32, #tpu.memory_space<vmem_shared>>, %arg9: memref<!tpu.dma_semaphore, #tpu.memory_space<semaphore_mem>>) attributes {dimension_semantics = [#tpu.dimension_semantics<core_parallel>, #tpu.dimension_semantics<subcore_parallel>], iteration_bounds = array<i64: 2, 16>, scalar_prefetch = 0 : i64, scratch_operands = 4 : i64, tpu.core_type = #tpu.core_type<sc_vector_subcore>, window_params = [{transform_indices = #map}, {transform_indices = #map}, {transform_indices = #map1}, {transform_indices = #map}]} {
    %mul3A = arith.constant 16 : i32
    %mul3A_0 = arith.muli %arg0, %mul3A : i32
    %add3A = arith.addi %mul3A_0, %arg1 : i32
    %eq3A = arith.constant 0 : i32
    %eq3A_1 = arith.cmpi eq, %arg1, %eq3A : i32
    %convert_element_type3A = arith.extui %eq3A_1 : i1 to i32
    %cond3A = arith.constant 0 : i32
    %cond3A_2 = arith.cmpi ne, %convert_element_type3A, %cond3A : i32
    scf.if %cond3A_2 {
      "tpu.region"() ({
        %run_scoped3A = tpu.sem_alloc : memref<!tpu.dma_semaphore, #tpu.memory_space<semaphore_mem>>
        tpu.enqueue_dma source(%arg4 : memref<3200xf32, #tpu.memory_space<hbm>>) target(%arg8 : memref<3200xf32, #tpu.memory_space<vmem_shared>>) target_semaphore(%run_scoped3A : memref<!tpu.dma_semaphore, #tpu.memory_space<semaphore_mem>>)
        tpu.wait_dma2 semaphore(%run_scoped3A : memref<!tpu.dma_semaphore, #tpu.memory_space<semaphore_mem>>) src(%arg4 : memref<3200xf32, #tpu.memory_space<hbm>>) dst(%arg8 : memref<3200xf32, #tpu.memory_space<vmem_shared>>)
        tpu.yield
      }) : () -> ()
    } else {
    }
    %mul3A_3 = arith.constant 200 : i32
    %mul3A_4 = arith.muli %add3A, %mul3A_3 : i32
    "tpu.region"() ({
      %run_scoped3A = tpu.sem_alloc : memref<!tpu.dma_semaphore, #tpu.memory_space<semaphore_mem>>
      %dma_start3A = arith.constant 0 : i32
      %dma_start3A_22 = tpu.memref_slice %arg2[%mul3A_4, %dma_start3A] : memref<6400x128xf32, #tpu.memory_space<hbm>> -> memref<200x128xf32, #tpu.memory_space<hbm>>
      %dma_start3A_23 = arith.constant 0 : i32
      %dma_start3A_24 = tpu.memref_slice %arg2[%mul3A_4, %dma_start3A_23] : memref<6400x128xf32, #tpu.memory_space<hbm>> -> memref<200x128xf32, #tpu.memory_space<hbm>>
      tpu.enqueue_dma source(%dma_start3A_24 : memref<200x128xf32, #tpu.memory_space<hbm>>) target(%arg6 : memref<200x128xf32, #tpu.memory_space<vmem>>) target_semaphore(%run_scoped3A : memref<!tpu.dma_semaphore, #tpu.memory_space<semaphore_mem>>)
      %dma_wait3A = arith.constant 0 : i32
      %dma_wait3A_25 = tpu.memref_slice %arg2[%mul3A_4, %dma_wait3A] : memref<6400x128xf32, #tpu.memory_space<hbm>> -> memref<200x128xf32, #tpu.memory_space<hbm>>
      %dma_wait3A_26 = arith.constant 0 : i32
      %dma_wait3A_27 = tpu.memref_slice %arg2[%mul3A_4, %dma_wait3A_26] : memref<6400x128xf32, #tpu.memory_space<hbm>> -> memref<200x128xf32, #tpu.memory_space<hbm>>
      tpu.wait_dma2 semaphore(%run_scoped3A : memref<!tpu.dma_semaphore, #tpu.memory_space<semaphore_mem>>) src(%dma_wait3A_27 : memref<200x128xf32, #tpu.memory_space<hbm>>) dst(%arg6 : memref<200x128xf32, #tpu.memory_space<vmem>>)
      tpu.yield
    }) : () -> ()
    "tpu.region"() ({
      %run_scoped3A = tpu.sem_alloc : memref<!tpu.dma_semaphore, #tpu.memory_space<semaphore_mem>>
      %dma_start3A = arith.constant 0 : i32
      %dma_start3A_22 = tpu.memref_slice %arg3[%mul3A_4, %dma_start3A] : memref<6400x128xi32, #tpu.memory_space<hbm>> -> memref<200x128xi32, #tpu.memory_space<hbm>>
      %dma_start3A_23 = arith.constant 0 : i32
      %dma_start3A_24 = tpu.memref_slice %arg3[%mul3A_4, %dma_start3A_23] : memref<6400x128xi32, #tpu.memory_space<hbm>> -> memref<200x128xi32, #tpu.memory_space<hbm>>
      tpu.enqueue_dma source(%dma_start3A_24 : memref<200x128xi32, #tpu.memory_space<hbm>>) target(%arg7 : memref<200x128xi32, #tpu.memory_space<vmem>>) target_semaphore(%run_scoped3A : memref<!tpu.dma_semaphore, #tpu.memory_space<semaphore_mem>>)
      %dma_wait3A = arith.constant 0 : i32
      %dma_wait3A_25 = tpu.memref_slice %arg3[%mul3A_4, %dma_wait3A] : memref<6400x128xi32, #tpu.memory_space<hbm>> -> memref<200x128xi32, #tpu.memory_space<hbm>>
      %dma_wait3A_26 = arith.constant 0 : i32
      %dma_wait3A_27 = tpu.memref_slice %arg3[%mul3A_4, %dma_wait3A_26] : memref<6400x128xi32, #tpu.memory_space<hbm>> -> memref<200x128xi32, #tpu.memory_space<hbm>>
      tpu.wait_dma2 semaphore(%run_scoped3A : memref<!tpu.dma_semaphore, #tpu.memory_space<semaphore_mem>>) src(%dma_wait3A_27 : memref<200x128xi32, #tpu.memory_space<hbm>>) dst(%arg7 : memref<200x128xi32, #tpu.memory_space<vmem>>)
      tpu.yield
    }) : () -> ()
    %barrier3A = arith.constant 0 : index
    tpu.barrier barrier_id(%barrier3A)
    %scan3A = arith.constant 0 : i32
    %scan3A_5 = arith.constant 0 : i32
    %scan3A_6 = arith.constant 200 : i32
    %scan3A_7 = arith.addi %scan3A_5, %scan3A_6 : i32
    %scan3A_8 = arith.constant 1 : i32
    scf.for %scan3A_22 = %scan3A_5 to %scan3A_7 step %scan3A_8  : i32 {
      %dma_start3A = arith.constant 0 : i32
      %dma_start3A_23 = tpu.memref_slice %arg6[%scan3A_22, %dma_start3A] : memref<200x128xf32, #tpu.memory_space<vmem>> -> memref<1x128xf32, #tpu.memory_space<vmem>>
      %dma_start3A_24 = tpu.memref_squeeze %dma_start3A_23 : memref<1x128xf32, #tpu.memory_space<vmem>> -> memref<128xf32, #tpu.memory_space<vmem>>
      %dma_start3A_25 = arith.constant 0 : i32
      %dma_start3A_26 = tpu.memref_slice %arg7[%scan3A_22, %dma_start3A_25] : memref<200x128xi32, #tpu.memory_space<vmem>> -> memref<1x128xi32, #tpu.memory_space<vmem>>
      %dma_start3A_27 = tpu.memref_squeeze %dma_start3A_26 : memref<1x128xi32, #tpu.memory_space<vmem>> -> memref<128xi32, #tpu.memory_space<vmem>>
      %dma_start3A_28 = arith.constant 0 : i32
      %dma_start3A_29 = tpu.memref_slice %arg8[%dma_start3A_28] : memref<3200xf32, #tpu.memory_space<vmem_shared>> -> memref<3200xf32, #tpu.memory_space<vmem_shared>>
      tpu.enqueue_indirect_dma source(%dma_start3A_24 : memref<128xf32, #tpu.memory_space<vmem>>) target(%dma_start3A_29 : memref<3200xf32, #tpu.memory_space<vmem_shared>>) offsets(%dma_start3A_27 : memref<128xi32, #tpu.memory_space<vmem>>) semaphore(%arg9 : memref<!tpu.dma_semaphore, #tpu.memory_space<semaphore_mem>>) {add = true}
    }
    %scan3A_9 = arith.constant 200 : i32
    %scan3A_10 = arith.constant 0 : i32
    %scan3A_11 = arith.constant 0 : i32
    %scan3A_12 = arith.constant 200 : i32
    %scan3A_13 = arith.addi %scan3A_11, %scan3A_12 : i32
    %scan3A_14 = arith.constant 1 : i32
    scf.for %scan3A_22 = %scan3A_11 to %scan3A_13 step %scan3A_14  : i32 {
      %dma_wait3A = arith.constant 0 : i32
      %dma_wait3A_23 = tpu.memref_slice %arg6[%scan3A_22, %dma_wait3A] : memref<200x128xf32, #tpu.memory_space<vmem>> -> memref<1x128xf32, #tpu.memory_space<vmem>>
      %dma_wait3A_24 = tpu.memref_squeeze %dma_wait3A_23 : memref<1x128xf32, #tpu.memory_space<vmem>> -> memref<128xf32, #tpu.memory_space<vmem>>
      %dma_wait3A_25 = arith.constant 0 : i32
      %dma_wait3A_26 = tpu.memref_slice %arg7[%scan3A_22, %dma_wait3A_25] : memref<200x128xi32, #tpu.memory_space<vmem>> -> memref<1x128xi32, #tpu.memory_space<vmem>>
      %dma_wait3A_27 = tpu.memref_squeeze %dma_wait3A_26 : memref<1x128xi32, #tpu.memory_space<vmem>> -> memref<128xi32, #tpu.memory_space<vmem>>
      %dma_wait3A_28 = arith.constant 0 : i32
      %dma_wait3A_29 = tpu.memref_slice %arg8[%dma_wait3A_28] : memref<3200xf32, #tpu.memory_space<vmem_shared>> -> memref<3200xf32, #tpu.memory_space<vmem_shared>>
      tpu.wait_indirect_dma semaphore(%arg9 : memref<!tpu.dma_semaphore, #tpu.memory_space<semaphore_mem>>) src(%dma_wait3A_24 : memref<128xf32, #tpu.memory_space<vmem>>) dst(%dma_wait3A_29 : memref<3200xf32, #tpu.memory_space<vmem_shared>>)
    }
    %scan3A_15 = arith.constant 200 : i32
    %barrier3A_16 = arith.constant 0 : index
    tpu.barrier barrier_id(%barrier3A_16)
    %eq3A_17 = arith.constant 0 : i32
    %eq3A_18 = arith.cmpi eq, %arg1, %eq3A_17 : i32
    %convert_element_type3A_19 = arith.extui %eq3A_18 : i1 to i32
    %cond3A_20 = arith.constant 0 : i32
    %cond3A_21 = arith.cmpi ne, %convert_element_type3A_19, %cond3A_20 : i32
    scf.if %cond3A_21 {
      "tpu.region"() ({
        %run_scoped3A = tpu.sem_alloc : memref<!tpu.dma_semaphore, #tpu.memory_space<semaphore_mem>>
        %dma_start3A = arith.constant 0 : i32
        %dma_start3A_22 = tpu.memref_slice %arg5[%arg0, %dma_start3A] : memref<2x3200xf32, #tpu.memory_space<hbm>> -> memref<1x3200xf32, #tpu.memory_space<hbm>>
        %dma_start3A_23 = tpu.memref_squeeze %dma_start3A_22 : memref<1x3200xf32, #tpu.memory_space<hbm>> -> memref<3200xf32, #tpu.memory_space<hbm>>
        tpu.enqueue_dma source(%arg8 : memref<3200xf32, #tpu.memory_space<vmem_shared>>) target(%dma_start3A_23 : memref<3200xf32, #tpu.memory_space<hbm>>) target_semaphore(%run_scoped3A : memref<!tpu.dma_semaphore, #tpu.memory_space<semaphore_mem>>)
        %dma_wait3A = arith.constant 0 : i32
        %dma_wait3A_24 = tpu.memref_slice %arg5[%arg0, %dma_wait3A] : memref<2x3200xf32, #tpu.memory_space<hbm>> -> memref<1x3200xf32, #tpu.memory_space<hbm>>
        %dma_wait3A_25 = tpu.memref_squeeze %dma_wait3A_24 : memref<1x3200xf32, #tpu.memory_space<hbm>> -> memref<3200xf32, #tpu.memory_space<hbm>>
        tpu.wait_dma2 semaphore(%run_scoped3A : memref<!tpu.dma_semaphore, #tpu.memory_space<semaphore_mem>>) src(%arg8 : memref<3200xf32, #tpu.memory_space<vmem_shared>>) dst(%dma_wait3A_25 : memref<3200xf32, #tpu.memory_space<hbm>>)
        tpu.yield
      }) : () -> ()
    } else {
    }
    return
  }
}

module attributes {stable_mosaic.version = 14 : i64} {
  func.func @_final_body(%arg0: memref<2x3200xf32, #tpu.memory_space<vmem>>, %arg1: memref<1x3200xf32, #tpu.memory_space<vmem>>, %arg2: memref<1x3200xi32, #tpu.memory_space<vmem>>, %arg3: memref<1x1xf32, #tpu.memory_space<vmem>>) attributes {dimension_semantics = [], scalar_prefetch = 0 : i64, scratch_operands = 0 : i64, tpu.core_type = #tpu.core_type<tc>} {
    %get3A = arith.constant 0 : index
    %get3A_0 = arith.constant 0 : index
    %get3A_1 = vector.load %arg1[%get3A, %get3A_0] : memref<1x3200xf32, #tpu.memory_space<vmem>>, vector<1x3200xf32>
    %get3A_2 = arith.constant 0 : index
    %get3A_3 = arith.constant 0 : index
    %get3A_4 = vector.load %arg0[%get3A_2, %get3A_3] : memref<2x3200xf32, #tpu.memory_space<vmem>>, vector<1x3200xf32>
    %get3A_5 = arith.constant 1 : index
    %get3A_6 = arith.constant 0 : index
    %get3A_7 = vector.load %arg0[%get3A_5, %get3A_6] : memref<2x3200xf32, #tpu.memory_space<vmem>>, vector<1x3200xf32>
    %add3A = arith.addf %get3A_4, %get3A_7 : vector<1x3200xf32>
    %exp3A = math.exp %add3A : vector<1x3200xf32>
    %get3A_8 = arith.constant 0 : index
    %get3A_9 = arith.constant 0 : index
    %get3A_10 = vector.load %arg2[%get3A_8, %get3A_9] : memref<1x3200xi32, #tpu.memory_space<vmem>>, vector<1x3200xi32>
    %broadcast_in_dim3A = arith.constant 0.000000e+00 : f32
    %broadcast_in_dim3A_11 = vector.broadcast %broadcast_in_dim3A : f32 to vector<1x3200xf32>
    %eq3A = arith.constant 0 : i32
    %eq3A_12 = vector.broadcast %eq3A : i32 to vector<1x3200xi32>
    %eq3A_13 = arith.cmpi eq, %get3A_10, %eq3A_12 : vector<1x3200xi32>
    %jit3A = arith.constant 0.000000e+00 : f32
    %broadcast_in_dim3A_14 = vector.broadcast %jit3A : f32 to vector<1x3200xf32>
    %select_n3A = arith.select %eq3A_13, %exp3A, %broadcast_in_dim3A_14 : vector<1x3200xi1>, vector<1x3200xf32>
    %reduce_sum3A = vector.shape_cast %select_n3A : vector<1x3200xf32> to vector<1x1x3200xf32>
    %reduce_sum3A_15 = arith.constant dense<0.000000e+00> : vector<1xf32>
    %reduce_sum3A_16 = vector.multi_reduction <add>, %reduce_sum3A, %reduce_sum3A_15 [1, 2] : vector<1x1x3200xf32> to vector<1xf32>
    %reduce_sum3A_17 = vector.shape_cast %reduce_sum3A_16 : vector<1xf32> to vector<1x1x1xf32>
    %reduce_sum3A_18 = vector.extract %reduce_sum3A_17[0, 0, 0] : f32 from vector<1x1x1xf32>
    %broadcast_in_dim3A_19 = vector.broadcast %reduce_sum3A_18 : f32 to vector<1x3200xf32>
    %select_n3A_20 = arith.select %eq3A_13, %broadcast_in_dim3A_19, %broadcast_in_dim3A_11 : vector<1x3200xi1>, vector<1x3200xf32>
    %eq3A_21 = arith.constant 1 : i32
    %eq3A_22 = vector.broadcast %eq3A_21 : i32 to vector<1x3200xi32>
    %eq3A_23 = arith.cmpi eq, %get3A_10, %eq3A_22 : vector<1x3200xi32>
    %jit3A_24 = arith.constant 0.000000e+00 : f32
    %broadcast_in_dim3A_25 = vector.broadcast %jit3A_24 : f32 to vector<1x3200xf32>
    %select_n3A_26 = arith.select %eq3A_23, %exp3A, %broadcast_in_dim3A_25 : vector<1x3200xi1>, vector<1x3200xf32>
    %reduce_sum3A_27 = vector.shape_cast %select_n3A_26 : vector<1x3200xf32> to vector<1x1x3200xf32>
    %reduce_sum3A_28 = arith.constant dense<0.000000e+00> : vector<1xf32>
    %reduce_sum3A_29 = vector.multi_reduction <add>, %reduce_sum3A_27, %reduce_sum3A_28 [1, 2] : vector<1x1x3200xf32> to vector<1xf32>
    %reduce_sum3A_30 = vector.shape_cast %reduce_sum3A_29 : vector<1xf32> to vector<1x1x1xf32>
    %reduce_sum3A_31 = vector.extract %reduce_sum3A_30[0, 0, 0] : f32 from vector<1x1x1xf32>
    %broadcast_in_dim3A_32 = vector.broadcast %reduce_sum3A_31 : f32 to vector<1x3200xf32>
    %select_n3A_33 = arith.select %eq3A_23, %broadcast_in_dim3A_32, %select_n3A_20 : vector<1x3200xi1>, vector<1x3200xf32>
    %eq3A_34 = arith.constant 2 : i32
    %eq3A_35 = vector.broadcast %eq3A_34 : i32 to vector<1x3200xi32>
    %eq3A_36 = arith.cmpi eq, %get3A_10, %eq3A_35 : vector<1x3200xi32>
    %jit3A_37 = arith.constant 0.000000e+00 : f32
    %broadcast_in_dim3A_38 = vector.broadcast %jit3A_37 : f32 to vector<1x3200xf32>
    %select_n3A_39 = arith.select %eq3A_36, %exp3A, %broadcast_in_dim3A_38 : vector<1x3200xi1>, vector<1x3200xf32>
    %reduce_sum3A_40 = vector.shape_cast %select_n3A_39 : vector<1x3200xf32> to vector<1x1x3200xf32>
    %reduce_sum3A_41 = arith.constant dense<0.000000e+00> : vector<1xf32>
    %reduce_sum3A_42 = vector.multi_reduction <add>, %reduce_sum3A_40, %reduce_sum3A_41 [1, 2] : vector<1x1x3200xf32> to vector<1xf32>
    %reduce_sum3A_43 = vector.shape_cast %reduce_sum3A_42 : vector<1xf32> to vector<1x1x1xf32>
    %reduce_sum3A_44 = vector.extract %reduce_sum3A_43[0, 0, 0] : f32 from vector<1x1x1xf32>
    %broadcast_in_dim3A_45 = vector.broadcast %reduce_sum3A_44 : f32 to vector<1x3200xf32>
    %select_n3A_46 = arith.select %eq3A_36, %broadcast_in_dim3A_45, %select_n3A_33 : vector<1x3200xi1>, vector<1x3200xf32>
    %eq3A_47 = arith.constant 3 : i32
    %eq3A_48 = vector.broadcast %eq3A_47 : i32 to vector<1x3200xi32>
    %eq3A_49 = arith.cmpi eq, %get3A_10, %eq3A_48 : vector<1x3200xi32>
    %jit3A_50 = arith.constant 0.000000e+00 : f32
    %broadcast_in_dim3A_51 = vector.broadcast %jit3A_50 : f32 to vector<1x3200xf32>
    %select_n3A_52 = arith.select %eq3A_49, %exp3A, %broadcast_in_dim3A_51 : vector<1x3200xi1>, vector<1x3200xf32>
    %reduce_sum3A_53 = vector.shape_cast %select_n3A_52 : vector<1x3200xf32> to vector<1x1x3200xf32>
    %reduce_sum3A_54 = arith.constant dense<0.000000e+00> : vector<1xf32>
    %reduce_sum3A_55 = vector.multi_reduction <add>, %reduce_sum3A_53, %reduce_sum3A_54 [1, 2] : vector<1x1x3200xf32> to vector<1xf32>
    %reduce_sum3A_56 = vector.shape_cast %reduce_sum3A_55 : vector<1xf32> to vector<1x1x1xf32>
    %reduce_sum3A_57 = vector.extract %reduce_sum3A_56[0, 0, 0] : f32 from vector<1x1x1xf32>
    %broadcast_in_dim3A_58 = vector.broadcast %reduce_sum3A_57 : f32 to vector<1x3200xf32>
    %select_n3A_59 = arith.select %eq3A_49, %broadcast_in_dim3A_58, %select_n3A_46 : vector<1x3200xi1>, vector<1x3200xf32>
    %eq3A_60 = arith.constant 4 : i32
    %eq3A_61 = vector.broadcast %eq3A_60 : i32 to vector<1x3200xi32>
    %eq3A_62 = arith.cmpi eq, %get3A_10, %eq3A_61 : vector<1x3200xi32>
    %jit3A_63 = arith.constant 0.000000e+00 : f32
    %broadcast_in_dim3A_64 = vector.broadcast %jit3A_63 : f32 to vector<1x3200xf32>
    %select_n3A_65 = arith.select %eq3A_62, %exp3A, %broadcast_in_dim3A_64 : vector<1x3200xi1>, vector<1x3200xf32>
    %reduce_sum3A_66 = vector.shape_cast %select_n3A_65 : vector<1x3200xf32> to vector<1x1x3200xf32>
    %reduce_sum3A_67 = arith.constant dense<0.000000e+00> : vector<1xf32>
    %reduce_sum3A_68 = vector.multi_reduction <add>, %reduce_sum3A_66, %reduce_sum3A_67 [1, 2] : vector<1x1x3200xf32> to vector<1xf32>
    %reduce_sum3A_69 = vector.shape_cast %reduce_sum3A_68 : vector<1xf32> to vector<1x1x1xf32>
    %reduce_sum3A_70 = vector.extract %reduce_sum3A_69[0, 0, 0] : f32 from vector<1x1x1xf32>
    %broadcast_in_dim3A_71 = vector.broadcast %reduce_sum3A_70 : f32 to vector<1x3200xf32>
    %select_n3A_72 = arith.select %eq3A_62, %broadcast_in_dim3A_71, %select_n3A_59 : vector<1x3200xi1>, vector<1x3200xf32>
    %eq3A_73 = arith.constant 5 : i32
    %eq3A_74 = vector.broadcast %eq3A_73 : i32 to vector<1x3200xi32>
    %eq3A_75 = arith.cmpi eq, %get3A_10, %eq3A_74 : vector<1x3200xi32>
    %jit3A_76 = arith.constant 0.000000e+00 : f32
    %broadcast_in_dim3A_77 = vector.broadcast %jit3A_76 : f32 to vector<1x3200xf32>
    %select_n3A_78 = arith.select %eq3A_75, %exp3A, %broadcast_in_dim3A_77 : vector<1x3200xi1>, vector<1x3200xf32>
    %reduce_sum3A_79 = vector.shape_cast %select_n3A_78 : vector<1x3200xf32> to vector<1x1x3200xf32>
    %reduce_sum3A_80 = arith.constant dense<0.000000e+00> : vector<1xf32>
    %reduce_sum3A_81 = vector.multi_reduction <add>, %reduce_sum3A_79, %reduce_sum3A_80 [1, 2] : vector<1x1x3200xf32> to vector<1xf32>
    %reduce_sum3A_82 = vector.shape_cast %reduce_sum3A_81 : vector<1xf32> to vector<1x1x1xf32>
    %reduce_sum3A_83 = vector.extract %reduce_sum3A_82[0, 0, 0] : f32 from vector<1x1x1xf32>
    %broadcast_in_dim3A_84 = vector.broadcast %reduce_sum3A_83 : f32 to vector<1x3200xf32>
    %select_n3A_85 = arith.select %eq3A_75, %broadcast_in_dim3A_84, %select_n3A_72 : vector<1x3200xi1>, vector<1x3200xf32>
    %eq3A_86 = arith.constant 6 : i32
    %eq3A_87 = vector.broadcast %eq3A_86 : i32 to vector<1x3200xi32>
    %eq3A_88 = arith.cmpi eq, %get3A_10, %eq3A_87 : vector<1x3200xi32>
    %jit3A_89 = arith.constant 0.000000e+00 : f32
    %broadcast_in_dim3A_90 = vector.broadcast %jit3A_89 : f32 to vector<1x3200xf32>
    %select_n3A_91 = arith.select %eq3A_88, %exp3A, %broadcast_in_dim3A_90 : vector<1x3200xi1>, vector<1x3200xf32>
    %reduce_sum3A_92 = vector.shape_cast %select_n3A_91 : vector<1x3200xf32> to vector<1x1x3200xf32>
    %reduce_sum3A_93 = arith.constant dense<0.000000e+00> : vector<1xf32>
    %reduce_sum3A_94 = vector.multi_reduction <add>, %reduce_sum3A_92, %reduce_sum3A_93 [1, 2] : vector<1x1x3200xf32> to vector<1xf32>
    %reduce_sum3A_95 = vector.shape_cast %reduce_sum3A_94 : vector<1xf32> to vector<1x1x1xf32>
    %reduce_sum3A_96 = vector.extract %reduce_sum3A_95[0, 0, 0] : f32 from vector<1x1x1xf32>
    %broadcast_in_dim3A_97 = vector.broadcast %reduce_sum3A_96 : f32 to vector<1x3200xf32>
    %select_n3A_98 = arith.select %eq3A_88, %broadcast_in_dim3A_97, %select_n3A_85 : vector<1x3200xi1>, vector<1x3200xf32>
    %eq3A_99 = arith.constant 7 : i32
    %eq3A_100 = vector.broadcast %eq3A_99 : i32 to vector<1x3200xi32>
    %eq3A_101 = arith.cmpi eq, %get3A_10, %eq3A_100 : vector<1x3200xi32>
    %jit3A_102 = arith.constant 0.000000e+00 : f32
    %broadcast_in_dim3A_103 = vector.broadcast %jit3A_102 : f32 to vector<1x3200xf32>
    %select_n3A_104 = arith.select %eq3A_101, %exp3A, %broadcast_in_dim3A_103 : vector<1x3200xi1>, vector<1x3200xf32>
    %reduce_sum3A_105 = vector.shape_cast %select_n3A_104 : vector<1x3200xf32> to vector<1x1x3200xf32>
    %reduce_sum3A_106 = arith.constant dense<0.000000e+00> : vector<1xf32>
    %reduce_sum3A_107 = vector.multi_reduction <add>, %reduce_sum3A_105, %reduce_sum3A_106 [1, 2] : vector<1x1x3200xf32> to vector<1xf32>
    %reduce_sum3A_108 = vector.shape_cast %reduce_sum3A_107 : vector<1xf32> to vector<1x1x1xf32>
    %reduce_sum3A_109 = vector.extract %reduce_sum3A_108[0, 0, 0] : f32 from vector<1x1x1xf32>
    %broadcast_in_dim3A_110 = vector.broadcast %reduce_sum3A_109 : f32 to vector<1x3200xf32>
    %select_n3A_111 = arith.select %eq3A_101, %broadcast_in_dim3A_110, %select_n3A_98 : vector<1x3200xi1>, vector<1x3200xf32>
    %eq3A_112 = arith.constant 8 : i32
    %eq3A_113 = vector.broadcast %eq3A_112 : i32 to vector<1x3200xi32>
    %eq3A_114 = arith.cmpi eq, %get3A_10, %eq3A_113 : vector<1x3200xi32>
    %jit3A_115 = arith.constant 0.000000e+00 : f32
    %broadcast_in_dim3A_116 = vector.broadcast %jit3A_115 : f32 to vector<1x3200xf32>
    %select_n3A_117 = arith.select %eq3A_114, %exp3A, %broadcast_in_dim3A_116 : vector<1x3200xi1>, vector<1x3200xf32>
    %reduce_sum3A_118 = vector.shape_cast %select_n3A_117 : vector<1x3200xf32> to vector<1x1x3200xf32>
    %reduce_sum3A_119 = arith.constant dense<0.000000e+00> : vector<1xf32>
    %reduce_sum3A_120 = vector.multi_reduction <add>, %reduce_sum3A_118, %reduce_sum3A_119 [1, 2] : vector<1x1x3200xf32> to vector<1xf32>
    %reduce_sum3A_121 = vector.shape_cast %reduce_sum3A_120 : vector<1xf32> to vector<1x1x1xf32>
    %reduce_sum3A_122 = vector.extract %reduce_sum3A_121[0, 0, 0] : f32 from vector<1x1x1xf32>
    %broadcast_in_dim3A_123 = vector.broadcast %reduce_sum3A_122 : f32 to vector<1x3200xf32>
    %select_n3A_124 = arith.select %eq3A_114, %broadcast_in_dim3A_123, %select_n3A_111 : vector<1x3200xi1>, vector<1x3200xf32>
    %eq3A_125 = arith.constant 9 : i32
    %eq3A_126 = vector.broadcast %eq3A_125 : i32 to vector<1x3200xi32>
    %eq3A_127 = arith.cmpi eq, %get3A_10, %eq3A_126 : vector<1x3200xi32>
    %jit3A_128 = arith.constant 0.000000e+00 : f32
    %broadcast_in_dim3A_129 = vector.broadcast %jit3A_128 : f32 to vector<1x3200xf32>
    %select_n3A_130 = arith.select %eq3A_127, %exp3A, %broadcast_in_dim3A_129 : vector<1x3200xi1>, vector<1x3200xf32>
    %reduce_sum3A_131 = vector.shape_cast %select_n3A_130 : vector<1x3200xf32> to vector<1x1x3200xf32>
    %reduce_sum3A_132 = arith.constant dense<0.000000e+00> : vector<1xf32>
    %reduce_sum3A_133 = vector.multi_reduction <add>, %reduce_sum3A_131, %reduce_sum3A_132 [1, 2] : vector<1x1x3200xf32> to vector<1xf32>
    %reduce_sum3A_134 = vector.shape_cast %reduce_sum3A_133 : vector<1xf32> to vector<1x1x1xf32>
    %reduce_sum3A_135 = vector.extract %reduce_sum3A_134[0, 0, 0] : f32 from vector<1x1x1xf32>
    %broadcast_in_dim3A_136 = vector.broadcast %reduce_sum3A_135 : f32 to vector<1x3200xf32>
    %select_n3A_137 = arith.select %eq3A_127, %broadcast_in_dim3A_136, %select_n3A_124 : vector<1x3200xi1>, vector<1x3200xf32>
    %eq3A_138 = arith.constant 10 : i32
    %eq3A_139 = vector.broadcast %eq3A_138 : i32 to vector<1x3200xi32>
    %eq3A_140 = arith.cmpi eq, %get3A_10, %eq3A_139 : vector<1x3200xi32>
    %jit3A_141 = arith.constant 0.000000e+00 : f32
    %broadcast_in_dim3A_142 = vector.broadcast %jit3A_141 : f32 to vector<1x3200xf32>
    %select_n3A_143 = arith.select %eq3A_140, %exp3A, %broadcast_in_dim3A_142 : vector<1x3200xi1>, vector<1x3200xf32>
    %reduce_sum3A_144 = vector.shape_cast %select_n3A_143 : vector<1x3200xf32> to vector<1x1x3200xf32>
    %reduce_sum3A_145 = arith.constant dense<0.000000e+00> : vector<1xf32>
    %reduce_sum3A_146 = vector.multi_reduction <add>, %reduce_sum3A_144, %reduce_sum3A_145 [1, 2] : vector<1x1x3200xf32> to vector<1xf32>
    %reduce_sum3A_147 = vector.shape_cast %reduce_sum3A_146 : vector<1xf32> to vector<1x1x1xf32>
    %reduce_sum3A_148 = vector.extract %reduce_sum3A_147[0, 0, 0] : f32 from vector<1x1x1xf32>
    %broadcast_in_dim3A_149 = vector.broadcast %reduce_sum3A_148 : f32 to vector<1x3200xf32>
    %select_n3A_150 = arith.select %eq3A_140, %broadcast_in_dim3A_149, %select_n3A_137 : vector<1x3200xi1>, vector<1x3200xf32>
    %eq3A_151 = arith.constant 11 : i32
    %eq3A_152 = vector.broadcast %eq3A_151 : i32 to vector<1x3200xi32>
    %eq3A_153 = arith.cmpi eq, %get3A_10, %eq3A_152 : vector<1x3200xi32>
    %jit3A_154 = arith.constant 0.000000e+00 : f32
    %broadcast_in_dim3A_155 = vector.broadcast %jit3A_154 : f32 to vector<1x3200xf32>
    %select_n3A_156 = arith.select %eq3A_153, %exp3A, %broadcast_in_dim3A_155 : vector<1x3200xi1>, vector<1x3200xf32>
    %reduce_sum3A_157 = vector.shape_cast %select_n3A_156 : vector<1x3200xf32> to vector<1x1x3200xf32>
    %reduce_sum3A_158 = arith.constant dense<0.000000e+00> : vector<1xf32>
    %reduce_sum3A_159 = vector.multi_reduction <add>, %reduce_sum3A_157, %reduce_sum3A_158 [1, 2] : vector<1x1x3200xf32> to vector<1xf32>
    %reduce_sum3A_160 = vector.shape_cast %reduce_sum3A_159 : vector<1xf32> to vector<1x1x1xf32>
    %reduce_sum3A_161 = vector.extract %reduce_sum3A_160[0, 0, 0] : f32 from vector<1x1x1xf32>
    %broadcast_in_dim3A_162 = vector.broadcast %reduce_sum3A_161 : f32 to vector<1x3200xf32>
    %select_n3A_163 = arith.select %eq3A_153, %broadcast_in_dim3A_162, %select_n3A_150 : vector<1x3200xi1>, vector<1x3200xf32>
    %eq3A_164 = arith.constant 12 : i32
    %eq3A_165 = vector.broadcast %eq3A_164 : i32 to vector<1x3200xi32>
    %eq3A_166 = arith.cmpi eq, %get3A_10, %eq3A_165 : vector<1x3200xi32>
    %jit3A_167 = arith.constant 0.000000e+00 : f32
    %broadcast_in_dim3A_168 = vector.broadcast %jit3A_167 : f32 to vector<1x3200xf32>
    %select_n3A_169 = arith.select %eq3A_166, %exp3A, %broadcast_in_dim3A_168 : vector<1x3200xi1>, vector<1x3200xf32>
    %reduce_sum3A_170 = vector.shape_cast %select_n3A_169 : vector<1x3200xf32> to vector<1x1x3200xf32>
    %reduce_sum3A_171 = arith.constant dense<0.000000e+00> : vector<1xf32>
    %reduce_sum3A_172 = vector.multi_reduction <add>, %reduce_sum3A_170, %reduce_sum3A_171 [1, 2] : vector<1x1x3200xf32> to vector<1xf32>
    %reduce_sum3A_173 = vector.shape_cast %reduce_sum3A_172 : vector<1xf32> to vector<1x1x1xf32>
    %reduce_sum3A_174 = vector.extract %reduce_sum3A_173[0, 0, 0] : f32 from vector<1x1x1xf32>
    %broadcast_in_dim3A_175 = vector.broadcast %reduce_sum3A_174 : f32 to vector<1x3200xf32>
    %select_n3A_176 = arith.select %eq3A_166, %broadcast_in_dim3A_175, %select_n3A_163 : vector<1x3200xi1>, vector<1x3200xf32>
    %eq3A_177 = arith.constant 13 : i32
    %eq3A_178 = vector.broadcast %eq3A_177 : i32 to vector<1x3200xi32>
    %eq3A_179 = arith.cmpi eq, %get3A_10, %eq3A_178 : vector<1x3200xi32>
    %jit3A_180 = arith.constant 0.000000e+00 : f32
    %broadcast_in_dim3A_181 = vector.broadcast %jit3A_180 : f32 to vector<1x3200xf32>
    %select_n3A_182 = arith.select %eq3A_179, %exp3A, %broadcast_in_dim3A_181 : vector<1x3200xi1>, vector<1x3200xf32>
    %reduce_sum3A_183 = vector.shape_cast %select_n3A_182 : vector<1x3200xf32> to vector<1x1x3200xf32>
    %reduce_sum3A_184 = arith.constant dense<0.000000e+00> : vector<1xf32>
    %reduce_sum3A_185 = vector.multi_reduction <add>, %reduce_sum3A_183, %reduce_sum3A_184 [1, 2] : vector<1x1x3200xf32> to vector<1xf32>
    %reduce_sum3A_186 = vector.shape_cast %reduce_sum3A_185 : vector<1xf32> to vector<1x1x1xf32>
    %reduce_sum3A_187 = vector.extract %reduce_sum3A_186[0, 0, 0] : f32 from vector<1x1x1xf32>
    %broadcast_in_dim3A_188 = vector.broadcast %reduce_sum3A_187 : f32 to vector<1x3200xf32>
    %select_n3A_189 = arith.select %eq3A_179, %broadcast_in_dim3A_188, %select_n3A_176 : vector<1x3200xi1>, vector<1x3200xf32>
    %eq3A_190 = arith.constant 14 : i32
    %eq3A_191 = vector.broadcast %eq3A_190 : i32 to vector<1x3200xi32>
    %eq3A_192 = arith.cmpi eq, %get3A_10, %eq3A_191 : vector<1x3200xi32>
    %jit3A_193 = arith.constant 0.000000e+00 : f32
    %broadcast_in_dim3A_194 = vector.broadcast %jit3A_193 : f32 to vector<1x3200xf32>
    %select_n3A_195 = arith.select %eq3A_192, %exp3A, %broadcast_in_dim3A_194 : vector<1x3200xi1>, vector<1x3200xf32>
    %reduce_sum3A_196 = vector.shape_cast %select_n3A_195 : vector<1x3200xf32> to vector<1x1x3200xf32>
    %reduce_sum3A_197 = arith.constant dense<0.000000e+00> : vector<1xf32>
    %reduce_sum3A_198 = vector.multi_reduction <add>, %reduce_sum3A_196, %reduce_sum3A_197 [1, 2] : vector<1x1x3200xf32> to vector<1xf32>
    %reduce_sum3A_199 = vector.shape_cast %reduce_sum3A_198 : vector<1xf32> to vector<1x1x1xf32>
    %reduce_sum3A_200 = vector.extract %reduce_sum3A_199[0, 0, 0] : f32 from vector<1x1x1xf32>
    %broadcast_in_dim3A_201 = vector.broadcast %reduce_sum3A_200 : f32 to vector<1x3200xf32>
    %select_n3A_202 = arith.select %eq3A_192, %broadcast_in_dim3A_201, %select_n3A_189 : vector<1x3200xi1>, vector<1x3200xf32>
    %eq3A_203 = arith.constant 15 : i32
    %eq3A_204 = vector.broadcast %eq3A_203 : i32 to vector<1x3200xi32>
    %eq3A_205 = arith.cmpi eq, %get3A_10, %eq3A_204 : vector<1x3200xi32>
    %jit3A_206 = arith.constant 0.000000e+00 : f32
    %broadcast_in_dim3A_207 = vector.broadcast %jit3A_206 : f32 to vector<1x3200xf32>
    %select_n3A_208 = arith.select %eq3A_205, %exp3A, %broadcast_in_dim3A_207 : vector<1x3200xi1>, vector<1x3200xf32>
    %reduce_sum3A_209 = vector.shape_cast %select_n3A_208 : vector<1x3200xf32> to vector<1x1x3200xf32>
    %reduce_sum3A_210 = arith.constant dense<0.000000e+00> : vector<1xf32>
    %reduce_sum3A_211 = vector.multi_reduction <add>, %reduce_sum3A_209, %reduce_sum3A_210 [1, 2] : vector<1x1x3200xf32> to vector<1xf32>
    %reduce_sum3A_212 = vector.shape_cast %reduce_sum3A_211 : vector<1xf32> to vector<1x1x1xf32>
    %reduce_sum3A_213 = vector.extract %reduce_sum3A_212[0, 0, 0] : f32 from vector<1x1x1xf32>
    %broadcast_in_dim3A_214 = vector.broadcast %reduce_sum3A_213 : f32 to vector<1x3200xf32>
    %select_n3A_215 = arith.select %eq3A_205, %broadcast_in_dim3A_214, %select_n3A_202 : vector<1x3200xi1>, vector<1x3200xf32>
    %log3A = math.log %select_n3A_215 : vector<1x3200xf32>
    %sub3A = arith.subf %add3A, %log3A : vector<1x3200xf32>
    %exp3A_216 = math.exp %sub3A : vector<1x3200xf32>
    %mul3A = arith.mulf %exp3A_216, %get3A_1 : vector<1x3200xf32>
    %reduce_sum3A_217 = arith.constant dense<0.000000e+00> : vector<1xf32>
    %reduce_sum3A_218 = vector.multi_reduction <add>, %mul3A, %reduce_sum3A_217 [1] : vector<1x3200xf32> to vector<1xf32>
    %broadcast_in_dim3A_219 = vector.shape_cast %reduce_sum3A_218 : vector<1xf32> to vector<1x1xf32>
    %swap3A = arith.constant 0 : index
    %swap3A_220 = arith.constant 0 : index
    %swap3A_221 = vector.load %arg3[%swap3A, %swap3A_220] : memref<1x1xf32, #tpu.memory_space<vmem>>, vector<1x1xf32>
    tpu.vector_store %arg3[%swap3A, %swap3A_220], %broadcast_in_dim3A_219 {strides = array<i32>} : memref<1x1xf32, #tpu.memory_space<vmem>>, vector<1x1xf32>,
    return
  }
}

module attributes {stable_mosaic.version = 14 : i64} {
  func.func @_dp_body(%arg0: i32, %arg1: memref<16x1x3200xi32, #tpu.memory_space<vmem>>, %arg2: memref<1x3200xi32, #tpu.memory_space<vmem>>, %arg3: memref<1x3200xi32, #tpu.memory_space<vmem>>, %arg4: memref<128x16xi32, #tpu.memory_space<vmem>>, %arg5: memref<1x16xi32, #tpu.memory_space<vmem>>, %arg6: memref<8x128xf32, #tpu.memory_space<vmem>>, %arg7: memref<1x3200xf32, #tpu.memory_space<vmem>>, %arg8: memref<128x3200xi32, #tpu.memory_space<vmem>>, %arg9: memref<8x3200xi32, #tpu.memory_space<vmem>>, %arg10: memref<8x3200xi32, #tpu.memory_space<vmem>>, %arg11: memref<8x3200xi32, #tpu.memory_space<vmem>>, %arg12: memref<8x3200xi32, #tpu.memory_space<vmem>>, %arg13: memref<8x3200xi32, #tpu.memory_space<vmem>>, %arg14: memref<8x3200xi32, #tpu.memory_space<vmem>>) attributes {dimension_semantics = [#tpu.dimension_semantics<arbitrary>], iteration_bounds = array<i64: 8>, scalar_prefetch = 0 : i64, scratch_operands = 7 : i64, tpu.core_type = #tpu.core_type<tc>, window_params = [{transform_indices = @transform_0, window_bounds = array<i64: 16, 1, 3200>}, {pipeline_mode = #tpu.pipeline_mode<synchronous>, transform_indices = @transform_1, window_bounds = array<i64: 1, 3200>}, {pipeline_mode = #tpu.pipeline_mode<synchronous>, transform_indices = @transform_2, window_bounds = array<i64: 1, 3200>}, {pipeline_mode = #tpu.pipeline_mode<synchronous>, transform_indices = @transform_3, window_bounds = array<i64: 128, 16>}, {pipeline_mode = #tpu.pipeline_mode<synchronous>, transform_indices = @transform_4, window_bounds = array<i64: 1, 16>}, {pipeline_mode = #tpu.pipeline_mode<synchronous>, transform_indices = @transform_5, window_bounds = array<i64: 8, 128>}, {pipeline_mode = #tpu.pipeline_mode<synchronous>, transform_indices = @transform_6, window_bounds = array<i64: 1, 3200>}]} {
    %eq3A = arith.constant 0 : i32
    %eq3A_0 = arith.cmpi eq, %arg0, %eq3A : i32
    %convert_element_type3A = arith.extui %eq3A_0 : i1 to i32
    %cond3A = arith.constant 0 : i32
    %cond3A_1 = arith.cmpi ne, %convert_element_type3A, %cond3A : i32
    scf.if %cond3A_1 {
      %get3A_2269 = arith.constant 0 : index
      %get3A_2270 = arith.constant 0 : index
      %get3A_2271 = vector.load %arg2[%get3A_2269, %get3A_2270] : memref<1x3200xi32, #tpu.memory_space<vmem>>, vector<1x3200xi32>
      %broadcast_in_dim3A_2272 = arith.constant 0 : i32
      %broadcast_in_dim3A_2273 = vector.broadcast %broadcast_in_dim3A_2272 : i32 to vector<128x3200xi32>
      %broadcast_in_dim3A_2274 = arith.constant 0 : i32
      %broadcast_in_dim3A_2275 = vector.broadcast %broadcast_in_dim3A_2274 : i32 to vector<1x3200xi32>
      %eq3A_2276 = arith.constant 0 : i32
      %eq3A_2277 = vector.broadcast %eq3A_2276 : i32 to vector<1x3200xi32>
      %eq3A_2278 = arith.cmpi eq, %get3A_2271, %eq3A_2277 : vector<1x3200xi32>
      %get3A_2279 = arith.constant 0 : index
      %get3A_2280 = arith.constant 0 : index
      %get3A_2281 = vector.load %arg4[%get3A_2279, %get3A_2280] : memref<128x16xi32, #tpu.memory_space<vmem>>, vector<128x1xi32>
      %broadcast_in_dim3A_2282 = vector.shape_cast %eq3A_2278 : vector<1x3200xi1> to vector<1x3200xi1>
      %broadcast_in_dim3A_2283 = vector.broadcast %broadcast_in_dim3A_2282 : vector<1x3200xi1> to vector<128x3200xi1>
      %broadcast_in_dim3A_2284 = vector.shape_cast %get3A_2281 : vector<128x1xi32> to vector<128x1xi32>
      %broadcast_in_dim3A_2285 = vector.broadcast %broadcast_in_dim3A_2284 : vector<128x1xi32> to vector<128x3200xi32>
      %select_n3A_2286 = arith.select %broadcast_in_dim3A_2283, %broadcast_in_dim3A_2285, %broadcast_in_dim3A_2273 : vector<128x3200xi1>, vector<128x3200xi32>
      %get3A_2287 = arith.constant 0 : index
      %get3A_2288 = arith.constant 0 : index
      %get3A_2289 = vector.load %arg5[%get3A_2287, %get3A_2288] : memref<1x16xi32, #tpu.memory_space<vmem>>, vector<1x1xi32>
      %get3A_2290 = vector.extract %get3A_2289[0, 0] : i32 from vector<1x1xi32>
      %broadcast_in_dim3A_2291 = vector.broadcast %get3A_2290 : i32 to vector<1x3200xi32>
      %select_n3A_2292 = arith.select %eq3A_2278, %broadcast_in_dim3A_2291, %broadcast_in_dim3A_2275 : vector<1x3200xi1>, vector<1x3200xi32>
      %eq3A_2293 = arith.constant 1 : i32
      %eq3A_2294 = vector.broadcast %eq3A_2293 : i32 to vector<1x3200xi32>
      %eq3A_2295 = arith.cmpi eq, %get3A_2271, %eq3A_2294 : vector<1x3200xi32>
      %get3A_2296 = arith.constant 0 : index
      %get3A_2297 = arith.constant 1 : index
      %get3A_2298 = vector.load %arg4[%get3A_2296, %get3A_2297] : memref<128x16xi32, #tpu.memory_space<vmem>>, vector<128x1xi32>
      %broadcast_in_dim3A_2299 = vector.shape_cast %eq3A_2295 : vector<1x3200xi1> to vector<1x3200xi1>
      %broadcast_in_dim3A_2300 = vector.broadcast %broadcast_in_dim3A_2299 : vector<1x3200xi1> to vector<128x3200xi1>
      %broadcast_in_dim3A_2301 = vector.shape_cast %get3A_2298 : vector<128x1xi32> to vector<128x1xi32>
      %broadcast_in_dim3A_2302 = vector.broadcast %broadcast_in_dim3A_2301 : vector<128x1xi32> to vector<128x3200xi32>
      %select_n3A_2303 = arith.select %broadcast_in_dim3A_2300, %broadcast_in_dim3A_2302, %select_n3A_2286 : vector<128x3200xi1>, vector<128x3200xi32>
      %get3A_2304 = arith.constant 0 : index
      %get3A_2305 = arith.constant 1 : index
      %get3A_2306 = vector.load %arg5[%get3A_2304, %get3A_2305] : memref<1x16xi32, #tpu.memory_space<vmem>>, vector<1x1xi32>
      %get3A_2307 = vector.extract %get3A_2306[0, 0] : i32 from vector<1x1xi32>
      %broadcast_in_dim3A_2308 = vector.broadcast %get3A_2307 : i32 to vector<1x3200xi32>
      %select_n3A_2309 = arith.select %eq3A_2295, %broadcast_in_dim3A_2308, %select_n3A_2292 : vector<1x3200xi1>, vector<1x3200xi32>
      %eq3A_2310 = arith.constant 2 : i32
      %eq3A_2311 = vector.broadcast %eq3A_2310 : i32 to vector<1x3200xi32>
      %eq3A_2312 = arith.cmpi eq, %get3A_2271, %eq3A_2311 : vector<1x3200xi32>
      %get3A_2313 = arith.constant 0 : index
      %get3A_2314 = arith.constant 2 : index
      %get3A_2315 = vector.load %arg4[%get3A_2313, %get3A_2314] : memref<128x16xi32, #tpu.memory_space<vmem>>, vector<128x1xi32>
      %broadcast_in_dim3A_2316 = vector.shape_cast %eq3A_2312 : vector<1x3200xi1> to vector<1x3200xi1>
      %broadcast_in_dim3A_2317 = vector.broadcast %broadcast_in_dim3A_2316 : vector<1x3200xi1> to vector<128x3200xi1>
      %broadcast_in_dim3A_2318 = vector.shape_cast %get3A_2315 : vector<128x1xi32> to vector<128x1xi32>
      %broadcast_in_dim3A_2319 = vector.broadcast %broadcast_in_dim3A_2318 : vector<128x1xi32> to vector<128x3200xi32>
      %select_n3A_2320 = arith.select %broadcast_in_dim3A_2317, %broadcast_in_dim3A_2319, %select_n3A_2303 : vector<128x3200xi1>, vector<128x3200xi32>
      %get3A_2321 = arith.constant 0 : index
      %get3A_2322 = arith.constant 2 : index
      %get3A_2323 = vector.load %arg5[%get3A_2321, %get3A_2322] : memref<1x16xi32, #tpu.memory_space<vmem>>, vector<1x1xi32>
      %get3A_2324 = vector.extract %get3A_2323[0, 0] : i32 from vector<1x1xi32>
      %broadcast_in_dim3A_2325 = vector.broadcast %get3A_2324 : i32 to vector<1x3200xi32>
      %select_n3A_2326 = arith.select %eq3A_2312, %broadcast_in_dim3A_2325, %select_n3A_2309 : vector<1x3200xi1>, vector<1x3200xi32>
      %eq3A_2327 = arith.constant 3 : i32
      %eq3A_2328 = vector.broadcast %eq3A_2327 : i32 to vector<1x3200xi32>
      %eq3A_2329 = arith.cmpi eq, %get3A_2271, %eq3A_2328 : vector<1x3200xi32>
      %get3A_2330 = arith.constant 0 : index
      %get3A_2331 = arith.constant 3 : index
      %get3A_2332 = vector.load %arg4[%get3A_2330, %get3A_2331] : memref<128x16xi32, #tpu.memory_space<vmem>>, vector<128x1xi32>
      %broadcast_in_dim3A_2333 = vector.shape_cast %eq3A_2329 : vector<1x3200xi1> to vector<1x3200xi1>
      %broadcast_in_dim3A_2334 = vector.broadcast %broadcast_in_dim3A_2333 : vector<1x3200xi1> to vector<128x3200xi1>
      %broadcast_in_dim3A_2335 = vector.shape_cast %get3A_2332 : vector<128x1xi32> to vector<128x1xi32>
      %broadcast_in_dim3A_2336 = vector.broadcast %broadcast_in_dim3A_2335 : vector<128x1xi32> to vector<128x3200xi32>
      %select_n3A_2337 = arith.select %broadcast_in_dim3A_2334, %broadcast_in_dim3A_2336, %select_n3A_2320 : vector<128x3200xi1>, vector<128x3200xi32>
      %get3A_2338 = arith.constant 0 : index
      %get3A_2339 = arith.constant 3 : index
      %get3A_2340 = vector.load %arg5[%get3A_2338, %get3A_2339] : memref<1x16xi32, #tpu.memory_space<vmem>>, vector<1x1xi32>
      %get3A_2341 = vector.extract %get3A_2340[0, 0] : i32 from vector<1x1xi32>
      %broadcast_in_dim3A_2342 = vector.broadcast %get3A_2341 : i32 to vector<1x3200xi32>
      %select_n3A_2343 = arith.select %eq3A_2329, %broadcast_in_dim3A_2342, %select_n3A_2326 : vector<1x3200xi1>, vector<1x3200xi32>
      %eq3A_2344 = arith.constant 4 : i32
      %eq3A_2345 = vector.broadcast %eq3A_2344 : i32 to vector<1x3200xi32>
      %eq3A_2346 = arith.cmpi eq, %get3A_2271, %eq3A_2345 : vector<1x3200xi32>
      %get3A_2347 = arith.constant 0 : index
      %get3A_2348 = arith.constant 4 : index
      %get3A_2349 = vector.load %arg4[%get3A_2347, %get3A_2348] : memref<128x16xi32, #tpu.memory_space<vmem>>, vector<128x1xi32>
      %broadcast_in_dim3A_2350 = vector.shape_cast %eq3A_2346 : vector<1x3200xi1> to vector<1x3200xi1>
      %broadcast_in_dim3A_2351 = vector.broadcast %broadcast_in_dim3A_2350 : vector<1x3200xi1> to vector<128x3200xi1>
      %broadcast_in_dim3A_2352 = vector.shape_cast %get3A_2349 : vector<128x1xi32> to vector<128x1xi32>
      %broadcast_in_dim3A_2353 = vector.broadcast %broadcast_in_dim3A_2352 : vector<128x1xi32> to vector<128x3200xi32>
      %select_n3A_2354 = arith.select %broadcast_in_dim3A_2351, %broadcast_in_dim3A_2353, %select_n3A_2337 : vector<128x3200xi1>, vector<128x3200xi32>
      %get3A_2355 = arith.constant 0 : index
      %get3A_2356 = arith.constant 4 : index
      %get3A_2357 = vector.load %arg5[%get3A_2355, %get3A_2356] : memref<1x16xi32, #tpu.memory_space<vmem>>, vector<1x1xi32>
      %get3A_2358 = vector.extract %get3A_2357[0, 0] : i32 from vector<1x1xi32>
      %broadcast_in_dim3A_2359 = vector.broadcast %get3A_2358 : i32 to vector<1x3200xi32>
      %select_n3A_2360 = arith.select %eq3A_2346, %broadcast_in_dim3A_2359, %select_n3A_2343 : vector<1x3200xi1>, vector<1x3200xi32>
      %eq3A_2361 = arith.constant 5 : i32
      %eq3A_2362 = vector.broadcast %eq3A_2361 : i32 to vector<1x3200xi32>
      %eq3A_2363 = arith.cmpi eq, %get3A_2271, %eq3A_2362 : vector<1x3200xi32>
      %get3A_2364 = arith.constant 0 : index
      %get3A_2365 = arith.constant 5 : index
      %get3A_2366 = vector.load %arg4[%get3A_2364, %get3A_2365] : memref<128x16xi32, #tpu.memory_space<vmem>>, vector<128x1xi32>
      %broadcast_in_dim3A_2367 = vector.shape_cast %eq3A_2363 : vector<1x3200xi1> to vector<1x3200xi1>
      %broadcast_in_dim3A_2368 = vector.broadcast %broadcast_in_dim3A_2367 : vector<1x3200xi1> to vector<128x3200xi1>
      %broadcast_in_dim3A_2369 = vector.shape_cast %get3A_2366 : vector<128x1xi32> to vector<128x1xi32>
      %broadcast_in_dim3A_2370 = vector.broadcast %broadcast_in_dim3A_2369 : vector<128x1xi32> to vector<128x3200xi32>
      %select_n3A_2371 = arith.select %broadcast_in_dim3A_2368, %broadcast_in_dim3A_2370, %select_n3A_2354 : vector<128x3200xi1>, vector<128x3200xi32>
      %get3A_2372 = arith.constant 0 : index
      %get3A_2373 = arith.constant 5 : index
      %get3A_2374 = vector.load %arg5[%get3A_2372, %get3A_2373] : memref<1x16xi32, #tpu.memory_space<vmem>>, vector<1x1xi32>
      %get3A_2375 = vector.extract %get3A_2374[0, 0] : i32 from vector<1x1xi32>
      %broadcast_in_dim3A_2376 = vector.broadcast %get3A_2375 : i32 to vector<1x3200xi32>
      %select_n3A_2377 = arith.select %eq3A_2363, %broadcast_in_dim3A_2376, %select_n3A_2360 : vector<1x3200xi1>, vector<1x3200xi32>
      %eq3A_2378 = arith.constant 6 : i32
      %eq3A_2379 = vector.broadcast %eq3A_2378 : i32 to vector<1x3200xi32>
      %eq3A_2380 = arith.cmpi eq, %get3A_2271, %eq3A_2379 : vector<1x3200xi32>
      %get3A_2381 = arith.constant 0 : index
      %get3A_2382 = arith.constant 6 : index
      %get3A_2383 = vector.load %arg4[%get3A_2381, %get3A_2382] : memref<128x16xi32, #tpu.memory_space<vmem>>, vector<128x1xi32>
      %broadcast_in_dim3A_2384 = vector.shape_cast %eq3A_2380 : vector<1x3200xi1> to vector<1x3200xi1>
      %broadcast_in_dim3A_2385 = vector.broadcast %broadcast_in_dim3A_2384 : vector<1x3200xi1> to vector<128x3200xi1>
      %broadcast_in_dim3A_2386 = vector.shape_cast %get3A_2383 : vector<128x1xi32> to vector<128x1xi32>
      %broadcast_in_dim3A_2387 = vector.broadcast %broadcast_in_dim3A_2386 : vector<128x1xi32> to vector<128x3200xi32>
      %select_n3A_2388 = arith.select %broadcast_in_dim3A_2385, %broadcast_in_dim3A_2387, %select_n3A_2371 : vector<128x3200xi1>, vector<128x3200xi32>
      %get3A_2389 = arith.constant 0 : index
      %get3A_2390 = arith.constant 6 : index
      %get3A_2391 = vector.load %arg5[%get3A_2389, %get3A_2390] : memref<1x16xi32, #tpu.memory_space<vmem>>, vector<1x1xi32>
      %get3A_2392 = vector.extract %get3A_2391[0, 0] : i32 from vector<1x1xi32>
      %broadcast_in_dim3A_2393 = vector.broadcast %get3A_2392 : i32 to vector<1x3200xi32>
      %select_n3A_2394 = arith.select %eq3A_2380, %broadcast_in_dim3A_2393, %select_n3A_2377 : vector<1x3200xi1>, vector<1x3200xi32>
      %eq3A_2395 = arith.constant 7 : i32
      %eq3A_2396 = vector.broadcast %eq3A_2395 : i32 to vector<1x3200xi32>
      %eq3A_2397 = arith.cmpi eq, %get3A_2271, %eq3A_2396 : vector<1x3200xi32>
      %get3A_2398 = arith.constant 0 : index
      %get3A_2399 = arith.constant 7 : index
      %get3A_2400 = vector.load %arg4[%get3A_2398, %get3A_2399] : memref<128x16xi32, #tpu.memory_space<vmem>>, vector<128x1xi32>
      %broadcast_in_dim3A_2401 = vector.shape_cast %eq3A_2397 : vector<1x3200xi1> to vector<1x3200xi1>
      %broadcast_in_dim3A_2402 = vector.broadcast %broadcast_in_dim3A_2401 : vector<1x3200xi1> to vector<128x3200xi1>
      %broadcast_in_dim3A_2403 = vector.shape_cast %get3A_2400 : vector<128x1xi32> to vector<128x1xi32>
      %broadcast_in_dim3A_2404 = vector.broadcast %broadcast_in_dim3A_2403 : vector<128x1xi32> to vector<128x3200xi32>
      %select_n3A_2405 = arith.select %broadcast_in_dim3A_2402, %broadcast_in_dim3A_2404, %select_n3A_2388 : vector<128x3200xi1>, vector<128x3200xi32>
      %get3A_2406 = arith.constant 0 : index
      %get3A_2407 = arith.constant 7 : index
      %get3A_2408 = vector.load %arg5[%get3A_2406, %get3A_2407] : memref<1x16xi32, #tpu.memory_space<vmem>>, vector<1x1xi32>
      %get3A_2409 = vector.extract %get3A_2408[0, 0] : i32 from vector<1x1xi32>
      %broadcast_in_dim3A_2410 = vector.broadcast %get3A_2409 : i32 to vector<1x3200xi32>
      %select_n3A_2411 = arith.select %eq3A_2397, %broadcast_in_dim3A_2410, %select_n3A_2394 : vector<1x3200xi1>, vector<1x3200xi32>
      %eq3A_2412 = arith.constant 8 : i32
      %eq3A_2413 = vector.broadcast %eq3A_2412 : i32 to vector<1x3200xi32>
      %eq3A_2414 = arith.cmpi eq, %get3A_2271, %eq3A_2413 : vector<1x3200xi32>
      %get3A_2415 = arith.constant 0 : index
      %get3A_2416 = arith.constant 8 : index
      %get3A_2417 = vector.load %arg4[%get3A_2415, %get3A_2416] : memref<128x16xi32, #tpu.memory_space<vmem>>, vector<128x1xi32>
      %broadcast_in_dim3A_2418 = vector.shape_cast %eq3A_2414 : vector<1x3200xi1> to vector<1x3200xi1>
      %broadcast_in_dim3A_2419 = vector.broadcast %broadcast_in_dim3A_2418 : vector<1x3200xi1> to vector<128x3200xi1>
      %broadcast_in_dim3A_2420 = vector.shape_cast %get3A_2417 : vector<128x1xi32> to vector<128x1xi32>
      %broadcast_in_dim3A_2421 = vector.broadcast %broadcast_in_dim3A_2420 : vector<128x1xi32> to vector<128x3200xi32>
      %select_n3A_2422 = arith.select %broadcast_in_dim3A_2419, %broadcast_in_dim3A_2421, %select_n3A_2405 : vector<128x3200xi1>, vector<128x3200xi32>
      %get3A_2423 = arith.constant 0 : index
      %get3A_2424 = arith.constant 8 : index
      %get3A_2425 = vector.load %arg5[%get3A_2423, %get3A_2424] : memref<1x16xi32, #tpu.memory_space<vmem>>, vector<1x1xi32>
      %get3A_2426 = vector.extract %get3A_2425[0, 0] : i32 from vector<1x1xi32>
      %broadcast_in_dim3A_2427 = vector.broadcast %get3A_2426 : i32 to vector<1x3200xi32>
      %select_n3A_2428 = arith.select %eq3A_2414, %broadcast_in_dim3A_2427, %select_n3A_2411 : vector<1x3200xi1>, vector<1x3200xi32>
      %eq3A_2429 = arith.constant 9 : i32
      %eq3A_2430 = vector.broadcast %eq3A_2429 : i32 to vector<1x3200xi32>
      %eq3A_2431 = arith.cmpi eq, %get3A_2271, %eq3A_2430 : vector<1x3200xi32>
      %get3A_2432 = arith.constant 0 : index
      %get3A_2433 = arith.constant 9 : index
      %get3A_2434 = vector.load %arg4[%get3A_2432, %get3A_2433] : memref<128x16xi32, #tpu.memory_space<vmem>>, vector<128x1xi32>
      %broadcast_in_dim3A_2435 = vector.shape_cast %eq3A_2431 : vector<1x3200xi1> to vector<1x3200xi1>
      %broadcast_in_dim3A_2436 = vector.broadcast %broadcast_in_dim3A_2435 : vector<1x3200xi1> to vector<128x3200xi1>
      %broadcast_in_dim3A_2437 = vector.shape_cast %get3A_2434 : vector<128x1xi32> to vector<128x1xi32>
      %broadcast_in_dim3A_2438 = vector.broadcast %broadcast_in_dim3A_2437 : vector<128x1xi32> to vector<128x3200xi32>
      %select_n3A_2439 = arith.select %broadcast_in_dim3A_2436, %broadcast_in_dim3A_2438, %select_n3A_2422 : vector<128x3200xi1>, vector<128x3200xi32>
      %get3A_2440 = arith.constant 0 : index
      %get3A_2441 = arith.constant 9 : index
      %get3A_2442 = vector.load %arg5[%get3A_2440, %get3A_2441] : memref<1x16xi32, #tpu.memory_space<vmem>>, vector<1x1xi32>
      %get3A_2443 = vector.extract %get3A_2442[0, 0] : i32 from vector<1x1xi32>
      %broadcast_in_dim3A_2444 = vector.broadcast %get3A_2443 : i32 to vector<1x3200xi32>
      %select_n3A_2445 = arith.select %eq3A_2431, %broadcast_in_dim3A_2444, %select_n3A_2428 : vector<1x3200xi1>, vector<1x3200xi32>
      %eq3A_2446 = arith.constant 10 : i32
      %eq3A_2447 = vector.broadcast %eq3A_2446 : i32 to vector<1x3200xi32>
      %eq3A_2448 = arith.cmpi eq, %get3A_2271, %eq3A_2447 : vector<1x3200xi32>
      %get3A_2449 = arith.constant 0 : index
      %get3A_2450 = arith.constant 10 : index
      %get3A_2451 = vector.load %arg4[%get3A_2449, %get3A_2450] : memref<128x16xi32, #tpu.memory_space<vmem>>, vector<128x1xi32>
      %broadcast_in_dim3A_2452 = vector.shape_cast %eq3A_2448 : vector<1x3200xi1> to vector<1x3200xi1>
      %broadcast_in_dim3A_2453 = vector.broadcast %broadcast_in_dim3A_2452 : vector<1x3200xi1> to vector<128x3200xi1>
      %broadcast_in_dim3A_2454 = vector.shape_cast %get3A_2451 : vector<128x1xi32> to vector<128x1xi32>
      %broadcast_in_dim3A_2455 = vector.broadcast %broadcast_in_dim3A_2454 : vector<128x1xi32> to vector<128x3200xi32>
      %select_n3A_2456 = arith.select %broadcast_in_dim3A_2453, %broadcast_in_dim3A_2455, %select_n3A_2439 : vector<128x3200xi1>, vector<128x3200xi32>
      %get3A_2457 = arith.constant 0 : index
      %get3A_2458 = arith.constant 10 : index
      %get3A_2459 = vector.load %arg5[%get3A_2457, %get3A_2458] : memref<1x16xi32, #tpu.memory_space<vmem>>, vector<1x1xi32>
      %get3A_2460 = vector.extract %get3A_2459[0, 0] : i32 from vector<1x1xi32>
      %broadcast_in_dim3A_2461 = vector.broadcast %get3A_2460 : i32 to vector<1x3200xi32>
      %select_n3A_2462 = arith.select %eq3A_2448, %broadcast_in_dim3A_2461, %select_n3A_2445 : vector<1x3200xi1>, vector<1x3200xi32>
      %eq3A_2463 = arith.constant 11 : i32
      %eq3A_2464 = vector.broadcast %eq3A_2463 : i32 to vector<1x3200xi32>
      %eq3A_2465 = arith.cmpi eq, %get3A_2271, %eq3A_2464 : vector<1x3200xi32>
      %get3A_2466 = arith.constant 0 : index
      %get3A_2467 = arith.constant 11 : index
      %get3A_2468 = vector.load %arg4[%get3A_2466, %get3A_2467] : memref<128x16xi32, #tpu.memory_space<vmem>>, vector<128x1xi32>
      %broadcast_in_dim3A_2469 = vector.shape_cast %eq3A_2465 : vector<1x3200xi1> to vector<1x3200xi1>
      %broadcast_in_dim3A_2470 = vector.broadcast %broadcast_in_dim3A_2469 : vector<1x3200xi1> to vector<128x3200xi1>
      %broadcast_in_dim3A_2471 = vector.shape_cast %get3A_2468 : vector<128x1xi32> to vector<128x1xi32>
      %broadcast_in_dim3A_2472 = vector.broadcast %broadcast_in_dim3A_2471 : vector<128x1xi32> to vector<128x3200xi32>
      %select_n3A_2473 = arith.select %broadcast_in_dim3A_2470, %broadcast_in_dim3A_2472, %select_n3A_2456 : vector<128x3200xi1>, vector<128x3200xi32>
      %get3A_2474 = arith.constant 0 : index
      %get3A_2475 = arith.constant 11 : index
      %get3A_2476 = vector.load %arg5[%get3A_2474, %get3A_2475] : memref<1x16xi32, #tpu.memory_space<vmem>>, vector<1x1xi32>
      %get3A_2477 = vector.extract %get3A_2476[0, 0] : i32 from vector<1x1xi32>
      %broadcast_in_dim3A_2478 = vector.broadcast %get3A_2477 : i32 to vector<1x3200xi32>
      %select_n3A_2479 = arith.select %eq3A_2465, %broadcast_in_dim3A_2478, %select_n3A_2462 : vector<1x3200xi1>, vector<1x3200xi32>
      %eq3A_2480 = arith.constant 12 : i32
      %eq3A_2481 = vector.broadcast %eq3A_2480 : i32 to vector<1x3200xi32>
      %eq3A_2482 = arith.cmpi eq, %get3A_2271, %eq3A_2481 : vector<1x3200xi32>
      %get3A_2483 = arith.constant 0 : index
      %get3A_2484 = arith.constant 12 : index
      %get3A_2485 = vector.load %arg4[%get3A_2483, %get3A_2484] : memref<128x16xi32, #tpu.memory_space<vmem>>, vector<128x1xi32>
      %broadcast_in_dim3A_2486 = vector.shape_cast %eq3A_2482 : vector<1x3200xi1> to vector<1x3200xi1>
      %broadcast_in_dim3A_2487 = vector.broadcast %broadcast_in_dim3A_2486 : vector<1x3200xi1> to vector<128x3200xi1>
      %broadcast_in_dim3A_2488 = vector.shape_cast %get3A_2485 : vector<128x1xi32> to vector<128x1xi32>
      %broadcast_in_dim3A_2489 = vector.broadcast %broadcast_in_dim3A_2488 : vector<128x1xi32> to vector<128x3200xi32>
      %select_n3A_2490 = arith.select %broadcast_in_dim3A_2487, %broadcast_in_dim3A_2489, %select_n3A_2473 : vector<128x3200xi1>, vector<128x3200xi32>
      %get3A_2491 = arith.constant 0 : index
      %get3A_2492 = arith.constant 12 : index
      %get3A_2493 = vector.load %arg5[%get3A_2491, %get3A_2492] : memref<1x16xi32, #tpu.memory_space<vmem>>, vector<1x1xi32>
      %get3A_2494 = vector.extract %get3A_2493[0, 0] : i32 from vector<1x1xi32>
      %broadcast_in_dim3A_2495 = vector.broadcast %get3A_2494 : i32 to vector<1x3200xi32>
      %select_n3A_2496 = arith.select %eq3A_2482, %broadcast_in_dim3A_2495, %select_n3A_2479 : vector<1x3200xi1>, vector<1x3200xi32>
      %eq3A_2497 = arith.constant 13 : i32
      %eq3A_2498 = vector.broadcast %eq3A_2497 : i32 to vector<1x3200xi32>
      %eq3A_2499 = arith.cmpi eq, %get3A_2271, %eq3A_2498 : vector<1x3200xi32>
      %get3A_2500 = arith.constant 0 : index
      %get3A_2501 = arith.constant 13 : index
      %get3A_2502 = vector.load %arg4[%get3A_2500, %get3A_2501] : memref<128x16xi32, #tpu.memory_space<vmem>>, vector<128x1xi32>
      %broadcast_in_dim3A_2503 = vector.shape_cast %eq3A_2499 : vector<1x3200xi1> to vector<1x3200xi1>
      %broadcast_in_dim3A_2504 = vector.broadcast %broadcast_in_dim3A_2503 : vector<1x3200xi1> to vector<128x3200xi1>
      %broadcast_in_dim3A_2505 = vector.shape_cast %get3A_2502 : vector<128x1xi32> to vector<128x1xi32>
      %broadcast_in_dim3A_2506 = vector.broadcast %broadcast_in_dim3A_2505 : vector<128x1xi32> to vector<128x3200xi32>
      %select_n3A_2507 = arith.select %broadcast_in_dim3A_2504, %broadcast_in_dim3A_2506, %select_n3A_2490 : vector<128x3200xi1>, vector<128x3200xi32>
      %get3A_2508 = arith.constant 0 : index
      %get3A_2509 = arith.constant 13 : index
      %get3A_2510 = vector.load %arg5[%get3A_2508, %get3A_2509] : memref<1x16xi32, #tpu.memory_space<vmem>>, vector<1x1xi32>
      %get3A_2511 = vector.extract %get3A_2510[0, 0] : i32 from vector<1x1xi32>
      %broadcast_in_dim3A_2512 = vector.broadcast %get3A_2511 : i32 to vector<1x3200xi32>
      %select_n3A_2513 = arith.select %eq3A_2499, %broadcast_in_dim3A_2512, %select_n3A_2496 : vector<1x3200xi1>, vector<1x3200xi32>
      %eq3A_2514 = arith.constant 14 : i32
      %eq3A_2515 = vector.broadcast %eq3A_2514 : i32 to vector<1x3200xi32>
      %eq3A_2516 = arith.cmpi eq, %get3A_2271, %eq3A_2515 : vector<1x3200xi32>
      %get3A_2517 = arith.constant 0 : index
      %get3A_2518 = arith.constant 14 : index
      %get3A_2519 = vector.load %arg4[%get3A_2517, %get3A_2518] : memref<128x16xi32, #tpu.memory_space<vmem>>, vector<128x1xi32>
      %broadcast_in_dim3A_2520 = vector.shape_cast %eq3A_2516 : vector<1x3200xi1> to vector<1x3200xi1>
      %broadcast_in_dim3A_2521 = vector.broadcast %broadcast_in_dim3A_2520 : vector<1x3200xi1> to vector<128x3200xi1>
      %broadcast_in_dim3A_2522 = vector.shape_cast %get3A_2519 : vector<128x1xi32> to vector<128x1xi32>
      %broadcast_in_dim3A_2523 = vector.broadcast %broadcast_in_dim3A_2522 : vector<128x1xi32> to vector<128x3200xi32>
      %select_n3A_2524 = arith.select %broadcast_in_dim3A_2521, %broadcast_in_dim3A_2523, %select_n3A_2507 : vector<128x3200xi1>, vector<128x3200xi32>
      %get3A_2525 = arith.constant 0 : index
      %get3A_2526 = arith.constant 14 : index
      %get3A_2527 = vector.load %arg5[%get3A_2525, %get3A_2526] : memref<1x16xi32, #tpu.memory_space<vmem>>, vector<1x1xi32>
      %get3A_2528 = vector.extract %get3A_2527[0, 0] : i32 from vector<1x1xi32>
      %broadcast_in_dim3A_2529 = vector.broadcast %get3A_2528 : i32 to vector<1x3200xi32>
      %select_n3A_2530 = arith.select %eq3A_2516, %broadcast_in_dim3A_2529, %select_n3A_2513 : vector<1x3200xi1>, vector<1x3200xi32>
      %eq3A_2531 = arith.constant 15 : i32
      %eq3A_2532 = vector.broadcast %eq3A_2531 : i32 to vector<1x3200xi32>
      %eq3A_2533 = arith.cmpi eq, %get3A_2271, %eq3A_2532 : vector<1x3200xi32>
      %get3A_2534 = arith.constant 0 : index
      %get3A_2535 = arith.constant 15 : index
      %get3A_2536 = vector.load %arg4[%get3A_2534, %get3A_2535] : memref<128x16xi32, #tpu.memory_space<vmem>>, vector<128x1xi32>
      %broadcast_in_dim3A_2537 = vector.shape_cast %eq3A_2533 : vector<1x3200xi1> to vector<1x3200xi1>
      %broadcast_in_dim3A_2538 = vector.broadcast %broadcast_in_dim3A_2537 : vector<1x3200xi1> to vector<128x3200xi1>
      %broadcast_in_dim3A_2539 = vector.shape_cast %get3A_2536 : vector<128x1xi32> to vector<128x1xi32>
      %broadcast_in_dim3A_2540 = vector.broadcast %broadcast_in_dim3A_2539 : vector<128x1xi32> to vector<128x3200xi32>
      %select_n3A_2541 = arith.select %broadcast_in_dim3A_2538, %broadcast_in_dim3A_2540, %select_n3A_2524 : vector<128x3200xi1>, vector<128x3200xi32>
      %get3A_2542 = arith.constant 0 : index
      %get3A_2543 = arith.constant 15 : index
      %get3A_2544 = vector.load %arg5[%get3A_2542, %get3A_2543] : memref<1x16xi32, #tpu.memory_space<vmem>>, vector<1x1xi32>
      %get3A_2545 = vector.extract %get3A_2544[0, 0] : i32 from vector<1x1xi32>
      %broadcast_in_dim3A_2546 = vector.broadcast %get3A_2545 : i32 to vector<1x3200xi32>
      %select_n3A_2547 = arith.select %eq3A_2533, %broadcast_in_dim3A_2546, %select_n3A_2530 : vector<1x3200xi1>, vector<1x3200xi32>
      %swap3A_2548 = arith.constant 0 : index
      %swap3A_2549 = arith.constant 0 : index
      %swap3A_2550 = vector.load %arg8[%swap3A_2548, %swap3A_2549] : memref<128x3200xi32, #tpu.memory_space<vmem>>, vector<128x3200xi32>
      tpu.vector_store %arg8[%swap3A_2548, %swap3A_2549], %select_n3A_2541 {strides = array<i32>} : memref<128x3200xi32, #tpu.memory_space<vmem>>, vector<128x3200xi32>,
      %iota3A = tpu.iota {dimensions = array<i32: 0>} : vector<8x3200xi32>
      %sub3A_2551 = arith.constant 1 : i32
      %sub3A_2552 = vector.broadcast %sub3A_2551 : i32 to vector<1x3200xi32>
      %sub3A_2553 = arith.subi %select_n3A_2547, %sub3A_2552 : vector<1x3200xi32>
      %shift_right_arithmetic3A_2554 = arith.constant 4 : i32
      %shift_right_arithmetic3A_2555 = vector.broadcast %shift_right_arithmetic3A_2554 : i32 to vector<1x3200xi32>
      %shift_right_arithmetic3A_2556 = arith.shrsi %sub3A_2553, %shift_right_arithmetic3A_2555 : vector<1x3200xi32>
      %and3A_2557 = arith.constant 15 : i32
      %and3A_2558 = vector.broadcast %and3A_2557 : i32 to vector<1x3200xi32>
      %and3A_2559 = arith.andi %sub3A_2553, %and3A_2558 : vector<1x3200xi32>
      %broadcast_in_dim3A_2560 = arith.constant 1 : i32
      %broadcast_in_dim3A_2561 = vector.broadcast %broadcast_in_dim3A_2560 : i32 to vector<1x3200xi32>
      %shift_left3A_2562 = arith.shli %broadcast_in_dim3A_2561, %and3A_2559 : vector<1x3200xi32>
      %eq3A_2563 = vector.broadcast %shift_right_arithmetic3A_2556 : vector<1x3200xi32> to vector<8x3200xi32>
      %eq3A_2564 = arith.cmpi eq, %iota3A, %eq3A_2563 : vector<8x3200xi32>
      %jit3A_2565 = arith.constant 0 : i32
      %broadcast_in_dim3A_2566 = vector.shape_cast %shift_left3A_2562 : vector<1x3200xi32> to vector<1x3200xi32>
      %broadcast_in_dim3A_2567 = vector.broadcast %broadcast_in_dim3A_2566 : vector<1x3200xi32> to vector<8x3200xi32>
      %broadcast_in_dim3A_2568 = vector.broadcast %jit3A_2565 : i32 to vector<8x3200xi32>
      %select_n3A_2569 = arith.select %eq3A_2564, %broadcast_in_dim3A_2567, %broadcast_in_dim3A_2568 : vector<8x3200xi1>, vector<8x3200xi32>
      %swap3A_2570 = arith.constant 0 : index
      %swap3A_2571 = arith.constant 0 : index
      %swap3A_2572 = vector.load %arg13[%swap3A_2570, %swap3A_2571] : memref<8x3200xi32, #tpu.memory_space<vmem>>, vector<8x3200xi32>
      tpu.vector_store %arg13[%swap3A_2570, %swap3A_2571], %select_n3A_2569 {strides = array<i32>} : memref<8x3200xi32, #tpu.memory_space<vmem>>, vector<8x3200xi32>,
      %eq3A_2573 = arith.constant 0 : i32
      %eq3A_2574 = vector.broadcast %eq3A_2573 : i32 to vector<8x3200xi32>
      %eq3A_2575 = arith.cmpi eq, %iota3A, %eq3A_2574 : vector<8x3200xi32>
      %jit3A_2576 = arith.constant 1 : i32
      %jit3A_2577 = arith.constant 0 : i32
      %broadcast_in_dim3A_2578 = vector.broadcast %jit3A_2576 : i32 to vector<8x3200xi32>
      %broadcast_in_dim3A_2579 = vector.broadcast %jit3A_2577 : i32 to vector<8x3200xi32>
      %select_n3A_2580 = arith.select %eq3A_2575, %broadcast_in_dim3A_2578, %broadcast_in_dim3A_2579 : vector<8x3200xi1>, vector<8x3200xi32>
      %swap3A_2581 = arith.constant 0 : index
      %swap3A_2582 = arith.constant 0 : index
      %swap3A_2583 = vector.load %arg14[%swap3A_2581, %swap3A_2582] : memref<8x3200xi32, #tpu.memory_space<vmem>>, vector<8x3200xi32>
      tpu.vector_store %arg14[%swap3A_2581, %swap3A_2582], %select_n3A_2580 {strides = array<i32>} : memref<8x3200xi32, #tpu.memory_space<vmem>>, vector<8x3200xi32>,
      %eq3A_2584 = arith.constant 0 : i32
      %eq3A_2585 = vector.broadcast %eq3A_2584 : i32 to vector<8x3200xi32>
      %eq3A_2586 = arith.cmpi eq, %iota3A, %eq3A_2585 : vector<8x3200xi32>
      %jit3A_2587 = arith.constant 0 : i32
      %broadcast_in_dim3A_2588 = vector.shape_cast %select_n3A_2547 : vector<1x3200xi32> to vector<1x3200xi32>
      %broadcast_in_dim3A_2589 = vector.broadcast %broadcast_in_dim3A_2588 : vector<1x3200xi32> to vector<8x3200xi32>
      %broadcast_in_dim3A_2590 = vector.broadcast %jit3A_2587 : i32 to vector<8x3200xi32>
      %select_n3A_2591 = arith.select %eq3A_2586, %broadcast_in_dim3A_2589, %broadcast_in_dim3A_2590 : vector<8x3200xi1>, vector<8x3200xi32>
      %swap3A_2592 = arith.constant 0 : index
      %swap3A_2593 = arith.constant 0 : index
      %swap3A_2594 = vector.load %arg11[%swap3A_2592, %swap3A_2593] : memref<8x3200xi32, #tpu.memory_space<vmem>>, vector<8x3200xi32>
      tpu.vector_store %arg11[%swap3A_2592, %swap3A_2593], %select_n3A_2591 {strides = array<i32>} : memref<8x3200xi32, #tpu.memory_space<vmem>>, vector<8x3200xi32>,
      %broadcast_in_dim3A_2595 = arith.constant 0 : i32
      %broadcast_in_dim3A_2596 = vector.broadcast %broadcast_in_dim3A_2595 : i32 to vector<8x3200xi32>
      %swap3A_2597 = arith.constant 0 : index
      %swap3A_2598 = arith.constant 0 : index
      %swap3A_2599 = vector.load %arg12[%swap3A_2597, %swap3A_2598] : memref<8x3200xi32, #tpu.memory_space<vmem>>, vector<8x3200xi32>
      tpu.vector_store %arg12[%swap3A_2597, %swap3A_2598], %broadcast_in_dim3A_2596 {strides = array<i32>} : memref<8x3200xi32, #tpu.memory_space<vmem>>, vector<8x3200xi32>,
      %broadcast_in_dim3A_2600 = arith.constant 65535 : i32
      %broadcast_in_dim3A_2601 = vector.broadcast %broadcast_in_dim3A_2600 : i32 to vector<8x3200xi32>
      %swap3A_2602 = arith.constant 0 : index
      %swap3A_2603 = arith.constant 0 : index
      %swap3A_2604 = vector.load %arg9[%swap3A_2602, %swap3A_2603] : memref<8x3200xi32, #tpu.memory_space<vmem>>, vector<8x3200xi32>
      tpu.vector_store %arg9[%swap3A_2602, %swap3A_2603], %broadcast_in_dim3A_2601 {strides = array<i32>} : memref<8x3200xi32, #tpu.memory_space<vmem>>, vector<8x3200xi32>,
      %broadcast_in_dim3A_2605 = arith.constant 0 : i32
      %broadcast_in_dim3A_2606 = vector.broadcast %broadcast_in_dim3A_2605 : i32 to vector<8x3200xi32>
      %swap3A_2607 = arith.constant 0 : index
      %swap3A_2608 = arith.constant 0 : index
      %swap3A_2609 = vector.load %arg10[%swap3A_2607, %swap3A_2608] : memref<8x3200xi32, #tpu.memory_space<vmem>>, vector<8x3200xi32>
      tpu.vector_store %arg10[%swap3A_2607, %swap3A_2608], %broadcast_in_dim3A_2606 {strides = array<i32>} : memref<8x3200xi32, #tpu.memory_space<vmem>>, vector<8x3200xi32>,
    } else {
    }
    %get3A = arith.constant 0 : index
    %get3A_2 = arith.constant 0 : index
    %get3A_3 = vector.load %arg9[%get3A, %get3A_2] : memref<8x3200xi32, #tpu.memory_space<vmem>>, vector<8x3200xi32>
    %get3A_4 = arith.constant 0 : index
    %get3A_5 = arith.constant 0 : index
    %get3A_6 = vector.load %arg10[%get3A_4, %get3A_5] : memref<8x3200xi32, #tpu.memory_space<vmem>>, vector<8x3200xi32>
    %get3A_7 = arith.constant 0 : index
    %get3A_8 = arith.constant 0 : index
    %get3A_9 = vector.load %arg11[%get3A_7, %get3A_8] : memref<8x3200xi32, #tpu.memory_space<vmem>>, vector<8x3200xi32>
    %get3A_10 = arith.constant 0 : index
    %get3A_11 = arith.constant 0 : index
    %get3A_12 = vector.load %arg12[%get3A_10, %get3A_11] : memref<8x3200xi32, #tpu.memory_space<vmem>>, vector<8x3200xi32>
    %get3A_13 = arith.constant 0 : index
    %get3A_14 = arith.constant 0 : index
    %get3A_15 = vector.load %arg13[%get3A_13, %get3A_14] : memref<8x3200xi32, #tpu.memory_space<vmem>>, vector<8x3200xi32>
    %get3A_16 = arith.constant 0 : index
    %get3A_17 = arith.constant 0 : index
    %get3A_18 = vector.load %arg14[%get3A_16, %get3A_17] : memref<8x3200xi32, #tpu.memory_space<vmem>>, vector<8x3200xi32>
    %get3A_19 = arith.constant 0 : index
    %get3A_20 = arith.constant 0 : index
    %get3A_21 = vector.load %arg8[%get3A_19, %get3A_20] : memref<128x3200xi32, #tpu.memory_space<vmem>>, vector<128x3200xi32>
    %get3A_22 = arith.constant 0 : index
    %get3A_23 = arith.constant 0 : index
    %get3A_24 = vector.load %arg6[%get3A_22, %get3A_23] : memref<8x128xf32, #tpu.memory_space<vmem>>, vector<8x128xf32>
    %get3A_25 = arith.constant 0 : index
    %get3A_26 = arith.constant 0 : index
    %get3A_27 = vector.load %arg3[%get3A_25, %get3A_26] : memref<1x3200xi32, #tpu.memory_space<vmem>>, vector<1x3200xi32>
    %get3A_28 = arith.constant 0 : index
    %get3A_29 = arith.constant 0 : index
    %get3A_30 = arith.constant 0 : index
    %get3A_31 = vector.load %arg1[%get3A_28, %get3A_29, %get3A_30] : memref<16x1x3200xi32, #tpu.memory_space<vmem>>, vector<1x1x3200xi32>
    %get3A_32 = vector.shape_cast %get3A_31 : vector<1x1x3200xi32> to vector<1x3200xi32>
    %eq3A_33 = vector.broadcast %get3A_32 : vector<1x3200xi32> to vector<128x3200xi32>
    %eq3A_34 = arith.cmpi eq, %get3A_21, %eq3A_33 : vector<128x3200xi32>
    %jit3A = arith.constant 1.000000e+00 : f32
    %jit3A_35 = arith.constant 0.000000e+00 : f32
    %broadcast_in_dim3A = vector.broadcast %jit3A : f32 to vector<128x3200xf32>
    %broadcast_in_dim3A_36 = vector.broadcast %jit3A_35 : f32 to vector<128x3200xf32>
    %select_n3A = arith.select %eq3A_34, %broadcast_in_dim3A, %broadcast_in_dim3A_36 : vector<128x3200xi1>, vector<128x3200xf32>
    %dot_general3A = arith.constant dense<0.000000e+00> : vector<8x3200xf32>
    %dot_general3A_37 = tpu.matmul %get3A_24, %select_n3A, %dot_general3A {dimension_numbers = #tpu.dot_dimension_numbers<[1], [0], [0], [1], [0, 0, 1, 1], [], []>, transpose_lhs_hint = false} : vector<8x128xf32>, vector<128x3200xf32>, vector<8x3200xf32> -> vector<8x3200xf32>
    %convert_element_type3A_38 = arith.fptosi %dot_general3A_37 : vector<8x3200xf32> to vector<8x3200xi32>
    %or3A = arith.ori %convert_element_type3A_38, %get3A_6 : vector<8x3200xi32>
    %and3A = arith.andi %convert_element_type3A_38, %get3A_3 : vector<8x3200xi32>
    %add3A = arith.addi %and3A, %get3A_3 : vector<8x3200xi32>
    %shift_right_arithmetic3A = arith.constant 16 : i32
    %shift_right_arithmetic3A_39 = vector.broadcast %shift_right_arithmetic3A : i32 to vector<8x3200xi32>
    %shift_right_arithmetic3A_40 = arith.shrsi %add3A, %shift_right_arithmetic3A_39 : vector<8x3200xi32>
    %and3A_41 = arith.constant 65535 : i32
    %and3A_42 = vector.broadcast %and3A_41 : i32 to vector<8x3200xi32>
    %and3A_43 = arith.andi %add3A, %and3A_42 : vector<8x3200xi32>
    %add3A_44 = arith.constant 1 : i32
    %add3A_45 = vector.broadcast %add3A_44 : i32 to vector<8x3200xi32>
    %add3A_46 = arith.addi %and3A_43, %add3A_45 : vector<8x3200xi32>
    %shift_right_arithmetic3A_47 = arith.constant 16 : i32
    %shift_right_arithmetic3A_48 = vector.broadcast %shift_right_arithmetic3A_47 : i32 to vector<8x3200xi32>
    %shift_right_arithmetic3A_49 = arith.shrsi %add3A_46, %shift_right_arithmetic3A_48 : vector<8x3200xi32>
    %broadcast_in_dim3A_50 = arith.constant 0 : i32
    %broadcast_in_dim3A_51 = vector.broadcast %broadcast_in_dim3A_50 : i32 to vector<1x3200xi32>
    %slice3A = vector.extract_strided_slice %shift_right_arithmetic3A_40 {offsets = [0, 0], sizes = [7, 3200], strides = [1, 1]} : vector<8x3200xi32> to vector<7x3200xi32>
    %concatenate3A = tpu.concatenate %broadcast_in_dim3A_51, %slice3A in 0 : vector<1x3200xi32>, vector<7x3200xi32> -> vector<8x3200xi32>
    %and3A_52 = arith.andi %shift_right_arithmetic3A_49, %concatenate3A : vector<8x3200xi32>
    %or3A_53 = arith.ori %shift_right_arithmetic3A_40, %and3A_52 : vector<8x3200xi32>
    %broadcast_in_dim3A_54 = arith.constant 0 : i32
    %broadcast_in_dim3A_55 = vector.broadcast %broadcast_in_dim3A_54 : i32 to vector<1x3200xi32>
    %slice3A_56 = vector.extract_strided_slice %shift_right_arithmetic3A_49 {offsets = [0, 0], sizes = [7, 3200], strides = [1, 1]} : vector<8x3200xi32> to vector<7x3200xi32>
    %concatenate3A_57 = tpu.concatenate %broadcast_in_dim3A_55, %slice3A_56 in 0 : vector<1x3200xi32>, vector<7x3200xi32> -> vector<8x3200xi32>
    %and3A_58 = arith.andi %shift_right_arithmetic3A_49, %concatenate3A_57 : vector<8x3200xi32>
    %broadcast_in_dim3A_59 = arith.constant 0 : i32
    %broadcast_in_dim3A_60 = vector.broadcast %broadcast_in_dim3A_59 : i32 to vector<2x3200xi32>
    %slice3A_61 = vector.extract_strided_slice %or3A_53 {offsets = [0, 0], sizes = [6, 3200], strides = [1, 1]} : vector<8x3200xi32> to vector<6x3200xi32>
    %concatenate3A_62 = tpu.concatenate %broadcast_in_dim3A_60, %slice3A_61 in 0 : vector<2x3200xi32>, vector<6x3200xi32> -> vector<8x3200xi32>
    %and3A_63 = arith.andi %and3A_58, %concatenate3A_62 : vector<8x3200xi32>
    %or3A_64 = arith.ori %or3A_53, %and3A_63 : vector<8x3200xi32>
    %broadcast_in_dim3A_65 = arith.constant 0 : i32
    %broadcast_in_dim3A_66 = vector.broadcast %broadcast_in_dim3A_65 : i32 to vector<2x3200xi32>
    %slice3A_67 = vector.extract_strided_slice %and3A_58 {offsets = [0, 0], sizes = [6, 3200], strides = [1, 1]} : vector<8x3200xi32> to vector<6x3200xi32>
    %concatenate3A_68 = tpu.concatenate %broadcast_in_dim3A_66, %slice3A_67 in 0 : vector<2x3200xi32>, vector<6x3200xi32> -> vector<8x3200xi32>
    %and3A_69 = arith.andi %and3A_58, %concatenate3A_68 : vector<8x3200xi32>
    %broadcast_in_dim3A_70 = arith.constant 0 : i32
    %broadcast_in_dim3A_71 = vector.broadcast %broadcast_in_dim3A_70 : i32 to vector<4x3200xi32>
    %slice3A_72 = vector.extract_strided_slice %or3A_64 {offsets = [0, 0], sizes = [4, 3200], strides = [1, 1]} : vector<8x3200xi32> to vector<4x3200xi32>
    %concatenate3A_73 = tpu.concatenate %broadcast_in_dim3A_71, %slice3A_72 in 0 : vector<4x3200xi32>, vector<4x3200xi32> -> vector<8x3200xi32>
    %and3A_74 = arith.andi %and3A_69, %concatenate3A_73 : vector<8x3200xi32>
    %or3A_75 = arith.ori %or3A_64, %and3A_74 : vector<8x3200xi32>
    %broadcast_in_dim3A_76 = arith.constant 0 : i32
    %broadcast_in_dim3A_77 = vector.broadcast %broadcast_in_dim3A_76 : i32 to vector<1x3200xi32>
    %slice3A_78 = vector.extract_strided_slice %or3A_75 {offsets = [0, 0], sizes = [7, 3200], strides = [1, 1]} : vector<8x3200xi32> to vector<7x3200xi32>
    %concatenate3A_79 = tpu.concatenate %broadcast_in_dim3A_77, %slice3A_78 in 0 : vector<1x3200xi32>, vector<7x3200xi32> -> vector<8x3200xi32>
    %add3A_80 = arith.addi %and3A_43, %concatenate3A_79 : vector<8x3200xi32>
    %and3A_81 = arith.constant 65535 : i32
    %and3A_82 = vector.broadcast %and3A_81 : i32 to vector<8x3200xi32>
    %and3A_83 = arith.andi %add3A_80, %and3A_82 : vector<8x3200xi32>
    %xor3A = arith.xori %and3A_83, %get3A_3 : vector<8x3200xi32>
    %or3A_84 = arith.ori %xor3A, %convert_element_type3A_38 : vector<8x3200xi32>
    %or3A_85 = arith.ori %or3A_84, %get3A_3 : vector<8x3200xi32>
    %xor3A_86 = arith.constant 65535 : i32
    %xor3A_87 = vector.broadcast %xor3A_86 : i32 to vector<8x3200xi32>
    %xor3A_88 = arith.xori %or3A_85, %xor3A_87 : vector<8x3200xi32>
    %or3A_89 = arith.ori %get3A_6, %xor3A_88 : vector<8x3200xi32>
    %and3A_90 = arith.andi %get3A_3, %or3A_84 : vector<8x3200xi32>
    %and3A_91 = arith.andi %or3A_89, %get3A_15 : vector<8x3200xi32>
    %ne3A = arith.constant 0 : i32
    %ne3A_92 = vector.broadcast %ne3A : i32 to vector<8x3200xi32>
    %ne3A_93 = arith.cmpi ne, %and3A_91, %ne3A_92 : vector<8x3200xi32>
    %jit3A_94 = arith.constant 1 : i32
    %jit3A_95 = arith.constant 0 : i32
    %broadcast_in_dim3A_96 = vector.broadcast %jit3A_94 : i32 to vector<8x3200xi32>
    %broadcast_in_dim3A_97 = vector.broadcast %jit3A_95 : i32 to vector<8x3200xi32>
    %select_n3A_98 = arith.select %ne3A_93, %broadcast_in_dim3A_96, %broadcast_in_dim3A_97 : vector<8x3200xi1>, vector<8x3200xi32>
    %and3A_99 = arith.andi %and3A_90, %get3A_15 : vector<8x3200xi32>
    %ne3A_100 = arith.constant 0 : i32
    %ne3A_101 = vector.broadcast %ne3A_100 : i32 to vector<8x3200xi32>
    %ne3A_102 = arith.cmpi ne, %and3A_99, %ne3A_101 : vector<8x3200xi32>
    %jit3A_103 = arith.constant 1 : i32
    %jit3A_104 = arith.constant 0 : i32
    %broadcast_in_dim3A_105 = vector.broadcast %jit3A_103 : i32 to vector<8x3200xi32>
    %broadcast_in_dim3A_106 = vector.broadcast %jit3A_104 : i32 to vector<8x3200xi32>
    %select_n3A_107 = arith.select %ne3A_102, %broadcast_in_dim3A_105, %broadcast_in_dim3A_106 : vector<8x3200xi1>, vector<8x3200xi32>
    %add3A_108 = arith.addi %get3A_9, %select_n3A_98 : vector<8x3200xi32>
    %sub3A = arith.subi %add3A_108, %select_n3A_107 : vector<8x3200xi32>
    %mul3A = arith.constant 16 : i32
    %mul3A_109 = arith.muli %arg0, %mul3A : i32
    %add3A_110 = arith.constant 0 : i32
    %add3A_111 = arith.addi %mul3A_109, %add3A_110 : i32
    %add3A_112 = arith.constant 1 : i32
    %add3A_113 = arith.addi %add3A_111, %add3A_112 : i32
    %eq3A_114 = vector.broadcast %add3A_113 : i32 to vector<1x3200xi32>
    %eq3A_115 = arith.cmpi eq, %get3A_27, %eq3A_114 : vector<1x3200xi32>
    %broadcast_in_dim3A_116 = vector.shape_cast %eq3A_115 : vector<1x3200xi1> to vector<1x3200xi1>
    %broadcast_in_dim3A_117 = vector.broadcast %broadcast_in_dim3A_116 : vector<1x3200xi1> to vector<8x3200xi1>
    %select_n3A_118 = arith.select %broadcast_in_dim3A_117, %sub3A, %get3A_12 : vector<8x3200xi1>, vector<8x3200xi32>
    %shift_left3A = arith.constant 1 : i32
    %shift_left3A_119 = vector.broadcast %shift_left3A : i32 to vector<8x3200xi32>
    %shift_left3A_120 = arith.shli %or3A_89, %shift_left3A_119 : vector<8x3200xi32>
    %and3A_121 = arith.constant 65535 : i32
    %and3A_122 = vector.broadcast %and3A_121 : i32 to vector<8x3200xi32>
    %and3A_123 = arith.andi %shift_left3A_120, %and3A_122 : vector<8x3200xi32>
    %shift_right_arithmetic3A_124 = arith.constant 15 : i32
    %shift_right_arithmetic3A_125 = vector.broadcast %shift_right_arithmetic3A_124 : i32 to vector<8x3200xi32>
    %shift_right_arithmetic3A_126 = arith.shrsi %or3A_89, %shift_right_arithmetic3A_125 : vector<8x3200xi32>
    %broadcast_in_dim3A_127 = arith.constant 0 : i32
    %broadcast_in_dim3A_128 = vector.broadcast %broadcast_in_dim3A_127 : i32 to vector<1x3200xi32>
    %slice3A_129 = vector.extract_strided_slice %shift_right_arithmetic3A_126 {offsets = [0, 0], sizes = [7, 3200], strides = [1, 1]} : vector<8x3200xi32> to vector<7x3200xi32>
    %concatenate3A_130 = tpu.concatenate %broadcast_in_dim3A_128, %slice3A_129 in 0 : vector<1x3200xi32>, vector<7x3200xi32> -> vector<8x3200xi32>
    %or3A_131 = arith.ori %and3A_123, %concatenate3A_130 : vector<8x3200xi32>
    %or3A_132 = arith.ori %or3A_131, %get3A_18 : vector<8x3200xi32>
    %shift_left3A_133 = arith.constant 1 : i32
    %shift_left3A_134 = vector.broadcast %shift_left3A_133 : i32 to vector<8x3200xi32>
    %shift_left3A_135 = arith.shli %and3A_90, %shift_left3A_134 : vector<8x3200xi32>
    %and3A_136 = arith.constant 65535 : i32
    %and3A_137 = vector.broadcast %and3A_136 : i32 to vector<8x3200xi32>
    %and3A_138 = arith.andi %shift_left3A_135, %and3A_137 : vector<8x3200xi32>
    %shift_right_arithmetic3A_139 = arith.constant 15 : i32
    %shift_right_arithmetic3A_140 = vector.broadcast %shift_right_arithmetic3A_139 : i32 to vector<8x3200xi32>
    %shift_right_arithmetic3A_141 = arith.shrsi %and3A_90, %shift_right_arithmetic3A_140 : vector<8x3200xi32>
    %broadcast_in_dim3A_142 = arith.constant 0 : i32
    %broadcast_in_dim3A_143 = vector.broadcast %broadcast_in_dim3A_142 : i32 to vector<1x3200xi32>
    %slice3A_144 = vector.extract_strided_slice %shift_right_arithmetic3A_141 {offsets = [0, 0], sizes = [7, 3200], strides = [1, 1]} : vector<8x3200xi32> to vector<7x3200xi32>
    %concatenate3A_145 = tpu.concatenate %broadcast_in_dim3A_143, %slice3A_144 in 0 : vector<1x3200xi32>, vector<7x3200xi32> -> vector<8x3200xi32>
    %or3A_146 = arith.ori %and3A_138, %concatenate3A_145 : vector<8x3200xi32>
    %or3A_147 = arith.ori %or3A, %or3A_132 : vector<8x3200xi32>
    %xor3A_148 = arith.constant 65535 : i32
    %xor3A_149 = vector.broadcast %xor3A_148 : i32 to vector<8x3200xi32>
    %xor3A_150 = arith.xori %or3A_147, %xor3A_149 : vector<8x3200xi32>
    %or3A_151 = arith.ori %or3A_146, %xor3A_150 : vector<8x3200xi32>
    %and3A_152 = arith.andi %or3A_132, %or3A : vector<8x3200xi32>
    %get3A_153 = arith.constant 1 : index
    %get3A_154 = arith.constant 0 : index
    %get3A_155 = arith.constant 0 : index
    %get3A_156 = vector.load %arg1[%get3A_153, %get3A_154, %get3A_155] : memref<16x1x3200xi32, #tpu.memory_space<vmem>>, vector<1x1x3200xi32>
    %get3A_157 = vector.shape_cast %get3A_156 : vector<1x1x3200xi32> to vector<1x3200xi32>
    %eq3A_158 = vector.broadcast %get3A_157 : vector<1x3200xi32> to vector<128x3200xi32>
    %eq3A_159 = arith.cmpi eq, %get3A_21, %eq3A_158 : vector<128x3200xi32>
    %jit3A_160 = arith.constant 1.000000e+00 : f32
    %jit3A_161 = arith.constant 0.000000e+00 : f32
    %broadcast_in_dim3A_162 = vector.broadcast %jit3A_160 : f32 to vector<128x3200xf32>
    %broadcast_in_dim3A_163 = vector.broadcast %jit3A_161 : f32 to vector<128x3200xf32>
    %select_n3A_164 = arith.select %eq3A_159, %broadcast_in_dim3A_162, %broadcast_in_dim3A_163 : vector<128x3200xi1>, vector<128x3200xf32>
    %dot_general3A_165 = arith.constant dense<0.000000e+00> : vector<8x3200xf32>
    %dot_general3A_166 = tpu.matmul %get3A_24, %select_n3A_164, %dot_general3A_165 {dimension_numbers = #tpu.dot_dimension_numbers<[1], [0], [0], [1], [0, 0, 1, 1], [], []>, transpose_lhs_hint = false} : vector<8x128xf32>, vector<128x3200xf32>, vector<8x3200xf32> -> vector<8x3200xf32>
    %convert_element_type3A_167 = arith.fptosi %dot_general3A_166 : vector<8x3200xf32> to vector<8x3200xi32>
    %or3A_168 = arith.ori %convert_element_type3A_167, %and3A_152 : vector<8x3200xi32>
    %and3A_169 = arith.andi %convert_element_type3A_167, %or3A_151 : vector<8x3200xi32>
    %add3A_170 = arith.addi %and3A_169, %or3A_151 : vector<8x3200xi32>
    %shift_right_arithmetic3A_171 = arith.constant 16 : i32
    %shift_right_arithmetic3A_172 = vector.broadcast %shift_right_arithmetic3A_171 : i32 to vector<8x3200xi32>
    %shift_right_arithmetic3A_173 = arith.shrsi %add3A_170, %shift_right_arithmetic3A_172 : vector<8x3200xi32>
    %and3A_174 = arith.constant 65535 : i32
    %and3A_175 = vector.broadcast %and3A_174 : i32 to vector<8x3200xi32>
    %and3A_176 = arith.andi %add3A_170, %and3A_175 : vector<8x3200xi32>
    %add3A_177 = arith.constant 1 : i32
    %add3A_178 = vector.broadcast %add3A_177 : i32 to vector<8x3200xi32>
    %add3A_179 = arith.addi %and3A_176, %add3A_178 : vector<8x3200xi32>
    %shift_right_arithmetic3A_180 = arith.constant 16 : i32
    %shift_right_arithmetic3A_181 = vector.broadcast %shift_right_arithmetic3A_180 : i32 to vector<8x3200xi32>
    %shift_right_arithmetic3A_182 = arith.shrsi %add3A_179, %shift_right_arithmetic3A_181 : vector<8x3200xi32>
    %broadcast_in_dim3A_183 = arith.constant 0 : i32
    %broadcast_in_dim3A_184 = vector.broadcast %broadcast_in_dim3A_183 : i32 to vector<1x3200xi32>
    %slice3A_185 = vector.extract_strided_slice %shift_right_arithmetic3A_173 {offsets = [0, 0], sizes = [7, 3200], strides = [1, 1]} : vector<8x3200xi32> to vector<7x3200xi32>
    %concatenate3A_186 = tpu.concatenate %broadcast_in_dim3A_184, %slice3A_185 in 0 : vector<1x3200xi32>, vector<7x3200xi32> -> vector<8x3200xi32>
    %and3A_187 = arith.andi %shift_right_arithmetic3A_182, %concatenate3A_186 : vector<8x3200xi32>
    %or3A_188 = arith.ori %shift_right_arithmetic3A_173, %and3A_187 : vector<8x3200xi32>
    %broadcast_in_dim3A_189 = arith.constant 0 : i32
    %broadcast_in_dim3A_190 = vector.broadcast %broadcast_in_dim3A_189 : i32 to vector<1x3200xi32>
    %slice3A_191 = vector.extract_strided_slice %shift_right_arithmetic3A_182 {offsets = [0, 0], sizes = [7, 3200], strides = [1, 1]} : vector<8x3200xi32> to vector<7x3200xi32>
    %concatenate3A_192 = tpu.concatenate %broadcast_in_dim3A_190, %slice3A_191 in 0 : vector<1x3200xi32>, vector<7x3200xi32> -> vector<8x3200xi32>
    %and3A_193 = arith.andi %shift_right_arithmetic3A_182, %concatenate3A_192 : vector<8x3200xi32>
    %broadcast_in_dim3A_194 = arith.constant 0 : i32
    %broadcast_in_dim3A_195 = vector.broadcast %broadcast_in_dim3A_194 : i32 to vector<2x3200xi32>
    %slice3A_196 = vector.extract_strided_slice %or3A_188 {offsets = [0, 0], sizes = [6, 3200], strides = [1, 1]} : vector<8x3200xi32> to vector<6x3200xi32>
    %concatenate3A_197 = tpu.concatenate %broadcast_in_dim3A_195, %slice3A_196 in 0 : vector<2x3200xi32>, vector<6x3200xi32> -> vector<8x3200xi32>
    %and3A_198 = arith.andi %and3A_193, %concatenate3A_197 : vector<8x3200xi32>
    %or3A_199 = arith.ori %or3A_188, %and3A_198 : vector<8x3200xi32>
    %broadcast_in_dim3A_200 = arith.constant 0 : i32
    %broadcast_in_dim3A_201 = vector.broadcast %broadcast_in_dim3A_200 : i32 to vector<2x3200xi32>
    %slice3A_202 = vector.extract_strided_slice %and3A_193 {offsets = [0, 0], sizes = [6, 3200], strides = [1, 1]} : vector<8x3200xi32> to vector<6x3200xi32>
    %concatenate3A_203 = tpu.concatenate %broadcast_in_dim3A_201, %slice3A_202 in 0 : vector<2x3200xi32>, vector<6x3200xi32> -> vector<8x3200xi32>
    %and3A_204 = arith.andi %and3A_193, %concatenate3A_203 : vector<8x3200xi32>
    %broadcast_in_dim3A_205 = arith.constant 0 : i32
    %broadcast_in_dim3A_206 = vector.broadcast %broadcast_in_dim3A_205 : i32 to vector<4x3200xi32>
    %slice3A_207 = vector.extract_strided_slice %or3A_199 {offsets = [0, 0], sizes = [4, 3200], strides = [1, 1]} : vector<8x3200xi32> to vector<4x3200xi32>
    %concatenate3A_208 = tpu.concatenate %broadcast_in_dim3A_206, %slice3A_207 in 0 : vector<4x3200xi32>, vector<4x3200xi32> -> vector<8x3200xi32>
    %and3A_209 = arith.andi %and3A_204, %concatenate3A_208 : vector<8x3200xi32>
    %or3A_210 = arith.ori %or3A_199, %and3A_209 : vector<8x3200xi32>
    %broadcast_in_dim3A_211 = arith.constant 0 : i32
    %broadcast_in_dim3A_212 = vector.broadcast %broadcast_in_dim3A_211 : i32 to vector<1x3200xi32>
    %slice3A_213 = vector.extract_strided_slice %or3A_210 {offsets = [0, 0], sizes = [7, 3200], strides = [1, 1]} : vector<8x3200xi32> to vector<7x3200xi32>
    %concatenate3A_214 = tpu.concatenate %broadcast_in_dim3A_212, %slice3A_213 in 0 : vector<1x3200xi32>, vector<7x3200xi32> -> vector<8x3200xi32>
    %add3A_215 = arith.addi %and3A_176, %concatenate3A_214 : vector<8x3200xi32>
    %and3A_216 = arith.constant 65535 : i32
    %and3A_217 = vector.broadcast %and3A_216 : i32 to vector<8x3200xi32>
    %and3A_218 = arith.andi %add3A_215, %and3A_217 : vector<8x3200xi32>
    %xor3A_219 = arith.xori %and3A_218, %or3A_151 : vector<8x3200xi32>
    %or3A_220 = arith.ori %xor3A_219, %convert_element_type3A_167 : vector<8x3200xi32>
    %or3A_221 = arith.ori %or3A_220, %or3A_151 : vector<8x3200xi32>
    %xor3A_222 = arith.constant 65535 : i32
    %xor3A_223 = vector.broadcast %xor3A_222 : i32 to vector<8x3200xi32>
    %xor3A_224 = arith.xori %or3A_221, %xor3A_223 : vector<8x3200xi32>
    %or3A_225 = arith.ori %and3A_152, %xor3A_224 : vector<8x3200xi32>
    %and3A_226 = arith.andi %or3A_151, %or3A_220 : vector<8x3200xi32>
    %and3A_227 = arith.andi %or3A_225, %get3A_15 : vector<8x3200xi32>
    %ne3A_228 = arith.constant 0 : i32
    %ne3A_229 = vector.broadcast %ne3A_228 : i32 to vector<8x3200xi32>
    %ne3A_230 = arith.cmpi ne, %and3A_227, %ne3A_229 : vector<8x3200xi32>
    %jit3A_231 = arith.constant 1 : i32
    %jit3A_232 = arith.constant 0 : i32
    %broadcast_in_dim3A_233 = vector.broadcast %jit3A_231 : i32 to vector<8x3200xi32>
    %broadcast_in_dim3A_234 = vector.broadcast %jit3A_232 : i32 to vector<8x3200xi32>
    %select_n3A_235 = arith.select %ne3A_230, %broadcast_in_dim3A_233, %broadcast_in_dim3A_234 : vector<8x3200xi1>, vector<8x3200xi32>
    %and3A_236 = arith.andi %and3A_226, %get3A_15 : vector<8x3200xi32>
    %ne3A_237 = arith.constant 0 : i32
    %ne3A_238 = vector.broadcast %ne3A_237 : i32 to vector<8x3200xi32>
    %ne3A_239 = arith.cmpi ne, %and3A_236, %ne3A_238 : vector<8x3200xi32>
    %jit3A_240 = arith.constant 1 : i32
    %jit3A_241 = arith.constant 0 : i32
    %broadcast_in_dim3A_242 = vector.broadcast %jit3A_240 : i32 to vector<8x3200xi32>
    %broadcast_in_dim3A_243 = vector.broadcast %jit3A_241 : i32 to vector<8x3200xi32>
    %select_n3A_244 = arith.select %ne3A_239, %broadcast_in_dim3A_242, %broadcast_in_dim3A_243 : vector<8x3200xi1>, vector<8x3200xi32>
    %add3A_245 = arith.addi %sub3A, %select_n3A_235 : vector<8x3200xi32>
    %sub3A_246 = arith.subi %add3A_245, %select_n3A_244 : vector<8x3200xi32>
    %mul3A_247 = arith.constant 16 : i32
    %mul3A_248 = arith.muli %arg0, %mul3A_247 : i32
    %add3A_249 = arith.constant 1 : i32
    %add3A_250 = arith.addi %mul3A_248, %add3A_249 : i32
    %add3A_251 = arith.constant 1 : i32
    %add3A_252 = arith.addi %add3A_250, %add3A_251 : i32
    %eq3A_253 = vector.broadcast %add3A_252 : i32 to vector<1x3200xi32>
    %eq3A_254 = arith.cmpi eq, %get3A_27, %eq3A_253 : vector<1x3200xi32>
    %broadcast_in_dim3A_255 = vector.shape_cast %eq3A_254 : vector<1x3200xi1> to vector<1x3200xi1>
    %broadcast_in_dim3A_256 = vector.broadcast %broadcast_in_dim3A_255 : vector<1x3200xi1> to vector<8x3200xi1>
    %select_n3A_257 = arith.select %broadcast_in_dim3A_256, %sub3A_246, %select_n3A_118 : vector<8x3200xi1>, vector<8x3200xi32>
    %shift_left3A_258 = arith.constant 1 : i32
    %shift_left3A_259 = vector.broadcast %shift_left3A_258 : i32 to vector<8x3200xi32>
    %shift_left3A_260 = arith.shli %or3A_225, %shift_left3A_259 : vector<8x3200xi32>
    %and3A_261 = arith.constant 65535 : i32
    %and3A_262 = vector.broadcast %and3A_261 : i32 to vector<8x3200xi32>
    %and3A_263 = arith.andi %shift_left3A_260, %and3A_262 : vector<8x3200xi32>
    %shift_right_arithmetic3A_264 = arith.constant 15 : i32
    %shift_right_arithmetic3A_265 = vector.broadcast %shift_right_arithmetic3A_264 : i32 to vector<8x3200xi32>
    %shift_right_arithmetic3A_266 = arith.shrsi %or3A_225, %shift_right_arithmetic3A_265 : vector<8x3200xi32>
    %broadcast_in_dim3A_267 = arith.constant 0 : i32
    %broadcast_in_dim3A_268 = vector.broadcast %broadcast_in_dim3A_267 : i32 to vector<1x3200xi32>
    %slice3A_269 = vector.extract_strided_slice %shift_right_arithmetic3A_266 {offsets = [0, 0], sizes = [7, 3200], strides = [1, 1]} : vector<8x3200xi32> to vector<7x3200xi32>
    %concatenate3A_270 = tpu.concatenate %broadcast_in_dim3A_268, %slice3A_269 in 0 : vector<1x3200xi32>, vector<7x3200xi32> -> vector<8x3200xi32>
    %or3A_271 = arith.ori %and3A_263, %concatenate3A_270 : vector<8x3200xi32>
    %or3A_272 = arith.ori %or3A_271, %get3A_18 : vector<8x3200xi32>
    %shift_left3A_273 = arith.constant 1 : i32
    %shift_left3A_274 = vector.broadcast %shift_left3A_273 : i32 to vector<8x3200xi32>
    %shift_left3A_275 = arith.shli %and3A_226, %shift_left3A_274 : vector<8x3200xi32>
    %and3A_276 = arith.constant 65535 : i32
    %and3A_277 = vector.broadcast %and3A_276 : i32 to vector<8x3200xi32>
    %and3A_278 = arith.andi %shift_left3A_275, %and3A_277 : vector<8x3200xi32>
    %shift_right_arithmetic3A_279 = arith.constant 15 : i32
    %shift_right_arithmetic3A_280 = vector.broadcast %shift_right_arithmetic3A_279 : i32 to vector<8x3200xi32>
    %shift_right_arithmetic3A_281 = arith.shrsi %and3A_226, %shift_right_arithmetic3A_280 : vector<8x3200xi32>
    %broadcast_in_dim3A_282 = arith.constant 0 : i32
    %broadcast_in_dim3A_283 = vector.broadcast %broadcast_in_dim3A_282 : i32 to vector<1x3200xi32>
    %slice3A_284 = vector.extract_strided_slice %shift_right_arithmetic3A_281 {offsets = [0, 0], sizes = [7, 3200], strides = [1, 1]} : vector<8x3200xi32> to vector<7x3200xi32>
    %concatenate3A_285 = tpu.concatenate %broadcast_in_dim3A_283, %slice3A_284 in 0 : vector<1x3200xi32>, vector<7x3200xi32> -> vector<8x3200xi32>
    %or3A_286 = arith.ori %and3A_278, %concatenate3A_285 : vector<8x3200xi32>
    %or3A_287 = arith.ori %or3A_168, %or3A_272 : vector<8x3200xi32>
    %xor3A_288 = arith.constant 65535 : i32
    %xor3A_289 = vector.broadcast %xor3A_288 : i32 to vector<8x3200xi32>
    %xor3A_290 = arith.xori %or3A_287, %xor3A_289 : vector<8x3200xi32>
    %or3A_291 = arith.ori %or3A_286, %xor3A_290 : vector<8x3200xi32>
    %and3A_292 = arith.andi %or3A_272, %or3A_168 : vector<8x3200xi32>
    %get3A_293 = arith.constant 2 : index
    %get3A_294 = arith.constant 0 : index
    %get3A_295 = arith.constant 0 : index
    %get3A_296 = vector.load %arg1[%get3A_293, %get3A_294, %get3A_295] : memref<16x1x3200xi32, #tpu.memory_space<vmem>>, vector<1x1x3200xi32>
    %get3A_297 = vector.shape_cast %get3A_296 : vector<1x1x3200xi32> to vector<1x3200xi32>
    %eq3A_298 = vector.broadcast %get3A_297 : vector<1x3200xi32> to vector<128x3200xi32>
    %eq3A_299 = arith.cmpi eq, %get3A_21, %eq3A_298 : vector<128x3200xi32>
    %jit3A_300 = arith.constant 1.000000e+00 : f32
    %jit3A_301 = arith.constant 0.000000e+00 : f32
    %broadcast_in_dim3A_302 = vector.broadcast %jit3A_300 : f32 to vector<128x3200xf32>
    %broadcast_in_dim3A_303 = vector.broadcast %jit3A_301 : f32 to vector<128x3200xf32>
    %select_n3A_304 = arith.select %eq3A_299, %broadcast_in_dim3A_302, %broadcast_in_dim3A_303 : vector<128x3200xi1>, vector<128x3200xf32>
    %dot_general3A_305 = arith.constant dense<0.000000e+00> : vector<8x3200xf32>
    %dot_general3A_306 = tpu.matmul %get3A_24, %select_n3A_304, %dot_general3A_305 {dimension_numbers = #tpu.dot_dimension_numbers<[1], [0], [0], [1], [0, 0, 1, 1], [], []>, transpose_lhs_hint = false} : vector<8x128xf32>, vector<128x3200xf32>, vector<8x3200xf32> -> vector<8x3200xf32>
    %convert_element_type3A_307 = arith.fptosi %dot_general3A_306 : vector<8x3200xf32> to vector<8x3200xi32>
    %or3A_308 = arith.ori %convert_element_type3A_307, %and3A_292 : vector<8x3200xi32>
    %and3A_309 = arith.andi %convert_element_type3A_307, %or3A_291 : vector<8x3200xi32>
    %add3A_310 = arith.addi %and3A_309, %or3A_291 : vector<8x3200xi32>
    %shift_right_arithmetic3A_311 = arith.constant 16 : i32
    %shift_right_arithmetic3A_312 = vector.broadcast %shift_right_arithmetic3A_311 : i32 to vector<8x3200xi32>
    %shift_right_arithmetic3A_313 = arith.shrsi %add3A_310, %shift_right_arithmetic3A_312 : vector<8x3200xi32>
    %and3A_314 = arith.constant 65535 : i32
    %and3A_315 = vector.broadcast %and3A_314 : i32 to vector<8x3200xi32>
    %and3A_316 = arith.andi %add3A_310, %and3A_315 : vector<8x3200xi32>
    %add3A_317 = arith.constant 1 : i32
    %add3A_318 = vector.broadcast %add3A_317 : i32 to vector<8x3200xi32>
    %add3A_319 = arith.addi %and3A_316, %add3A_318 : vector<8x3200xi32>
    %shift_right_arithmetic3A_320 = arith.constant 16 : i32
    %shift_right_arithmetic3A_321 = vector.broadcast %shift_right_arithmetic3A_320 : i32 to vector<8x3200xi32>
    %shift_right_arithmetic3A_322 = arith.shrsi %add3A_319, %shift_right_arithmetic3A_321 : vector<8x3200xi32>
    %broadcast_in_dim3A_323 = arith.constant 0 : i32
    %broadcast_in_dim3A_324 = vector.broadcast %broadcast_in_dim3A_323 : i32 to vector<1x3200xi32>
    %slice3A_325 = vector.extract_strided_slice %shift_right_arithmetic3A_313 {offsets = [0, 0], sizes = [7, 3200], strides = [1, 1]} : vector<8x3200xi32> to vector<7x3200xi32>
    %concatenate3A_326 = tpu.concatenate %broadcast_in_dim3A_324, %slice3A_325 in 0 : vector<1x3200xi32>, vector<7x3200xi32> -> vector<8x3200xi32>
    %and3A_327 = arith.andi %shift_right_arithmetic3A_322, %concatenate3A_326 : vector<8x3200xi32>
    %or3A_328 = arith.ori %shift_right_arithmetic3A_313, %and3A_327 : vector<8x3200xi32>
    %broadcast_in_dim3A_329 = arith.constant 0 : i32
    %broadcast_in_dim3A_330 = vector.broadcast %broadcast_in_dim3A_329 : i32 to vector<1x3200xi32>
    %slice3A_331 = vector.extract_strided_slice %shift_right_arithmetic3A_322 {offsets = [0, 0], sizes = [7, 3200], strides = [1, 1]} : vector<8x3200xi32> to vector<7x3200xi32>
    %concatenate3A_332 = tpu.concatenate %broadcast_in_dim3A_330, %slice3A_331 in 0 : vector<1x3200xi32>, vector<7x3200xi32> -> vector<8x3200xi32>
    %and3A_333 = arith.andi %shift_right_arithmetic3A_322, %concatenate3A_332 : vector<8x3200xi32>
    %broadcast_in_dim3A_334 = arith.constant 0 : i32
    %broadcast_in_dim3A_335 = vector.broadcast %broadcast_in_dim3A_334 : i32 to vector<2x3200xi32>
    %slice3A_336 = vector.extract_strided_slice %or3A_328 {offsets = [0, 0], sizes = [6, 3200], strides = [1, 1]} : vector<8x3200xi32> to vector<6x3200xi32>
    %concatenate3A_337 = tpu.concatenate %broadcast_in_dim3A_335, %slice3A_336 in 0 : vector<2x3200xi32>, vector<6x3200xi32> -> vector<8x3200xi32>
    %and3A_338 = arith.andi %and3A_333, %concatenate3A_337 : vector<8x3200xi32>
    %or3A_339 = arith.ori %or3A_328, %and3A_338 : vector<8x3200xi32>
    %broadcast_in_dim3A_340 = arith.constant 0 : i32
    %broadcast_in_dim3A_341 = vector.broadcast %broadcast_in_dim3A_340 : i32 to vector<2x3200xi32>
    %slice3A_342 = vector.extract_strided_slice %and3A_333 {offsets = [0, 0], sizes = [6, 3200], strides = [1, 1]} : vector<8x3200xi32> to vector<6x3200xi32>
    %concatenate3A_343 = tpu.concatenate %broadcast_in_dim3A_341, %slice3A_342 in 0 : vector<2x3200xi32>, vector<6x3200xi32> -> vector<8x3200xi32>
    %and3A_344 = arith.andi %and3A_333, %concatenate3A_343 : vector<8x3200xi32>
    %broadcast_in_dim3A_345 = arith.constant 0 : i32
    %broadcast_in_dim3A_346 = vector.broadcast %broadcast_in_dim3A_345 : i32 to vector<4x3200xi32>
    %slice3A_347 = vector.extract_strided_slice %or3A_339 {offsets = [0, 0], sizes = [4, 3200], strides = [1, 1]} : vector<8x3200xi32> to vector<4x3200xi32>
    %concatenate3A_348 = tpu.concatenate %broadcast_in_dim3A_346, %slice3A_347 in 0 : vector<4x3200xi32>, vector<4x3200xi32> -> vector<8x3200xi32>
    %and3A_349 = arith.andi %and3A_344, %concatenate3A_348 : vector<8x3200xi32>
    %or3A_350 = arith.ori %or3A_339, %and3A_349 : vector<8x3200xi32>
    %broadcast_in_dim3A_351 = arith.constant 0 : i32
    %broadcast_in_dim3A_352 = vector.broadcast %broadcast_in_dim3A_351 : i32 to vector<1x3200xi32>
    %slice3A_353 = vector.extract_strided_slice %or3A_350 {offsets = [0, 0], sizes = [7, 3200], strides = [1, 1]} : vector<8x3200xi32> to vector<7x3200xi32>
    %concatenate3A_354 = tpu.concatenate %broadcast_in_dim3A_352, %slice3A_353 in 0 : vector<1x3200xi32>, vector<7x3200xi32> -> vector<8x3200xi32>
    %add3A_355 = arith.addi %and3A_316, %concatenate3A_354 : vector<8x3200xi32>
    %and3A_356 = arith.constant 65535 : i32
    %and3A_357 = vector.broadcast %and3A_356 : i32 to vector<8x3200xi32>
    %and3A_358 = arith.andi %add3A_355, %and3A_357 : vector<8x3200xi32>
    %xor3A_359 = arith.xori %and3A_358, %or3A_291 : vector<8x3200xi32>
    %or3A_360 = arith.ori %xor3A_359, %convert_element_type3A_307 : vector<8x3200xi32>
    %or3A_361 = arith.ori %or3A_360, %or3A_291 : vector<8x3200xi32>
    %xor3A_362 = arith.constant 65535 : i32
    %xor3A_363 = vector.broadcast %xor3A_362 : i32 to vector<8x3200xi32>
    %xor3A_364 = arith.xori %or3A_361, %xor3A_363 : vector<8x3200xi32>
    %or3A_365 = arith.ori %and3A_292, %xor3A_364 : vector<8x3200xi32>
    %and3A_366 = arith.andi %or3A_291, %or3A_360 : vector<8x3200xi32>
    %and3A_367 = arith.andi %or3A_365, %get3A_15 : vector<8x3200xi32>
    %ne3A_368 = arith.constant 0 : i32
    %ne3A_369 = vector.broadcast %ne3A_368 : i32 to vector<8x3200xi32>
    %ne3A_370 = arith.cmpi ne, %and3A_367, %ne3A_369 : vector<8x3200xi32>
    %jit3A_371 = arith.constant 1 : i32
    %jit3A_372 = arith.constant 0 : i32
    %broadcast_in_dim3A_373 = vector.broadcast %jit3A_371 : i32 to vector<8x3200xi32>
    %broadcast_in_dim3A_374 = vector.broadcast %jit3A_372 : i32 to vector<8x3200xi32>
    %select_n3A_375 = arith.select %ne3A_370, %broadcast_in_dim3A_373, %broadcast_in_dim3A_374 : vector<8x3200xi1>, vector<8x3200xi32>
    %and3A_376 = arith.andi %and3A_366, %get3A_15 : vector<8x3200xi32>
    %ne3A_377 = arith.constant 0 : i32
    %ne3A_378 = vector.broadcast %ne3A_377 : i32 to vector<8x3200xi32>
    %ne3A_379 = arith.cmpi ne, %and3A_376, %ne3A_378 : vector<8x3200xi32>
    %jit3A_380 = arith.constant 1 : i32
    %jit3A_381 = arith.constant 0 : i32
    %broadcast_in_dim3A_382 = vector.broadcast %jit3A_380 : i32 to vector<8x3200xi32>
    %broadcast_in_dim3A_383 = vector.broadcast %jit3A_381 : i32 to vector<8x3200xi32>
    %select_n3A_384 = arith.select %ne3A_379, %broadcast_in_dim3A_382, %broadcast_in_dim3A_383 : vector<8x3200xi1>, vector<8x3200xi32>
    %add3A_385 = arith.addi %sub3A_246, %select_n3A_375 : vector<8x3200xi32>
    %sub3A_386 = arith.subi %add3A_385, %select_n3A_384 : vector<8x3200xi32>
    %mul3A_387 = arith.constant 16 : i32
    %mul3A_388 = arith.muli %arg0, %mul3A_387 : i32
    %add3A_389 = arith.constant 2 : i32
    %add3A_390 = arith.addi %mul3A_388, %add3A_389 : i32
    %add3A_391 = arith.constant 1 : i32
    %add3A_392 = arith.addi %add3A_390, %add3A_391 : i32
    %eq3A_393 = vector.broadcast %add3A_392 : i32 to vector<1x3200xi32>
    %eq3A_394 = arith.cmpi eq, %get3A_27, %eq3A_393 : vector<1x3200xi32>
    %broadcast_in_dim3A_395 = vector.shape_cast %eq3A_394 : vector<1x3200xi1> to vector<1x3200xi1>
    %broadcast_in_dim3A_396 = vector.broadcast %broadcast_in_dim3A_395 : vector<1x3200xi1> to vector<8x3200xi1>
    %select_n3A_397 = arith.select %broadcast_in_dim3A_396, %sub3A_386, %select_n3A_257 : vector<8x3200xi1>, vector<8x3200xi32>
    %shift_left3A_398 = arith.constant 1 : i32
    %shift_left3A_399 = vector.broadcast %shift_left3A_398 : i32 to vector<8x3200xi32>
    %shift_left3A_400 = arith.shli %or3A_365, %shift_left3A_399 : vector<8x3200xi32>
    %and3A_401 = arith.constant 65535 : i32
    %and3A_402 = vector.broadcast %and3A_401 : i32 to vector<8x3200xi32>
    %and3A_403 = arith.andi %shift_left3A_400, %and3A_402 : vector<8x3200xi32>
    %shift_right_arithmetic3A_404 = arith.constant 15 : i32
    %shift_right_arithmetic3A_405 = vector.broadcast %shift_right_arithmetic3A_404 : i32 to vector<8x3200xi32>
    %shift_right_arithmetic3A_406 = arith.shrsi %or3A_365, %shift_right_arithmetic3A_405 : vector<8x3200xi32>
    %broadcast_in_dim3A_407 = arith.constant 0 : i32
    %broadcast_in_dim3A_408 = vector.broadcast %broadcast_in_dim3A_407 : i32 to vector<1x3200xi32>
    %slice3A_409 = vector.extract_strided_slice %shift_right_arithmetic3A_406 {offsets = [0, 0], sizes = [7, 3200], strides = [1, 1]} : vector<8x3200xi32> to vector<7x3200xi32>
    %concatenate3A_410 = tpu.concatenate %broadcast_in_dim3A_408, %slice3A_409 in 0 : vector<1x3200xi32>, vector<7x3200xi32> -> vector<8x3200xi32>
    %or3A_411 = arith.ori %and3A_403, %concatenate3A_410 : vector<8x3200xi32>
    %or3A_412 = arith.ori %or3A_411, %get3A_18 : vector<8x3200xi32>
    %shift_left3A_413 = arith.constant 1 : i32
    %shift_left3A_414 = vector.broadcast %shift_left3A_413 : i32 to vector<8x3200xi32>
    %shift_left3A_415 = arith.shli %and3A_366, %shift_left3A_414 : vector<8x3200xi32>
    %and3A_416 = arith.constant 65535 : i32
    %and3A_417 = vector.broadcast %and3A_416 : i32 to vector<8x3200xi32>
    %and3A_418 = arith.andi %shift_left3A_415, %and3A_417 : vector<8x3200xi32>
    %shift_right_arithmetic3A_419 = arith.constant 15 : i32
    %shift_right_arithmetic3A_420 = vector.broadcast %shift_right_arithmetic3A_419 : i32 to vector<8x3200xi32>
    %shift_right_arithmetic3A_421 = arith.shrsi %and3A_366, %shift_right_arithmetic3A_420 : vector<8x3200xi32>
    %broadcast_in_dim3A_422 = arith.constant 0 : i32
    %broadcast_in_dim3A_423 = vector.broadcast %broadcast_in_dim3A_422 : i32 to vector<1x3200xi32>
    %slice3A_424 = vector.extract_strided_slice %shift_right_arithmetic3A_421 {offsets = [0, 0], sizes = [7, 3200], strides = [1, 1]} : vector<8x3200xi32> to vector<7x3200xi32>
    %concatenate3A_425 = tpu.concatenate %broadcast_in_dim3A_423, %slice3A_424 in 0 : vector<1x3200xi32>, vector<7x3200xi32> -> vector<8x3200xi32>
    %or3A_426 = arith.ori %and3A_418, %concatenate3A_425 : vector<8x3200xi32>
    %or3A_427 = arith.ori %or3A_308, %or3A_412 : vector<8x3200xi32>
    %xor3A_428 = arith.constant 65535 : i32
    %xor3A_429 = vector.broadcast %xor3A_428 : i32 to vector<8x3200xi32>
    %xor3A_430 = arith.xori %or3A_427, %xor3A_429 : vector<8x3200xi32>
    %or3A_431 = arith.ori %or3A_426, %xor3A_430 : vector<8x3200xi32>
    %and3A_432 = arith.andi %or3A_412, %or3A_308 : vector<8x3200xi32>
    %get3A_433 = arith.constant 3 : index
    %get3A_434 = arith.constant 0 : index
    %get3A_435 = arith.constant 0 : index
    %get3A_436 = vector.load %arg1[%get3A_433, %get3A_434, %get3A_435] : memref<16x1x3200xi32, #tpu.memory_space<vmem>>, vector<1x1x3200xi32>
    %get3A_437 = vector.shape_cast %get3A_436 : vector<1x1x3200xi32> to vector<1x3200xi32>
    %eq3A_438 = vector.broadcast %get3A_437 : vector<1x3200xi32> to vector<128x3200xi32>
    %eq3A_439 = arith.cmpi eq, %get3A_21, %eq3A_438 : vector<128x3200xi32>
    %jit3A_440 = arith.constant 1.000000e+00 : f32
    %jit3A_441 = arith.constant 0.000000e+00 : f32
    %broadcast_in_dim3A_442 = vector.broadcast %jit3A_440 : f32 to vector<128x3200xf32>
    %broadcast_in_dim3A_443 = vector.broadcast %jit3A_441 : f32 to vector<128x3200xf32>
    %select_n3A_444 = arith.select %eq3A_439, %broadcast_in_dim3A_442, %broadcast_in_dim3A_443 : vector<128x3200xi1>, vector<128x3200xf32>
    %dot_general3A_445 = arith.constant dense<0.000000e+00> : vector<8x3200xf32>
    %dot_general3A_446 = tpu.matmul %get3A_24, %select_n3A_444, %dot_general3A_445 {dimension_numbers = #tpu.dot_dimension_numbers<[1], [0], [0], [1], [0, 0, 1, 1], [], []>, transpose_lhs_hint = false} : vector<8x128xf32>, vector<128x3200xf32>, vector<8x3200xf32> -> vector<8x3200xf32>
    %convert_element_type3A_447 = arith.fptosi %dot_general3A_446 : vector<8x3200xf32> to vector<8x3200xi32>
    %or3A_448 = arith.ori %convert_element_type3A_447, %and3A_432 : vector<8x3200xi32>
    %and3A_449 = arith.andi %convert_element_type3A_447, %or3A_431 : vector<8x3200xi32>
    %add3A_450 = arith.addi %and3A_449, %or3A_431 : vector<8x3200xi32>
    %shift_right_arithmetic3A_451 = arith.constant 16 : i32
    %shift_right_arithmetic3A_452 = vector.broadcast %shift_right_arithmetic3A_451 : i32 to vector<8x3200xi32>
    %shift_right_arithmetic3A_453 = arith.shrsi %add3A_450, %shift_right_arithmetic3A_452 : vector<8x3200xi32>
    %and3A_454 = arith.constant 65535 : i32
    %and3A_455 = vector.broadcast %and3A_454 : i32 to vector<8x3200xi32>
    %and3A_456 = arith.andi %add3A_450, %and3A_455 : vector<8x3200xi32>
    %add3A_457 = arith.constant 1 : i32
    %add3A_458 = vector.broadcast %add3A_457 : i32 to vector<8x3200xi32>
    %add3A_459 = arith.addi %and3A_456, %add3A_458 : vector<8x3200xi32>
    %shift_right_arithmetic3A_460 = arith.constant 16 : i32
    %shift_right_arithmetic3A_461 = vector.broadcast %shift_right_arithmetic3A_460 : i32 to vector<8x3200xi32>
    %shift_right_arithmetic3A_462 = arith.shrsi %add3A_459, %shift_right_arithmetic3A_461 : vector<8x3200xi32>
    %broadcast_in_dim3A_463 = arith.constant 0 : i32
    %broadcast_in_dim3A_464 = vector.broadcast %broadcast_in_dim3A_463 : i32 to vector<1x3200xi32>
    %slice3A_465 = vector.extract_strided_slice %shift_right_arithmetic3A_453 {offsets = [0, 0], sizes = [7, 3200], strides = [1, 1]} : vector<8x3200xi32> to vector<7x3200xi32>
    %concatenate3A_466 = tpu.concatenate %broadcast_in_dim3A_464, %slice3A_465 in 0 : vector<1x3200xi32>, vector<7x3200xi32> -> vector<8x3200xi32>
    %and3A_467 = arith.andi %shift_right_arithmetic3A_462, %concatenate3A_466 : vector<8x3200xi32>
    %or3A_468 = arith.ori %shift_right_arithmetic3A_453, %and3A_467 : vector<8x3200xi32>
    %broadcast_in_dim3A_469 = arith.constant 0 : i32
    %broadcast_in_dim3A_470 = vector.broadcast %broadcast_in_dim3A_469 : i32 to vector<1x3200xi32>
    %slice3A_471 = vector.extract_strided_slice %shift_right_arithmetic3A_462 {offsets = [0, 0], sizes = [7, 3200], strides = [1, 1]} : vector<8x3200xi32> to vector<7x3200xi32>
    %concatenate3A_472 = tpu.concatenate %broadcast_in_dim3A_470, %slice3A_471 in 0 : vector<1x3200xi32>, vector<7x3200xi32> -> vector<8x3200xi32>
    %and3A_473 = arith.andi %shift_right_arithmetic3A_462, %concatenate3A_472 : vector<8x3200xi32>
    %broadcast_in_dim3A_474 = arith.constant 0 : i32
    %broadcast_in_dim3A_475 = vector.broadcast %broadcast_in_dim3A_474 : i32 to vector<2x3200xi32>
    %slice3A_476 = vector.extract_strided_slice %or3A_468 {offsets = [0, 0], sizes = [6, 3200], strides = [1, 1]} : vector<8x3200xi32> to vector<6x3200xi32>
    %concatenate3A_477 = tpu.concatenate %broadcast_in_dim3A_475, %slice3A_476 in 0 : vector<2x3200xi32>, vector<6x3200xi32> -> vector<8x3200xi32>
    %and3A_478 = arith.andi %and3A_473, %concatenate3A_477 : vector<8x3200xi32>
    %or3A_479 = arith.ori %or3A_468, %and3A_478 : vector<8x3200xi32>
    %broadcast_in_dim3A_480 = arith.constant 0 : i32
    %broadcast_in_dim3A_481 = vector.broadcast %broadcast_in_dim3A_480 : i32 to vector<2x3200xi32>
    %slice3A_482 = vector.extract_strided_slice %and3A_473 {offsets = [0, 0], sizes = [6, 3200], strides = [1, 1]} : vector<8x3200xi32> to vector<6x3200xi32>
    %concatenate3A_483 = tpu.concatenate %broadcast_in_dim3A_481, %slice3A_482 in 0 : vector<2x3200xi32>, vector<6x3200xi32> -> vector<8x3200xi32>
    %and3A_484 = arith.andi %and3A_473, %concatenate3A_483 : vector<8x3200xi32>
    %broadcast_in_dim3A_485 = arith.constant 0 : i32
    %broadcast_in_dim3A_486 = vector.broadcast %broadcast_in_dim3A_485 : i32 to vector<4x3200xi32>
    %slice3A_487 = vector.extract_strided_slice %or3A_479 {offsets = [0, 0], sizes = [4, 3200], strides = [1, 1]} : vector<8x3200xi32> to vector<4x3200xi32>
    %concatenate3A_488 = tpu.concatenate %broadcast_in_dim3A_486, %slice3A_487 in 0 : vector<4x3200xi32>, vector<4x3200xi32> -> vector<8x3200xi32>
    %and3A_489 = arith.andi %and3A_484, %concatenate3A_488 : vector<8x3200xi32>
    %or3A_490 = arith.ori %or3A_479, %and3A_489 : vector<8x3200xi32>
    %broadcast_in_dim3A_491 = arith.constant 0 : i32
    %broadcast_in_dim3A_492 = vector.broadcast %broadcast_in_dim3A_491 : i32 to vector<1x3200xi32>
    %slice3A_493 = vector.extract_strided_slice %or3A_490 {offsets = [0, 0], sizes = [7, 3200], strides = [1, 1]} : vector<8x3200xi32> to vector<7x3200xi32>
    %concatenate3A_494 = tpu.concatenate %broadcast_in_dim3A_492, %slice3A_493 in 0 : vector<1x3200xi32>, vector<7x3200xi32> -> vector<8x3200xi32>
    %add3A_495 = arith.addi %and3A_456, %concatenate3A_494 : vector<8x3200xi32>
    %and3A_496 = arith.constant 65535 : i32
    %and3A_497 = vector.broadcast %and3A_496 : i32 to vector<8x3200xi32>
    %and3A_498 = arith.andi %add3A_495, %and3A_497 : vector<8x3200xi32>
    %xor3A_499 = arith.xori %and3A_498, %or3A_431 : vector<8x3200xi32>
    %or3A_500 = arith.ori %xor3A_499, %convert_element_type3A_447 : vector<8x3200xi32>
    %or3A_501 = arith.ori %or3A_500, %or3A_431 : vector<8x3200xi32>
    %xor3A_502 = arith.constant 65535 : i32
    %xor3A_503 = vector.broadcast %xor3A_502 : i32 to vector<8x3200xi32>
    %xor3A_504 = arith.xori %or3A_501, %xor3A_503 : vector<8x3200xi32>
    %or3A_505 = arith.ori %and3A_432, %xor3A_504 : vector<8x3200xi32>
    %and3A_506 = arith.andi %or3A_431, %or3A_500 : vector<8x3200xi32>
    %and3A_507 = arith.andi %or3A_505, %get3A_15 : vector<8x3200xi32>
    %ne3A_508 = arith.constant 0 : i32
    %ne3A_509 = vector.broadcast %ne3A_508 : i32 to vector<8x3200xi32>
    %ne3A_510 = arith.cmpi ne, %and3A_507, %ne3A_509 : vector<8x3200xi32>
    %jit3A_511 = arith.constant 1 : i32
    %jit3A_512 = arith.constant 0 : i32
    %broadcast_in_dim3A_513 = vector.broadcast %jit3A_511 : i32 to vector<8x3200xi32>
    %broadcast_in_dim3A_514 = vector.broadcast %jit3A_512 : i32 to vector<8x3200xi32>
    %select_n3A_515 = arith.select %ne3A_510, %broadcast_in_dim3A_513, %broadcast_in_dim3A_514 : vector<8x3200xi1>, vector<8x3200xi32>
    %and3A_516 = arith.andi %and3A_506, %get3A_15 : vector<8x3200xi32>
    %ne3A_517 = arith.constant 0 : i32
    %ne3A_518 = vector.broadcast %ne3A_517 : i32 to vector<8x3200xi32>
    %ne3A_519 = arith.cmpi ne, %and3A_516, %ne3A_518 : vector<8x3200xi32>
    %jit3A_520 = arith.constant 1 : i32
    %jit3A_521 = arith.constant 0 : i32
    %broadcast_in_dim3A_522 = vector.broadcast %jit3A_520 : i32 to vector<8x3200xi32>
    %broadcast_in_dim3A_523 = vector.broadcast %jit3A_521 : i32 to vector<8x3200xi32>
    %select_n3A_524 = arith.select %ne3A_519, %broadcast_in_dim3A_522, %broadcast_in_dim3A_523 : vector<8x3200xi1>, vector<8x3200xi32>
    %add3A_525 = arith.addi %sub3A_386, %select_n3A_515 : vector<8x3200xi32>
    %sub3A_526 = arith.subi %add3A_525, %select_n3A_524 : vector<8x3200xi32>
    %mul3A_527 = arith.constant 16 : i32
    %mul3A_528 = arith.muli %arg0, %mul3A_527 : i32
    %add3A_529 = arith.constant 3 : i32
    %add3A_530 = arith.addi %mul3A_528, %add3A_529 : i32
    %add3A_531 = arith.constant 1 : i32
    %add3A_532 = arith.addi %add3A_530, %add3A_531 : i32
    %eq3A_533 = vector.broadcast %add3A_532 : i32 to vector<1x3200xi32>
    %eq3A_534 = arith.cmpi eq, %get3A_27, %eq3A_533 : vector<1x3200xi32>
    %broadcast_in_dim3A_535 = vector.shape_cast %eq3A_534 : vector<1x3200xi1> to vector<1x3200xi1>
    %broadcast_in_dim3A_536 = vector.broadcast %broadcast_in_dim3A_535 : vector<1x3200xi1> to vector<8x3200xi1>
    %select_n3A_537 = arith.select %broadcast_in_dim3A_536, %sub3A_526, %select_n3A_397 : vector<8x3200xi1>, vector<8x3200xi32>
    %shift_left3A_538 = arith.constant 1 : i32
    %shift_left3A_539 = vector.broadcast %shift_left3A_538 : i32 to vector<8x3200xi32>
    %shift_left3A_540 = arith.shli %or3A_505, %shift_left3A_539 : vector<8x3200xi32>
    %and3A_541 = arith.constant 65535 : i32
    %and3A_542 = vector.broadcast %and3A_541 : i32 to vector<8x3200xi32>
    %and3A_543 = arith.andi %shift_left3A_540, %and3A_542 : vector<8x3200xi32>
    %shift_right_arithmetic3A_544 = arith.constant 15 : i32
    %shift_right_arithmetic3A_545 = vector.broadcast %shift_right_arithmetic3A_544 : i32 to vector<8x3200xi32>
    %shift_right_arithmetic3A_546 = arith.shrsi %or3A_505, %shift_right_arithmetic3A_545 : vector<8x3200xi32>
    %broadcast_in_dim3A_547 = arith.constant 0 : i32
    %broadcast_in_dim3A_548 = vector.broadcast %broadcast_in_dim3A_547 : i32 to vector<1x3200xi32>
    %slice3A_549 = vector.extract_strided_slice %shift_right_arithmetic3A_546 {offsets = [0, 0], sizes = [7, 3200], strides = [1, 1]} : vector<8x3200xi32> to vector<7x3200xi32>
    %concatenate3A_550 = tpu.concatenate %broadcast_in_dim3A_548, %slice3A_549 in 0 : vector<1x3200xi32>, vector<7x3200xi32> -> vector<8x3200xi32>
    %or3A_551 = arith.ori %and3A_543, %concatenate3A_550 : vector<8x3200xi32>
    %or3A_552 = arith.ori %or3A_551, %get3A_18 : vector<8x3200xi32>
    %shift_left3A_553 = arith.constant 1 : i32
    %shift_left3A_554 = vector.broadcast %shift_left3A_553 : i32 to vector<8x3200xi32>
    %shift_left3A_555 = arith.shli %and3A_506, %shift_left3A_554 : vector<8x3200xi32>
    %and3A_556 = arith.constant 65535 : i32
    %and3A_557 = vector.broadcast %and3A_556 : i32 to vector<8x3200xi32>
    %and3A_558 = arith.andi %shift_left3A_555, %and3A_557 : vector<8x3200xi32>
    %shift_right_arithmetic3A_559 = arith.constant 15 : i32
    %shift_right_arithmetic3A_560 = vector.broadcast %shift_right_arithmetic3A_559 : i32 to vector<8x3200xi32>
    %shift_right_arithmetic3A_561 = arith.shrsi %and3A_506, %shift_right_arithmetic3A_560 : vector<8x3200xi32>
    %broadcast_in_dim3A_562 = arith.constant 0 : i32
    %broadcast_in_dim3A_563 = vector.broadcast %broadcast_in_dim3A_562 : i32 to vector<1x3200xi32>
    %slice3A_564 = vector.extract_strided_slice %shift_right_arithmetic3A_561 {offsets = [0, 0], sizes = [7, 3200], strides = [1, 1]} : vector<8x3200xi32> to vector<7x3200xi32>
    %concatenate3A_565 = tpu.concatenate %broadcast_in_dim3A_563, %slice3A_564 in 0 : vector<1x3200xi32>, vector<7x3200xi32> -> vector<8x3200xi32>
    %or3A_566 = arith.ori %and3A_558, %concatenate3A_565 : vector<8x3200xi32>
    %or3A_567 = arith.ori %or3A_448, %or3A_552 : vector<8x3200xi32>
    %xor3A_568 = arith.constant 65535 : i32
    %xor3A_569 = vector.broadcast %xor3A_568 : i32 to vector<8x3200xi32>
    %xor3A_570 = arith.xori %or3A_567, %xor3A_569 : vector<8x3200xi32>
    %or3A_571 = arith.ori %or3A_566, %xor3A_570 : vector<8x3200xi32>
    %and3A_572 = arith.andi %or3A_552, %or3A_448 : vector<8x3200xi32>
    %get3A_573 = arith.constant 4 : index
    %get3A_574 = arith.constant 0 : index
    %get3A_575 = arith.constant 0 : index
    %get3A_576 = vector.load %arg1[%get3A_573, %get3A_574, %get3A_575] : memref<16x1x3200xi32, #tpu.memory_space<vmem>>, vector<1x1x3200xi32>
    %get3A_577 = vector.shape_cast %get3A_576 : vector<1x1x3200xi32> to vector<1x3200xi32>
    %eq3A_578 = vector.broadcast %get3A_577 : vector<1x3200xi32> to vector<128x3200xi32>
    %eq3A_579 = arith.cmpi eq, %get3A_21, %eq3A_578 : vector<128x3200xi32>
    %jit3A_580 = arith.constant 1.000000e+00 : f32
    %jit3A_581 = arith.constant 0.000000e+00 : f32
    %broadcast_in_dim3A_582 = vector.broadcast %jit3A_580 : f32 to vector<128x3200xf32>
    %broadcast_in_dim3A_583 = vector.broadcast %jit3A_581 : f32 to vector<128x3200xf32>
    %select_n3A_584 = arith.select %eq3A_579, %broadcast_in_dim3A_582, %broadcast_in_dim3A_583 : vector<128x3200xi1>, vector<128x3200xf32>
    %dot_general3A_585 = arith.constant dense<0.000000e+00> : vector<8x3200xf32>
    %dot_general3A_586 = tpu.matmul %get3A_24, %select_n3A_584, %dot_general3A_585 {dimension_numbers = #tpu.dot_dimension_numbers<[1], [0], [0], [1], [0, 0, 1, 1], [], []>, transpose_lhs_hint = false} : vector<8x128xf32>, vector<128x3200xf32>, vector<8x3200xf32> -> vector<8x3200xf32>
    %convert_element_type3A_587 = arith.fptosi %dot_general3A_586 : vector<8x3200xf32> to vector<8x3200xi32>
    %or3A_588 = arith.ori %convert_element_type3A_587, %and3A_572 : vector<8x3200xi32>
    %and3A_589 = arith.andi %convert_element_type3A_587, %or3A_571 : vector<8x3200xi32>
    %add3A_590 = arith.addi %and3A_589, %or3A_571 : vector<8x3200xi32>
    %shift_right_arithmetic3A_591 = arith.constant 16 : i32
    %shift_right_arithmetic3A_592 = vector.broadcast %shift_right_arithmetic3A_591 : i32 to vector<8x3200xi32>
    %shift_right_arithmetic3A_593 = arith.shrsi %add3A_590, %shift_right_arithmetic3A_592 : vector<8x3200xi32>
    %and3A_594 = arith.constant 65535 : i32
    %and3A_595 = vector.broadcast %and3A_594 : i32 to vector<8x3200xi32>
    %and3A_596 = arith.andi %add3A_590, %and3A_595 : vector<8x3200xi32>
    %add3A_597 = arith.constant 1 : i32
    %add3A_598 = vector.broadcast %add3A_597 : i32 to vector<8x3200xi32>
    %add3A_599 = arith.addi %and3A_596, %add3A_598 : vector<8x3200xi32>
    %shift_right_arithmetic3A_600 = arith.constant 16 : i32
    %shift_right_arithmetic3A_601 = vector.broadcast %shift_right_arithmetic3A_600 : i32 to vector<8x3200xi32>
    %shift_right_arithmetic3A_602 = arith.shrsi %add3A_599, %shift_right_arithmetic3A_601 : vector<8x3200xi32>
    %broadcast_in_dim3A_603 = arith.constant 0 : i32
    %broadcast_in_dim3A_604 = vector.broadcast %broadcast_in_dim3A_603 : i32 to vector<1x3200xi32>
    %slice3A_605 = vector.extract_strided_slice %shift_right_arithmetic3A_593 {offsets = [0, 0], sizes = [7, 3200], strides = [1, 1]} : vector<8x3200xi32> to vector<7x3200xi32>
    %concatenate3A_606 = tpu.concatenate %broadcast_in_dim3A_604, %slice3A_605 in 0 : vector<1x3200xi32>, vector<7x3200xi32> -> vector<8x3200xi32>
    %and3A_607 = arith.andi %shift_right_arithmetic3A_602, %concatenate3A_606 : vector<8x3200xi32>
    %or3A_608 = arith.ori %shift_right_arithmetic3A_593, %and3A_607 : vector<8x3200xi32>
    %broadcast_in_dim3A_609 = arith.constant 0 : i32
    %broadcast_in_dim3A_610 = vector.broadcast %broadcast_in_dim3A_609 : i32 to vector<1x3200xi32>
    %slice3A_611 = vector.extract_strided_slice %shift_right_arithmetic3A_602 {offsets = [0, 0], sizes = [7, 3200], strides = [1, 1]} : vector<8x3200xi32> to vector<7x3200xi32>
    %concatenate3A_612 = tpu.concatenate %broadcast_in_dim3A_610, %slice3A_611 in 0 : vector<1x3200xi32>, vector<7x3200xi32> -> vector<8x3200xi32>
    %and3A_613 = arith.andi %shift_right_arithmetic3A_602, %concatenate3A_612 : vector<8x3200xi32>
    %broadcast_in_dim3A_614 = arith.constant 0 : i32
    %broadcast_in_dim3A_615 = vector.broadcast %broadcast_in_dim3A_614 : i32 to vector<2x3200xi32>
    %slice3A_616 = vector.extract_strided_slice %or3A_608 {offsets = [0, 0], sizes = [6, 3200], strides = [1, 1]} : vector<8x3200xi32> to vector<6x3200xi32>
    %concatenate3A_617 = tpu.concatenate %broadcast_in_dim3A_615, %slice3A_616 in 0 : vector<2x3200xi32>, vector<6x3200xi32> -> vector<8x3200xi32>
    %and3A_618 = arith.andi %and3A_613, %concatenate3A_617 : vector<8x3200xi32>
    %or3A_619 = arith.ori %or3A_608, %and3A_618 : vector<8x3200xi32>
    %broadcast_in_dim3A_620 = arith.constant 0 : i32
    %broadcast_in_dim3A_621 = vector.broadcast %broadcast_in_dim3A_620 : i32 to vector<2x3200xi32>
    %slice3A_622 = vector.extract_strided_slice %and3A_613 {offsets = [0, 0], sizes = [6, 3200], strides = [1, 1]} : vector<8x3200xi32> to vector<6x3200xi32>
    %concatenate3A_623 = tpu.concatenate %broadcast_in_dim3A_621, %slice3A_622 in 0 : vector<2x3200xi32>, vector<6x3200xi32> -> vector<8x3200xi32>
    %and3A_624 = arith.andi %and3A_613, %concatenate3A_623 : vector<8x3200xi32>
    %broadcast_in_dim3A_625 = arith.constant 0 : i32
    %broadcast_in_dim3A_626 = vector.broadcast %broadcast_in_dim3A_625 : i32 to vector<4x3200xi32>
    %slice3A_627 = vector.extract_strided_slice %or3A_619 {offsets = [0, 0], sizes = [4, 3200], strides = [1, 1]} : vector<8x3200xi32> to vector<4x3200xi32>
    %concatenate3A_628 = tpu.concatenate %broadcast_in_dim3A_626, %slice3A_627 in 0 : vector<4x3200xi32>, vector<4x3200xi32> -> vector<8x3200xi32>
    %and3A_629 = arith.andi %and3A_624, %concatenate3A_628 : vector<8x3200xi32>
    %or3A_630 = arith.ori %or3A_619, %and3A_629 : vector<8x3200xi32>
    %broadcast_in_dim3A_631 = arith.constant 0 : i32
    %broadcast_in_dim3A_632 = vector.broadcast %broadcast_in_dim3A_631 : i32 to vector<1x3200xi32>
    %slice3A_633 = vector.extract_strided_slice %or3A_630 {offsets = [0, 0], sizes = [7, 3200], strides = [1, 1]} : vector<8x3200xi32> to vector<7x3200xi32>
    %concatenate3A_634 = tpu.concatenate %broadcast_in_dim3A_632, %slice3A_633 in 0 : vector<1x3200xi32>, vector<7x3200xi32> -> vector<8x3200xi32>
    %add3A_635 = arith.addi %and3A_596, %concatenate3A_634 : vector<8x3200xi32>
    %and3A_636 = arith.constant 65535 : i32
    %and3A_637 = vector.broadcast %and3A_636 : i32 to vector<8x3200xi32>
    %and3A_638 = arith.andi %add3A_635, %and3A_637 : vector<8x3200xi32>
    %xor3A_639 = arith.xori %and3A_638, %or3A_571 : vector<8x3200xi32>
    %or3A_640 = arith.ori %xor3A_639, %convert_element_type3A_587 : vector<8x3200xi32>
    %or3A_641 = arith.ori %or3A_640, %or3A_571 : vector<8x3200xi32>
    %xor3A_642 = arith.constant 65535 : i32
    %xor3A_643 = vector.broadcast %xor3A_642 : i32 to vector<8x3200xi32>
    %xor3A_644 = arith.xori %or3A_641, %xor3A_643 : vector<8x3200xi32>
    %or3A_645 = arith.ori %and3A_572, %xor3A_644 : vector<8x3200xi32>
    %and3A_646 = arith.andi %or3A_571, %or3A_640 : vector<8x3200xi32>
    %and3A_647 = arith.andi %or3A_645, %get3A_15 : vector<8x3200xi32>
    %ne3A_648 = arith.constant 0 : i32
    %ne3A_649 = vector.broadcast %ne3A_648 : i32 to vector<8x3200xi32>
    %ne3A_650 = arith.cmpi ne, %and3A_647, %ne3A_649 : vector<8x3200xi32>
    %jit3A_651 = arith.constant 1 : i32
    %jit3A_652 = arith.constant 0 : i32
    %broadcast_in_dim3A_653 = vector.broadcast %jit3A_651 : i32 to vector<8x3200xi32>
    %broadcast_in_dim3A_654 = vector.broadcast %jit3A_652 : i32 to vector<8x3200xi32>
    %select_n3A_655 = arith.select %ne3A_650, %broadcast_in_dim3A_653, %broadcast_in_dim3A_654 : vector<8x3200xi1>, vector<8x3200xi32>
    %and3A_656 = arith.andi %and3A_646, %get3A_15 : vector<8x3200xi32>
    %ne3A_657 = arith.constant 0 : i32
    %ne3A_658 = vector.broadcast %ne3A_657 : i32 to vector<8x3200xi32>
    %ne3A_659 = arith.cmpi ne, %and3A_656, %ne3A_658 : vector<8x3200xi32>
    %jit3A_660 = arith.constant 1 : i32
    %jit3A_661 = arith.constant 0 : i32
    %broadcast_in_dim3A_662 = vector.broadcast %jit3A_660 : i32 to vector<8x3200xi32>
    %broadcast_in_dim3A_663 = vector.broadcast %jit3A_661 : i32 to vector<8x3200xi32>
    %select_n3A_664 = arith.select %ne3A_659, %broadcast_in_dim3A_662, %broadcast_in_dim3A_663 : vector<8x3200xi1>, vector<8x3200xi32>
    %add3A_665 = arith.addi %sub3A_526, %select_n3A_655 : vector<8x3200xi32>
    %sub3A_666 = arith.subi %add3A_665, %select_n3A_664 : vector<8x3200xi32>
    %mul3A_667 = arith.constant 16 : i32
    %mul3A_668 = arith.muli %arg0, %mul3A_667 : i32
    %add3A_669 = arith.constant 4 : i32
    %add3A_670 = arith.addi %mul3A_668, %add3A_669 : i32
    %add3A_671 = arith.constant 1 : i32
    %add3A_672 = arith.addi %add3A_670, %add3A_671 : i32
    %eq3A_673 = vector.broadcast %add3A_672 : i32 to vector<1x3200xi32>
    %eq3A_674 = arith.cmpi eq, %get3A_27, %eq3A_673 : vector<1x3200xi32>
    %broadcast_in_dim3A_675 = vector.shape_cast %eq3A_674 : vector<1x3200xi1> to vector<1x3200xi1>
    %broadcast_in_dim3A_676 = vector.broadcast %broadcast_in_dim3A_675 : vector<1x3200xi1> to vector<8x3200xi1>
    %select_n3A_677 = arith.select %broadcast_in_dim3A_676, %sub3A_666, %select_n3A_537 : vector<8x3200xi1>, vector<8x3200xi32>
    %shift_left3A_678 = arith.constant 1 : i32
    %shift_left3A_679 = vector.broadcast %shift_left3A_678 : i32 to vector<8x3200xi32>
    %shift_left3A_680 = arith.shli %or3A_645, %shift_left3A_679 : vector<8x3200xi32>
    %and3A_681 = arith.constant 65535 : i32
    %and3A_682 = vector.broadcast %and3A_681 : i32 to vector<8x3200xi32>
    %and3A_683 = arith.andi %shift_left3A_680, %and3A_682 : vector<8x3200xi32>
    %shift_right_arithmetic3A_684 = arith.constant 15 : i32
    %shift_right_arithmetic3A_685 = vector.broadcast %shift_right_arithmetic3A_684 : i32 to vector<8x3200xi32>
    %shift_right_arithmetic3A_686 = arith.shrsi %or3A_645, %shift_right_arithmetic3A_685 : vector<8x3200xi32>
    %broadcast_in_dim3A_687 = arith.constant 0 : i32
    %broadcast_in_dim3A_688 = vector.broadcast %broadcast_in_dim3A_687 : i32 to vector<1x3200xi32>
    %slice3A_689 = vector.extract_strided_slice %shift_right_arithmetic3A_686 {offsets = [0, 0], sizes = [7, 3200], strides = [1, 1]} : vector<8x3200xi32> to vector<7x3200xi32>
    %concatenate3A_690 = tpu.concatenate %broadcast_in_dim3A_688, %slice3A_689 in 0 : vector<1x3200xi32>, vector<7x3200xi32> -> vector<8x3200xi32>
    %or3A_691 = arith.ori %and3A_683, %concatenate3A_690 : vector<8x3200xi32>
    %or3A_692 = arith.ori %or3A_691, %get3A_18 : vector<8x3200xi32>
    %shift_left3A_693 = arith.constant 1 : i32
    %shift_left3A_694 = vector.broadcast %shift_left3A_693 : i32 to vector<8x3200xi32>
    %shift_left3A_695 = arith.shli %and3A_646, %shift_left3A_694 : vector<8x3200xi32>
    %and3A_696 = arith.constant 65535 : i32
    %and3A_697 = vector.broadcast %and3A_696 : i32 to vector<8x3200xi32>
    %and3A_698 = arith.andi %shift_left3A_695, %and3A_697 : vector<8x3200xi32>
    %shift_right_arithmetic3A_699 = arith.constant 15 : i32
    %shift_right_arithmetic3A_700 = vector.broadcast %shift_right_arithmetic3A_699 : i32 to vector<8x3200xi32>
    %shift_right_arithmetic3A_701 = arith.shrsi %and3A_646, %shift_right_arithmetic3A_700 : vector<8x3200xi32>
    %broadcast_in_dim3A_702 = arith.constant 0 : i32
    %broadcast_in_dim3A_703 = vector.broadcast %broadcast_in_dim3A_702 : i32 to vector<1x3200xi32>
    %slice3A_704 = vector.extract_strided_slice %shift_right_arithmetic3A_701 {offsets = [0, 0], sizes = [7, 3200], strides = [1, 1]} : vector<8x3200xi32> to vector<7x3200xi32>
    %concatenate3A_705 = tpu.concatenate %broadcast_in_dim3A_703, %slice3A_704 in 0 : vector<1x3200xi32>, vector<7x3200xi32> -> vector<8x3200xi32>
    %or3A_706 = arith.ori %and3A_698, %concatenate3A_705 : vector<8x3200xi32>
    %or3A_707 = arith.ori %or3A_588, %or3A_692 : vector<8x3200xi32>
    %xor3A_708 = arith.constant 65535 : i32
    %xor3A_709 = vector.broadcast %xor3A_708 : i32 to vector<8x3200xi32>
    %xor3A_710 = arith.xori %or3A_707, %xor3A_709 : vector<8x3200xi32>
    %or3A_711 = arith.ori %or3A_706, %xor3A_710 : vector<8x3200xi32>
    %and3A_712 = arith.andi %or3A_692, %or3A_588 : vector<8x3200xi32>
    %get3A_713 = arith.constant 5 : index
    %get3A_714 = arith.constant 0 : index
    %get3A_715 = arith.constant 0 : index
    %get3A_716 = vector.load %arg1[%get3A_713, %get3A_714, %get3A_715] : memref<16x1x3200xi32, #tpu.memory_space<vmem>>, vector<1x1x3200xi32>
    %get3A_717 = vector.shape_cast %get3A_716 : vector<1x1x3200xi32> to vector<1x3200xi32>
    %eq3A_718 = vector.broadcast %get3A_717 : vector<1x3200xi32> to vector<128x3200xi32>
    %eq3A_719 = arith.cmpi eq, %get3A_21, %eq3A_718 : vector<128x3200xi32>
    %jit3A_720 = arith.constant 1.000000e+00 : f32
    %jit3A_721 = arith.constant 0.000000e+00 : f32
    %broadcast_in_dim3A_722 = vector.broadcast %jit3A_720 : f32 to vector<128x3200xf32>
    %broadcast_in_dim3A_723 = vector.broadcast %jit3A_721 : f32 to vector<128x3200xf32>
    %select_n3A_724 = arith.select %eq3A_719, %broadcast_in_dim3A_722, %broadcast_in_dim3A_723 : vector<128x3200xi1>, vector<128x3200xf32>
    %dot_general3A_725 = arith.constant dense<0.000000e+00> : vector<8x3200xf32>
    %dot_general3A_726 = tpu.matmul %get3A_24, %select_n3A_724, %dot_general3A_725 {dimension_numbers = #tpu.dot_dimension_numbers<[1], [0], [0], [1], [0, 0, 1, 1], [], []>, transpose_lhs_hint = false} : vector<8x128xf32>, vector<128x3200xf32>, vector<8x3200xf32> -> vector<8x3200xf32>
    %convert_element_type3A_727 = arith.fptosi %dot_general3A_726 : vector<8x3200xf32> to vector<8x3200xi32>
    %or3A_728 = arith.ori %convert_element_type3A_727, %and3A_712 : vector<8x3200xi32>
    %and3A_729 = arith.andi %convert_element_type3A_727, %or3A_711 : vector<8x3200xi32>
    %add3A_730 = arith.addi %and3A_729, %or3A_711 : vector<8x3200xi32>
    %shift_right_arithmetic3A_731 = arith.constant 16 : i32
    %shift_right_arithmetic3A_732 = vector.broadcast %shift_right_arithmetic3A_731 : i32 to vector<8x3200xi32>
    %shift_right_arithmetic3A_733 = arith.shrsi %add3A_730, %shift_right_arithmetic3A_732 : vector<8x3200xi32>
    %and3A_734 = arith.constant 65535 : i32
    %and3A_735 = vector.broadcast %and3A_734 : i32 to vector<8x3200xi32>
    %and3A_736 = arith.andi %add3A_730, %and3A_735 : vector<8x3200xi32>
    %add3A_737 = arith.constant 1 : i32
    %add3A_738 = vector.broadcast %add3A_737 : i32 to vector<8x3200xi32>
    %add3A_739 = arith.addi %and3A_736, %add3A_738 : vector<8x3200xi32>
    %shift_right_arithmetic3A_740 = arith.constant 16 : i32
    %shift_right_arithmetic3A_741 = vector.broadcast %shift_right_arithmetic3A_740 : i32 to vector<8x3200xi32>
    %shift_right_arithmetic3A_742 = arith.shrsi %add3A_739, %shift_right_arithmetic3A_741 : vector<8x3200xi32>
    %broadcast_in_dim3A_743 = arith.constant 0 : i32
    %broadcast_in_dim3A_744 = vector.broadcast %broadcast_in_dim3A_743 : i32 to vector<1x3200xi32>
    %slice3A_745 = vector.extract_strided_slice %shift_right_arithmetic3A_733 {offsets = [0, 0], sizes = [7, 3200], strides = [1, 1]} : vector<8x3200xi32> to vector<7x3200xi32>
    %concatenate3A_746 = tpu.concatenate %broadcast_in_dim3A_744, %slice3A_745 in 0 : vector<1x3200xi32>, vector<7x3200xi32> -> vector<8x3200xi32>
    %and3A_747 = arith.andi %shift_right_arithmetic3A_742, %concatenate3A_746 : vector<8x3200xi32>
    %or3A_748 = arith.ori %shift_right_arithmetic3A_733, %and3A_747 : vector<8x3200xi32>
    %broadcast_in_dim3A_749 = arith.constant 0 : i32
    %broadcast_in_dim3A_750 = vector.broadcast %broadcast_in_dim3A_749 : i32 to vector<1x3200xi32>
    %slice3A_751 = vector.extract_strided_slice %shift_right_arithmetic3A_742 {offsets = [0, 0], sizes = [7, 3200], strides = [1, 1]} : vector<8x3200xi32> to vector<7x3200xi32>
    %concatenate3A_752 = tpu.concatenate %broadcast_in_dim3A_750, %slice3A_751 in 0 : vector<1x3200xi32>, vector<7x3200xi32> -> vector<8x3200xi32>
    %and3A_753 = arith.andi %shift_right_arithmetic3A_742, %concatenate3A_752 : vector<8x3200xi32>
    %broadcast_in_dim3A_754 = arith.constant 0 : i32
    %broadcast_in_dim3A_755 = vector.broadcast %broadcast_in_dim3A_754 : i32 to vector<2x3200xi32>
    %slice3A_756 = vector.extract_strided_slice %or3A_748 {offsets = [0, 0], sizes = [6, 3200], strides = [1, 1]} : vector<8x3200xi32> to vector<6x3200xi32>
    %concatenate3A_757 = tpu.concatenate %broadcast_in_dim3A_755, %slice3A_756 in 0 : vector<2x3200xi32>, vector<6x3200xi32> -> vector<8x3200xi32>
    %and3A_758 = arith.andi %and3A_753, %concatenate3A_757 : vector<8x3200xi32>
    %or3A_759 = arith.ori %or3A_748, %and3A_758 : vector<8x3200xi32>
    %broadcast_in_dim3A_760 = arith.constant 0 : i32
    %broadcast_in_dim3A_761 = vector.broadcast %broadcast_in_dim3A_760 : i32 to vector<2x3200xi32>
    %slice3A_762 = vector.extract_strided_slice %and3A_753 {offsets = [0, 0], sizes = [6, 3200], strides = [1, 1]} : vector<8x3200xi32> to vector<6x3200xi32>
    %concatenate3A_763 = tpu.concatenate %broadcast_in_dim3A_761, %slice3A_762 in 0 : vector<2x3200xi32>, vector<6x3200xi32> -> vector<8x3200xi32>
    %and3A_764 = arith.andi %and3A_753, %concatenate3A_763 : vector<8x3200xi32>
    %broadcast_in_dim3A_765 = arith.constant 0 : i32
    %broadcast_in_dim3A_766 = vector.broadcast %broadcast_in_dim3A_765 : i32 to vector<4x3200xi32>
    %slice3A_767 = vector.extract_strided_slice %or3A_759 {offsets = [0, 0], sizes = [4, 3200], strides = [1, 1]} : vector<8x3200xi32> to vector<4x3200xi32>
    %concatenate3A_768 = tpu.concatenate %broadcast_in_dim3A_766, %slice3A_767 in 0 : vector<4x3200xi32>, vector<4x3200xi32> -> vector<8x3200xi32>
    %and3A_769 = arith.andi %and3A_764, %concatenate3A_768 : vector<8x3200xi32>
    %or3A_770 = arith.ori %or3A_759, %and3A_769 : vector<8x3200xi32>
    %broadcast_in_dim3A_771 = arith.constant 0 : i32
    %broadcast_in_dim3A_772 = vector.broadcast %broadcast_in_dim3A_771 : i32 to vector<1x3200xi32>
    %slice3A_773 = vector.extract_strided_slice %or3A_770 {offsets = [0, 0], sizes = [7, 3200], strides = [1, 1]} : vector<8x3200xi32> to vector<7x3200xi32>
    %concatenate3A_774 = tpu.concatenate %broadcast_in_dim3A_772, %slice3A_773 in 0 : vector<1x3200xi32>, vector<7x3200xi32> -> vector<8x3200xi32>
    %add3A_775 = arith.addi %and3A_736, %concatenate3A_774 : vector<8x3200xi32>
    %and3A_776 = arith.constant 65535 : i32
    %and3A_777 = vector.broadcast %and3A_776 : i32 to vector<8x3200xi32>
    %and3A_778 = arith.andi %add3A_775, %and3A_777 : vector<8x3200xi32>
    %xor3A_779 = arith.xori %and3A_778, %or3A_711 : vector<8x3200xi32>
    %or3A_780 = arith.ori %xor3A_779, %convert_element_type3A_727 : vector<8x3200xi32>
    %or3A_781 = arith.ori %or3A_780, %or3A_711 : vector<8x3200xi32>
    %xor3A_782 = arith.constant 65535 : i32
    %xor3A_783 = vector.broadcast %xor3A_782 : i32 to vector<8x3200xi32>
    %xor3A_784 = arith.xori %or3A_781, %xor3A_783 : vector<8x3200xi32>
    %or3A_785 = arith.ori %and3A_712, %xor3A_784 : vector<8x3200xi32>
    %and3A_786 = arith.andi %or3A_711, %or3A_780 : vector<8x3200xi32>
    %and3A_787 = arith.andi %or3A_785, %get3A_15 : vector<8x3200xi32>
    %ne3A_788 = arith.constant 0 : i32
    %ne3A_789 = vector.broadcast %ne3A_788 : i32 to vector<8x3200xi32>
    %ne3A_790 = arith.cmpi ne, %and3A_787, %ne3A_789 : vector<8x3200xi32>
    %jit3A_791 = arith.constant 1 : i32
    %jit3A_792 = arith.constant 0 : i32
    %broadcast_in_dim3A_793 = vector.broadcast %jit3A_791 : i32 to vector<8x3200xi32>
    %broadcast_in_dim3A_794 = vector.broadcast %jit3A_792 : i32 to vector<8x3200xi32>
    %select_n3A_795 = arith.select %ne3A_790, %broadcast_in_dim3A_793, %broadcast_in_dim3A_794 : vector<8x3200xi1>, vector<8x3200xi32>
    %and3A_796 = arith.andi %and3A_786, %get3A_15 : vector<8x3200xi32>
    %ne3A_797 = arith.constant 0 : i32
    %ne3A_798 = vector.broadcast %ne3A_797 : i32 to vector<8x3200xi32>
    %ne3A_799 = arith.cmpi ne, %and3A_796, %ne3A_798 : vector<8x3200xi32>
    %jit3A_800 = arith.constant 1 : i32
    %jit3A_801 = arith.constant 0 : i32
    %broadcast_in_dim3A_802 = vector.broadcast %jit3A_800 : i32 to vector<8x3200xi32>
    %broadcast_in_dim3A_803 = vector.broadcast %jit3A_801 : i32 to vector<8x3200xi32>
    %select_n3A_804 = arith.select %ne3A_799, %broadcast_in_dim3A_802, %broadcast_in_dim3A_803 : vector<8x3200xi1>, vector<8x3200xi32>
    %add3A_805 = arith.addi %sub3A_666, %select_n3A_795 : vector<8x3200xi32>
    %sub3A_806 = arith.subi %add3A_805, %select_n3A_804 : vector<8x3200xi32>
    %mul3A_807 = arith.constant 16 : i32
    %mul3A_808 = arith.muli %arg0, %mul3A_807 : i32
    %add3A_809 = arith.constant 5 : i32
    %add3A_810 = arith.addi %mul3A_808, %add3A_809 : i32
    %add3A_811 = arith.constant 1 : i32
    %add3A_812 = arith.addi %add3A_810, %add3A_811 : i32
    %eq3A_813 = vector.broadcast %add3A_812 : i32 to vector<1x3200xi32>
    %eq3A_814 = arith.cmpi eq, %get3A_27, %eq3A_813 : vector<1x3200xi32>
    %broadcast_in_dim3A_815 = vector.shape_cast %eq3A_814 : vector<1x3200xi1> to vector<1x3200xi1>
    %broadcast_in_dim3A_816 = vector.broadcast %broadcast_in_dim3A_815 : vector<1x3200xi1> to vector<8x3200xi1>
    %select_n3A_817 = arith.select %broadcast_in_dim3A_816, %sub3A_806, %select_n3A_677 : vector<8x3200xi1>, vector<8x3200xi32>
    %shift_left3A_818 = arith.constant 1 : i32
    %shift_left3A_819 = vector.broadcast %shift_left3A_818 : i32 to vector<8x3200xi32>
    %shift_left3A_820 = arith.shli %or3A_785, %shift_left3A_819 : vector<8x3200xi32>
    %and3A_821 = arith.constant 65535 : i32
    %and3A_822 = vector.broadcast %and3A_821 : i32 to vector<8x3200xi32>
    %and3A_823 = arith.andi %shift_left3A_820, %and3A_822 : vector<8x3200xi32>
    %shift_right_arithmetic3A_824 = arith.constant 15 : i32
    %shift_right_arithmetic3A_825 = vector.broadcast %shift_right_arithmetic3A_824 : i32 to vector<8x3200xi32>
    %shift_right_arithmetic3A_826 = arith.shrsi %or3A_785, %shift_right_arithmetic3A_825 : vector<8x3200xi32>
    %broadcast_in_dim3A_827 = arith.constant 0 : i32
    %broadcast_in_dim3A_828 = vector.broadcast %broadcast_in_dim3A_827 : i32 to vector<1x3200xi32>
    %slice3A_829 = vector.extract_strided_slice %shift_right_arithmetic3A_826 {offsets = [0, 0], sizes = [7, 3200], strides = [1, 1]} : vector<8x3200xi32> to vector<7x3200xi32>
    %concatenate3A_830 = tpu.concatenate %broadcast_in_dim3A_828, %slice3A_829 in 0 : vector<1x3200xi32>, vector<7x3200xi32> -> vector<8x3200xi32>
    %or3A_831 = arith.ori %and3A_823, %concatenate3A_830 : vector<8x3200xi32>
    %or3A_832 = arith.ori %or3A_831, %get3A_18 : vector<8x3200xi32>
    %shift_left3A_833 = arith.constant 1 : i32
    %shift_left3A_834 = vector.broadcast %shift_left3A_833 : i32 to vector<8x3200xi32>
    %shift_left3A_835 = arith.shli %and3A_786, %shift_left3A_834 : vector<8x3200xi32>
    %and3A_836 = arith.constant 65535 : i32
    %and3A_837 = vector.broadcast %and3A_836 : i32 to vector<8x3200xi32>
    %and3A_838 = arith.andi %shift_left3A_835, %and3A_837 : vector<8x3200xi32>
    %shift_right_arithmetic3A_839 = arith.constant 15 : i32
    %shift_right_arithmetic3A_840 = vector.broadcast %shift_right_arithmetic3A_839 : i32 to vector<8x3200xi32>
    %shift_right_arithmetic3A_841 = arith.shrsi %and3A_786, %shift_right_arithmetic3A_840 : vector<8x3200xi32>
    %broadcast_in_dim3A_842 = arith.constant 0 : i32
    %broadcast_in_dim3A_843 = vector.broadcast %broadcast_in_dim3A_842 : i32 to vector<1x3200xi32>
    %slice3A_844 = vector.extract_strided_slice %shift_right_arithmetic3A_841 {offsets = [0, 0], sizes = [7, 3200], strides = [1, 1]} : vector<8x3200xi32> to vector<7x3200xi32>
    %concatenate3A_845 = tpu.concatenate %broadcast_in_dim3A_843, %slice3A_844 in 0 : vector<1x3200xi32>, vector<7x3200xi32> -> vector<8x3200xi32>
    %or3A_846 = arith.ori %and3A_838, %concatenate3A_845 : vector<8x3200xi32>
    %or3A_847 = arith.ori %or3A_728, %or3A_832 : vector<8x3200xi32>
    %xor3A_848 = arith.constant 65535 : i32
    %xor3A_849 = vector.broadcast %xor3A_848 : i32 to vector<8x3200xi32>
    %xor3A_850 = arith.xori %or3A_847, %xor3A_849 : vector<8x3200xi32>
    %or3A_851 = arith.ori %or3A_846, %xor3A_850 : vector<8x3200xi32>
    %and3A_852 = arith.andi %or3A_832, %or3A_728 : vector<8x3200xi32>
    %get3A_853 = arith.constant 6 : index
    %get3A_854 = arith.constant 0 : index
    %get3A_855 = arith.constant 0 : index
    %get3A_856 = vector.load %arg1[%get3A_853, %get3A_854, %get3A_855] : memref<16x1x3200xi32, #tpu.memory_space<vmem>>, vector<1x1x3200xi32>
    %get3A_857 = vector.shape_cast %get3A_856 : vector<1x1x3200xi32> to vector<1x3200xi32>
    %eq3A_858 = vector.broadcast %get3A_857 : vector<1x3200xi32> to vector<128x3200xi32>
    %eq3A_859 = arith.cmpi eq, %get3A_21, %eq3A_858 : vector<128x3200xi32>
    %jit3A_860 = arith.constant 1.000000e+00 : f32
    %jit3A_861 = arith.constant 0.000000e+00 : f32
    %broadcast_in_dim3A_862 = vector.broadcast %jit3A_860 : f32 to vector<128x3200xf32>
    %broadcast_in_dim3A_863 = vector.broadcast %jit3A_861 : f32 to vector<128x3200xf32>
    %select_n3A_864 = arith.select %eq3A_859, %broadcast_in_dim3A_862, %broadcast_in_dim3A_863 : vector<128x3200xi1>, vector<128x3200xf32>
    %dot_general3A_865 = arith.constant dense<0.000000e+00> : vector<8x3200xf32>
    %dot_general3A_866 = tpu.matmul %get3A_24, %select_n3A_864, %dot_general3A_865 {dimension_numbers = #tpu.dot_dimension_numbers<[1], [0], [0], [1], [0, 0, 1, 1], [], []>, transpose_lhs_hint = false} : vector<8x128xf32>, vector<128x3200xf32>, vector<8x3200xf32> -> vector<8x3200xf32>
    %convert_element_type3A_867 = arith.fptosi %dot_general3A_866 : vector<8x3200xf32> to vector<8x3200xi32>
    %or3A_868 = arith.ori %convert_element_type3A_867, %and3A_852 : vector<8x3200xi32>
    %and3A_869 = arith.andi %convert_element_type3A_867, %or3A_851 : vector<8x3200xi32>
    %add3A_870 = arith.addi %and3A_869, %or3A_851 : vector<8x3200xi32>
    %shift_right_arithmetic3A_871 = arith.constant 16 : i32
    %shift_right_arithmetic3A_872 = vector.broadcast %shift_right_arithmetic3A_871 : i32 to vector<8x3200xi32>
    %shift_right_arithmetic3A_873 = arith.shrsi %add3A_870, %shift_right_arithmetic3A_872 : vector<8x3200xi32>
    %and3A_874 = arith.constant 65535 : i32
    %and3A_875 = vector.broadcast %and3A_874 : i32 to vector<8x3200xi32>
    %and3A_876 = arith.andi %add3A_870, %and3A_875 : vector<8x3200xi32>
    %add3A_877 = arith.constant 1 : i32
    %add3A_878 = vector.broadcast %add3A_877 : i32 to vector<8x3200xi32>
    %add3A_879 = arith.addi %and3A_876, %add3A_878 : vector<8x3200xi32>
    %shift_right_arithmetic3A_880 = arith.constant 16 : i32
    %shift_right_arithmetic3A_881 = vector.broadcast %shift_right_arithmetic3A_880 : i32 to vector<8x3200xi32>
    %shift_right_arithmetic3A_882 = arith.shrsi %add3A_879, %shift_right_arithmetic3A_881 : vector<8x3200xi32>
    %broadcast_in_dim3A_883 = arith.constant 0 : i32
    %broadcast_in_dim3A_884 = vector.broadcast %broadcast_in_dim3A_883 : i32 to vector<1x3200xi32>
    %slice3A_885 = vector.extract_strided_slice %shift_right_arithmetic3A_873 {offsets = [0, 0], sizes = [7, 3200], strides = [1, 1]} : vector<8x3200xi32> to vector<7x3200xi32>
    %concatenate3A_886 = tpu.concatenate %broadcast_in_dim3A_884, %slice3A_885 in 0 : vector<1x3200xi32>, vector<7x3200xi32> -> vector<8x3200xi32>
    %and3A_887 = arith.andi %shift_right_arithmetic3A_882, %concatenate3A_886 : vector<8x3200xi32>
    %or3A_888 = arith.ori %shift_right_arithmetic3A_873, %and3A_887 : vector<8x3200xi32>
    %broadcast_in_dim3A_889 = arith.constant 0 : i32
    %broadcast_in_dim3A_890 = vector.broadcast %broadcast_in_dim3A_889 : i32 to vector<1x3200xi32>
    %slice3A_891 = vector.extract_strided_slice %shift_right_arithmetic3A_882 {offsets = [0, 0], sizes = [7, 3200], strides = [1, 1]} : vector<8x3200xi32> to vector<7x3200xi32>
    %concatenate3A_892 = tpu.concatenate %broadcast_in_dim3A_890, %slice3A_891 in 0 : vector<1x3200xi32>, vector<7x3200xi32> -> vector<8x3200xi32>
    %and3A_893 = arith.andi %shift_right_arithmetic3A_882, %concatenate3A_892 : vector<8x3200xi32>
    %broadcast_in_dim3A_894 = arith.constant 0 : i32
    %broadcast_in_dim3A_895 = vector.broadcast %broadcast_in_dim3A_894 : i32 to vector<2x3200xi32>
    %slice3A_896 = vector.extract_strided_slice %or3A_888 {offsets = [0, 0], sizes = [6, 3200], strides = [1, 1]} : vector<8x3200xi32> to vector<6x3200xi32>
    %concatenate3A_897 = tpu.concatenate %broadcast_in_dim3A_895, %slice3A_896 in 0 : vector<2x3200xi32>, vector<6x3200xi32> -> vector<8x3200xi32>
    %and3A_898 = arith.andi %and3A_893, %concatenate3A_897 : vector<8x3200xi32>
    %or3A_899 = arith.ori %or3A_888, %and3A_898 : vector<8x3200xi32>
    %broadcast_in_dim3A_900 = arith.constant 0 : i32
    %broadcast_in_dim3A_901 = vector.broadcast %broadcast_in_dim3A_900 : i32 to vector<2x3200xi32>
    %slice3A_902 = vector.extract_strided_slice %and3A_893 {offsets = [0, 0], sizes = [6, 3200], strides = [1, 1]} : vector<8x3200xi32> to vector<6x3200xi32>
    %concatenate3A_903 = tpu.concatenate %broadcast_in_dim3A_901, %slice3A_902 in 0 : vector<2x3200xi32>, vector<6x3200xi32> -> vector<8x3200xi32>
    %and3A_904 = arith.andi %and3A_893, %concatenate3A_903 : vector<8x3200xi32>
    %broadcast_in_dim3A_905 = arith.constant 0 : i32
    %broadcast_in_dim3A_906 = vector.broadcast %broadcast_in_dim3A_905 : i32 to vector<4x3200xi32>
    %slice3A_907 = vector.extract_strided_slice %or3A_899 {offsets = [0, 0], sizes = [4, 3200], strides = [1, 1]} : vector<8x3200xi32> to vector<4x3200xi32>
    %concatenate3A_908 = tpu.concatenate %broadcast_in_dim3A_906, %slice3A_907 in 0 : vector<4x3200xi32>, vector<4x3200xi32> -> vector<8x3200xi32>
    %and3A_909 = arith.andi %and3A_904, %concatenate3A_908 : vector<8x3200xi32>
    %or3A_910 = arith.ori %or3A_899, %and3A_909 : vector<8x3200xi32>
    %broadcast_in_dim3A_911 = arith.constant 0 : i32
    %broadcast_in_dim3A_912 = vector.broadcast %broadcast_in_dim3A_911 : i32 to vector<1x3200xi32>
    %slice3A_913 = vector.extract_strided_slice %or3A_910 {offsets = [0, 0], sizes = [7, 3200], strides = [1, 1]} : vector<8x3200xi32> to vector<7x3200xi32>
    %concatenate3A_914 = tpu.concatenate %broadcast_in_dim3A_912, %slice3A_913 in 0 : vector<1x3200xi32>, vector<7x3200xi32> -> vector<8x3200xi32>
    %add3A_915 = arith.addi %and3A_876, %concatenate3A_914 : vector<8x3200xi32>
    %and3A_916 = arith.constant 65535 : i32
    %and3A_917 = vector.broadcast %and3A_916 : i32 to vector<8x3200xi32>
    %and3A_918 = arith.andi %add3A_915, %and3A_917 : vector<8x3200xi32>
    %xor3A_919 = arith.xori %and3A_918, %or3A_851 : vector<8x3200xi32>
    %or3A_920 = arith.ori %xor3A_919, %convert_element_type3A_867 : vector<8x3200xi32>
    %or3A_921 = arith.ori %or3A_920, %or3A_851 : vector<8x3200xi32>
    %xor3A_922 = arith.constant 65535 : i32
    %xor3A_923 = vector.broadcast %xor3A_922 : i32 to vector<8x3200xi32>
    %xor3A_924 = arith.xori %or3A_921, %xor3A_923 : vector<8x3200xi32>
    %or3A_925 = arith.ori %and3A_852, %xor3A_924 : vector<8x3200xi32>
    %and3A_926 = arith.andi %or3A_851, %or3A_920 : vector<8x3200xi32>
    %and3A_927 = arith.andi %or3A_925, %get3A_15 : vector<8x3200xi32>
    %ne3A_928 = arith.constant 0 : i32
    %ne3A_929 = vector.broadcast %ne3A_928 : i32 to vector<8x3200xi32>
    %ne3A_930 = arith.cmpi ne, %and3A_927, %ne3A_929 : vector<8x3200xi32>
    %jit3A_931 = arith.constant 1 : i32
    %jit3A_932 = arith.constant 0 : i32
    %broadcast_in_dim3A_933 = vector.broadcast %jit3A_931 : i32 to vector<8x3200xi32>
    %broadcast_in_dim3A_934 = vector.broadcast %jit3A_932 : i32 to vector<8x3200xi32>
    %select_n3A_935 = arith.select %ne3A_930, %broadcast_in_dim3A_933, %broadcast_in_dim3A_934 : vector<8x3200xi1>, vector<8x3200xi32>
    %and3A_936 = arith.andi %and3A_926, %get3A_15 : vector<8x3200xi32>
    %ne3A_937 = arith.constant 0 : i32
    %ne3A_938 = vector.broadcast %ne3A_937 : i32 to vector<8x3200xi32>
    %ne3A_939 = arith.cmpi ne, %and3A_936, %ne3A_938 : vector<8x3200xi32>
    %jit3A_940 = arith.constant 1 : i32
    %jit3A_941 = arith.constant 0 : i32
    %broadcast_in_dim3A_942 = vector.broadcast %jit3A_940 : i32 to vector<8x3200xi32>
    %broadcast_in_dim3A_943 = vector.broadcast %jit3A_941 : i32 to vector<8x3200xi32>
    %select_n3A_944 = arith.select %ne3A_939, %broadcast_in_dim3A_942, %broadcast_in_dim3A_943 : vector<8x3200xi1>, vector<8x3200xi32>
    %add3A_945 = arith.addi %sub3A_806, %select_n3A_935 : vector<8x3200xi32>
    %sub3A_946 = arith.subi %add3A_945, %select_n3A_944 : vector<8x3200xi32>
    %mul3A_947 = arith.constant 16 : i32
    %mul3A_948 = arith.muli %arg0, %mul3A_947 : i32
    %add3A_949 = arith.constant 6 : i32
    %add3A_950 = arith.addi %mul3A_948, %add3A_949 : i32
    %add3A_951 = arith.constant 1 : i32
    %add3A_952 = arith.addi %add3A_950, %add3A_951 : i32
    %eq3A_953 = vector.broadcast %add3A_952 : i32 to vector<1x3200xi32>
    %eq3A_954 = arith.cmpi eq, %get3A_27, %eq3A_953 : vector<1x3200xi32>
    %broadcast_in_dim3A_955 = vector.shape_cast %eq3A_954 : vector<1x3200xi1> to vector<1x3200xi1>
    %broadcast_in_dim3A_956 = vector.broadcast %broadcast_in_dim3A_955 : vector<1x3200xi1> to vector<8x3200xi1>
    %select_n3A_957 = arith.select %broadcast_in_dim3A_956, %sub3A_946, %select_n3A_817 : vector<8x3200xi1>, vector<8x3200xi32>
    %shift_left3A_958 = arith.constant 1 : i32
    %shift_left3A_959 = vector.broadcast %shift_left3A_958 : i32 to vector<8x3200xi32>
    %shift_left3A_960 = arith.shli %or3A_925, %shift_left3A_959 : vector<8x3200xi32>
    %and3A_961 = arith.constant 65535 : i32
    %and3A_962 = vector.broadcast %and3A_961 : i32 to vector<8x3200xi32>
    %and3A_963 = arith.andi %shift_left3A_960, %and3A_962 : vector<8x3200xi32>
    %shift_right_arithmetic3A_964 = arith.constant 15 : i32
    %shift_right_arithmetic3A_965 = vector.broadcast %shift_right_arithmetic3A_964 : i32 to vector<8x3200xi32>
    %shift_right_arithmetic3A_966 = arith.shrsi %or3A_925, %shift_right_arithmetic3A_965 : vector<8x3200xi32>
    %broadcast_in_dim3A_967 = arith.constant 0 : i32
    %broadcast_in_dim3A_968 = vector.broadcast %broadcast_in_dim3A_967 : i32 to vector<1x3200xi32>
    %slice3A_969 = vector.extract_strided_slice %shift_right_arithmetic3A_966 {offsets = [0, 0], sizes = [7, 3200], strides = [1, 1]} : vector<8x3200xi32> to vector<7x3200xi32>
    %concatenate3A_970 = tpu.concatenate %broadcast_in_dim3A_968, %slice3A_969 in 0 : vector<1x3200xi32>, vector<7x3200xi32> -> vector<8x3200xi32>
    %or3A_971 = arith.ori %and3A_963, %concatenate3A_970 : vector<8x3200xi32>
    %or3A_972 = arith.ori %or3A_971, %get3A_18 : vector<8x3200xi32>
    %shift_left3A_973 = arith.constant 1 : i32
    %shift_left3A_974 = vector.broadcast %shift_left3A_973 : i32 to vector<8x3200xi32>
    %shift_left3A_975 = arith.shli %and3A_926, %shift_left3A_974 : vector<8x3200xi32>
    %and3A_976 = arith.constant 65535 : i32
    %and3A_977 = vector.broadcast %and3A_976 : i32 to vector<8x3200xi32>
    %and3A_978 = arith.andi %shift_left3A_975, %and3A_977 : vector<8x3200xi32>
    %shift_right_arithmetic3A_979 = arith.constant 15 : i32
    %shift_right_arithmetic3A_980 = vector.broadcast %shift_right_arithmetic3A_979 : i32 to vector<8x3200xi32>
    %shift_right_arithmetic3A_981 = arith.shrsi %and3A_926, %shift_right_arithmetic3A_980 : vector<8x3200xi32>
    %broadcast_in_dim3A_982 = arith.constant 0 : i32
    %broadcast_in_dim3A_983 = vector.broadcast %broadcast_in_dim3A_982 : i32 to vector<1x3200xi32>
    %slice3A_984 = vector.extract_strided_slice %shift_right_arithmetic3A_981 {offsets = [0, 0], sizes = [7, 3200], strides = [1, 1]} : vector<8x3200xi32> to vector<7x3200xi32>
    %concatenate3A_985 = tpu.concatenate %broadcast_in_dim3A_983, %slice3A_984 in 0 : vector<1x3200xi32>, vector<7x3200xi32> -> vector<8x3200xi32>
    %or3A_986 = arith.ori %and3A_978, %concatenate3A_985 : vector<8x3200xi32>
    %or3A_987 = arith.ori %or3A_868, %or3A_972 : vector<8x3200xi32>
    %xor3A_988 = arith.constant 65535 : i32
    %xor3A_989 = vector.broadcast %xor3A_988 : i32 to vector<8x3200xi32>
    %xor3A_990 = arith.xori %or3A_987, %xor3A_989 : vector<8x3200xi32>
    %or3A_991 = arith.ori %or3A_986, %xor3A_990 : vector<8x3200xi32>
    %and3A_992 = arith.andi %or3A_972, %or3A_868 : vector<8x3200xi32>
    %get3A_993 = arith.constant 7 : index
    %get3A_994 = arith.constant 0 : index
    %get3A_995 = arith.constant 0 : index
    %get3A_996 = vector.load %arg1[%get3A_993, %get3A_994, %get3A_995] : memref<16x1x3200xi32, #tpu.memory_space<vmem>>, vector<1x1x3200xi32>
    %get3A_997 = vector.shape_cast %get3A_996 : vector<1x1x3200xi32> to vector<1x3200xi32>
    %eq3A_998 = vector.broadcast %get3A_997 : vector<1x3200xi32> to vector<128x3200xi32>
    %eq3A_999 = arith.cmpi eq, %get3A_21, %eq3A_998 : vector<128x3200xi32>
    %jit3A_1000 = arith.constant 1.000000e+00 : f32
    %jit3A_1001 = arith.constant 0.000000e+00 : f32
    %broadcast_in_dim3A_1002 = vector.broadcast %jit3A_1000 : f32 to vector<128x3200xf32>
    %broadcast_in_dim3A_1003 = vector.broadcast %jit3A_1001 : f32 to vector<128x3200xf32>
    %select_n3A_1004 = arith.select %eq3A_999, %broadcast_in_dim3A_1002, %broadcast_in_dim3A_1003 : vector<128x3200xi1>, vector<128x3200xf32>
    %dot_general3A_1005 = arith.constant dense<0.000000e+00> : vector<8x3200xf32>
    %dot_general3A_1006 = tpu.matmul %get3A_24, %select_n3A_1004, %dot_general3A_1005 {dimension_numbers = #tpu.dot_dimension_numbers<[1], [0], [0], [1], [0, 0, 1, 1], [], []>, transpose_lhs_hint = false} : vector<8x128xf32>, vector<128x3200xf32>, vector<8x3200xf32> -> vector<8x3200xf32>
    %convert_element_type3A_1007 = arith.fptosi %dot_general3A_1006 : vector<8x3200xf32> to vector<8x3200xi32>
    %or3A_1008 = arith.ori %convert_element_type3A_1007, %and3A_992 : vector<8x3200xi32>
    %and3A_1009 = arith.andi %convert_element_type3A_1007, %or3A_991 : vector<8x3200xi32>
    %add3A_1010 = arith.addi %and3A_1009, %or3A_991 : vector<8x3200xi32>
    %shift_right_arithmetic3A_1011 = arith.constant 16 : i32
    %shift_right_arithmetic3A_1012 = vector.broadcast %shift_right_arithmetic3A_1011 : i32 to vector<8x3200xi32>
    %shift_right_arithmetic3A_1013 = arith.shrsi %add3A_1010, %shift_right_arithmetic3A_1012 : vector<8x3200xi32>
    %and3A_1014 = arith.constant 65535 : i32
    %and3A_1015 = vector.broadcast %and3A_1014 : i32 to vector<8x3200xi32>
    %and3A_1016 = arith.andi %add3A_1010, %and3A_1015 : vector<8x3200xi32>
    %add3A_1017 = arith.constant 1 : i32
    %add3A_1018 = vector.broadcast %add3A_1017 : i32 to vector<8x3200xi32>
    %add3A_1019 = arith.addi %and3A_1016, %add3A_1018 : vector<8x3200xi32>
    %shift_right_arithmetic3A_1020 = arith.constant 16 : i32
    %shift_right_arithmetic3A_1021 = vector.broadcast %shift_right_arithmetic3A_1020 : i32 to vector<8x3200xi32>
    %shift_right_arithmetic3A_1022 = arith.shrsi %add3A_1019, %shift_right_arithmetic3A_1021 : vector<8x3200xi32>
    %broadcast_in_dim3A_1023 = arith.constant 0 : i32
    %broadcast_in_dim3A_1024 = vector.broadcast %broadcast_in_dim3A_1023 : i32 to vector<1x3200xi32>
    %slice3A_1025 = vector.extract_strided_slice %shift_right_arithmetic3A_1013 {offsets = [0, 0], sizes = [7, 3200], strides = [1, 1]} : vector<8x3200xi32> to vector<7x3200xi32>
    %concatenate3A_1026 = tpu.concatenate %broadcast_in_dim3A_1024, %slice3A_1025 in 0 : vector<1x3200xi32>, vector<7x3200xi32> -> vector<8x3200xi32>
    %and3A_1027 = arith.andi %shift_right_arithmetic3A_1022, %concatenate3A_1026 : vector<8x3200xi32>
    %or3A_1028 = arith.ori %shift_right_arithmetic3A_1013, %and3A_1027 : vector<8x3200xi32>
    %broadcast_in_dim3A_1029 = arith.constant 0 : i32
    %broadcast_in_dim3A_1030 = vector.broadcast %broadcast_in_dim3A_1029 : i32 to vector<1x3200xi32>
    %slice3A_1031 = vector.extract_strided_slice %shift_right_arithmetic3A_1022 {offsets = [0, 0], sizes = [7, 3200], strides = [1, 1]} : vector<8x3200xi32> to vector<7x3200xi32>
    %concatenate3A_1032 = tpu.concatenate %broadcast_in_dim3A_1030, %slice3A_1031 in 0 : vector<1x3200xi32>, vector<7x3200xi32> -> vector<8x3200xi32>
    %and3A_1033 = arith.andi %shift_right_arithmetic3A_1022, %concatenate3A_1032 : vector<8x3200xi32>
    %broadcast_in_dim3A_1034 = arith.constant 0 : i32
    %broadcast_in_dim3A_1035 = vector.broadcast %broadcast_in_dim3A_1034 : i32 to vector<2x3200xi32>
    %slice3A_1036 = vector.extract_strided_slice %or3A_1028 {offsets = [0, 0], sizes = [6, 3200], strides = [1, 1]} : vector<8x3200xi32> to vector<6x3200xi32>
    %concatenate3A_1037 = tpu.concatenate %broadcast_in_dim3A_1035, %slice3A_1036 in 0 : vector<2x3200xi32>, vector<6x3200xi32> -> vector<8x3200xi32>
    %and3A_1038 = arith.andi %and3A_1033, %concatenate3A_1037 : vector<8x3200xi32>
    %or3A_1039 = arith.ori %or3A_1028, %and3A_1038 : vector<8x3200xi32>
    %broadcast_in_dim3A_1040 = arith.constant 0 : i32
    %broadcast_in_dim3A_1041 = vector.broadcast %broadcast_in_dim3A_1040 : i32 to vector<2x3200xi32>
    %slice3A_1042 = vector.extract_strided_slice %and3A_1033 {offsets = [0, 0], sizes = [6, 3200], strides = [1, 1]} : vector<8x3200xi32> to vector<6x3200xi32>
    %concatenate3A_1043 = tpu.concatenate %broadcast_in_dim3A_1041, %slice3A_1042 in 0 : vector<2x3200xi32>, vector<6x3200xi32> -> vector<8x3200xi32>
    %and3A_1044 = arith.andi %and3A_1033, %concatenate3A_1043 : vector<8x3200xi32>
    %broadcast_in_dim3A_1045 = arith.constant 0 : i32
    %broadcast_in_dim3A_1046 = vector.broadcast %broadcast_in_dim3A_1045 : i32 to vector<4x3200xi32>
    %slice3A_1047 = vector.extract_strided_slice %or3A_1039 {offsets = [0, 0], sizes = [4, 3200], strides = [1, 1]} : vector<8x3200xi32> to vector<4x3200xi32>
    %concatenate3A_1048 = tpu.concatenate %broadcast_in_dim3A_1046, %slice3A_1047 in 0 : vector<4x3200xi32>, vector<4x3200xi32> -> vector<8x3200xi32>
    %and3A_1049 = arith.andi %and3A_1044, %concatenate3A_1048 : vector<8x3200xi32>
    %or3A_1050 = arith.ori %or3A_1039, %and3A_1049 : vector<8x3200xi32>
    %broadcast_in_dim3A_1051 = arith.constant 0 : i32
    %broadcast_in_dim3A_1052 = vector.broadcast %broadcast_in_dim3A_1051 : i32 to vector<1x3200xi32>
    %slice3A_1053 = vector.extract_strided_slice %or3A_1050 {offsets = [0, 0], sizes = [7, 3200], strides = [1, 1]} : vector<8x3200xi32> to vector<7x3200xi32>
    %concatenate3A_1054 = tpu.concatenate %broadcast_in_dim3A_1052, %slice3A_1053 in 0 : vector<1x3200xi32>, vector<7x3200xi32> -> vector<8x3200xi32>
    %add3A_1055 = arith.addi %and3A_1016, %concatenate3A_1054 : vector<8x3200xi32>
    %and3A_1056 = arith.constant 65535 : i32
    %and3A_1057 = vector.broadcast %and3A_1056 : i32 to vector<8x3200xi32>
    %and3A_1058 = arith.andi %add3A_1055, %and3A_1057 : vector<8x3200xi32>
    %xor3A_1059 = arith.xori %and3A_1058, %or3A_991 : vector<8x3200xi32>
    %or3A_1060 = arith.ori %xor3A_1059, %convert_element_type3A_1007 : vector<8x3200xi32>
    %or3A_1061 = arith.ori %or3A_1060, %or3A_991 : vector<8x3200xi32>
    %xor3A_1062 = arith.constant 65535 : i32
    %xor3A_1063 = vector.broadcast %xor3A_1062 : i32 to vector<8x3200xi32>
    %xor3A_1064 = arith.xori %or3A_1061, %xor3A_1063 : vector<8x3200xi32>
    %or3A_1065 = arith.ori %and3A_992, %xor3A_1064 : vector<8x3200xi32>
    %and3A_1066 = arith.andi %or3A_991, %or3A_1060 : vector<8x3200xi32>
    %and3A_1067 = arith.andi %or3A_1065, %get3A_15 : vector<8x3200xi32>
    %ne3A_1068 = arith.constant 0 : i32
    %ne3A_1069 = vector.broadcast %ne3A_1068 : i32 to vector<8x3200xi32>
    %ne3A_1070 = arith.cmpi ne, %and3A_1067, %ne3A_1069 : vector<8x3200xi32>
    %jit3A_1071 = arith.constant 1 : i32
    %jit3A_1072 = arith.constant 0 : i32
    %broadcast_in_dim3A_1073 = vector.broadcast %jit3A_1071 : i32 to vector<8x3200xi32>
    %broadcast_in_dim3A_1074 = vector.broadcast %jit3A_1072 : i32 to vector<8x3200xi32>
    %select_n3A_1075 = arith.select %ne3A_1070, %broadcast_in_dim3A_1073, %broadcast_in_dim3A_1074 : vector<8x3200xi1>, vector<8x3200xi32>
    %and3A_1076 = arith.andi %and3A_1066, %get3A_15 : vector<8x3200xi32>
    %ne3A_1077 = arith.constant 0 : i32
    %ne3A_1078 = vector.broadcast %ne3A_1077 : i32 to vector<8x3200xi32>
    %ne3A_1079 = arith.cmpi ne, %and3A_1076, %ne3A_1078 : vector<8x3200xi32>
    %jit3A_1080 = arith.constant 1 : i32
    %jit3A_1081 = arith.constant 0 : i32
    %broadcast_in_dim3A_1082 = vector.broadcast %jit3A_1080 : i32 to vector<8x3200xi32>
    %broadcast_in_dim3A_1083 = vector.broadcast %jit3A_1081 : i32 to vector<8x3200xi32>
    %select_n3A_1084 = arith.select %ne3A_1079, %broadcast_in_dim3A_1082, %broadcast_in_dim3A_1083 : vector<8x3200xi1>, vector<8x3200xi32>
    %add3A_1085 = arith.addi %sub3A_946, %select_n3A_1075 : vector<8x3200xi32>
    %sub3A_1086 = arith.subi %add3A_1085, %select_n3A_1084 : vector<8x3200xi32>
    %mul3A_1087 = arith.constant 16 : i32
    %mul3A_1088 = arith.muli %arg0, %mul3A_1087 : i32
    %add3A_1089 = arith.constant 7 : i32
    %add3A_1090 = arith.addi %mul3A_1088, %add3A_1089 : i32
    %add3A_1091 = arith.constant 1 : i32
    %add3A_1092 = arith.addi %add3A_1090, %add3A_1091 : i32
    %eq3A_1093 = vector.broadcast %add3A_1092 : i32 to vector<1x3200xi32>
    %eq3A_1094 = arith.cmpi eq, %get3A_27, %eq3A_1093 : vector<1x3200xi32>
    %broadcast_in_dim3A_1095 = vector.shape_cast %eq3A_1094 : vector<1x3200xi1> to vector<1x3200xi1>
    %broadcast_in_dim3A_1096 = vector.broadcast %broadcast_in_dim3A_1095 : vector<1x3200xi1> to vector<8x3200xi1>
    %select_n3A_1097 = arith.select %broadcast_in_dim3A_1096, %sub3A_1086, %select_n3A_957 : vector<8x3200xi1>, vector<8x3200xi32>
    %shift_left3A_1098 = arith.constant 1 : i32
    %shift_left3A_1099 = vector.broadcast %shift_left3A_1098 : i32 to vector<8x3200xi32>
    %shift_left3A_1100 = arith.shli %or3A_1065, %shift_left3A_1099 : vector<8x3200xi32>
    %and3A_1101 = arith.constant 65535 : i32
    %and3A_1102 = vector.broadcast %and3A_1101 : i32 to vector<8x3200xi32>
    %and3A_1103 = arith.andi %shift_left3A_1100, %and3A_1102 : vector<8x3200xi32>
    %shift_right_arithmetic3A_1104 = arith.constant 15 : i32
    %shift_right_arithmetic3A_1105 = vector.broadcast %shift_right_arithmetic3A_1104 : i32 to vector<8x3200xi32>
    %shift_right_arithmetic3A_1106 = arith.shrsi %or3A_1065, %shift_right_arithmetic3A_1105 : vector<8x3200xi32>
    %broadcast_in_dim3A_1107 = arith.constant 0 : i32
    %broadcast_in_dim3A_1108 = vector.broadcast %broadcast_in_dim3A_1107 : i32 to vector<1x3200xi32>
    %slice3A_1109 = vector.extract_strided_slice %shift_right_arithmetic3A_1106 {offsets = [0, 0], sizes = [7, 3200], strides = [1, 1]} : vector<8x3200xi32> to vector<7x3200xi32>
    %concatenate3A_1110 = tpu.concatenate %broadcast_in_dim3A_1108, %slice3A_1109 in 0 : vector<1x3200xi32>, vector<7x3200xi32> -> vector<8x3200xi32>
    %or3A_1111 = arith.ori %and3A_1103, %concatenate3A_1110 : vector<8x3200xi32>
    %or3A_1112 = arith.ori %or3A_1111, %get3A_18 : vector<8x3200xi32>
    %shift_left3A_1113 = arith.constant 1 : i32
    %shift_left3A_1114 = vector.broadcast %shift_left3A_1113 : i32 to vector<8x3200xi32>
    %shift_left3A_1115 = arith.shli %and3A_1066, %shift_left3A_1114 : vector<8x3200xi32>
    %and3A_1116 = arith.constant 65535 : i32
    %and3A_1117 = vector.broadcast %and3A_1116 : i32 to vector<8x3200xi32>
    %and3A_1118 = arith.andi %shift_left3A_1115, %and3A_1117 : vector<8x3200xi32>
    %shift_right_arithmetic3A_1119 = arith.constant 15 : i32
    %shift_right_arithmetic3A_1120 = vector.broadcast %shift_right_arithmetic3A_1119 : i32 to vector<8x3200xi32>
    %shift_right_arithmetic3A_1121 = arith.shrsi %and3A_1066, %shift_right_arithmetic3A_1120 : vector<8x3200xi32>
    %broadcast_in_dim3A_1122 = arith.constant 0 : i32
    %broadcast_in_dim3A_1123 = vector.broadcast %broadcast_in_dim3A_1122 : i32 to vector<1x3200xi32>
    %slice3A_1124 = vector.extract_strided_slice %shift_right_arithmetic3A_1121 {offsets = [0, 0], sizes = [7, 3200], strides = [1, 1]} : vector<8x3200xi32> to vector<7x3200xi32>
    %concatenate3A_1125 = tpu.concatenate %broadcast_in_dim3A_1123, %slice3A_1124 in 0 : vector<1x3200xi32>, vector<7x3200xi32> -> vector<8x3200xi32>
    %or3A_1126 = arith.ori %and3A_1118, %concatenate3A_1125 : vector<8x3200xi32>
    %or3A_1127 = arith.ori %or3A_1008, %or3A_1112 : vector<8x3200xi32>
    %xor3A_1128 = arith.constant 65535 : i32
    %xor3A_1129 = vector.broadcast %xor3A_1128 : i32 to vector<8x3200xi32>
    %xor3A_1130 = arith.xori %or3A_1127, %xor3A_1129 : vector<8x3200xi32>
    %or3A_1131 = arith.ori %or3A_1126, %xor3A_1130 : vector<8x3200xi32>
    %and3A_1132 = arith.andi %or3A_1112, %or3A_1008 : vector<8x3200xi32>
    %get3A_1133 = arith.constant 8 : index
    %get3A_1134 = arith.constant 0 : index
    %get3A_1135 = arith.constant 0 : index
    %get3A_1136 = vector.load %arg1[%get3A_1133, %get3A_1134, %get3A_1135] : memref<16x1x3200xi32, #tpu.memory_space<vmem>>, vector<1x1x3200xi32>
    %get3A_1137 = vector.shape_cast %get3A_1136 : vector<1x1x3200xi32> to vector<1x3200xi32>
    %eq3A_1138 = vector.broadcast %get3A_1137 : vector<1x3200xi32> to vector<128x3200xi32>
    %eq3A_1139 = arith.cmpi eq, %get3A_21, %eq3A_1138 : vector<128x3200xi32>
    %jit3A_1140 = arith.constant 1.000000e+00 : f32
    %jit3A_1141 = arith.constant 0.000000e+00 : f32
    %broadcast_in_dim3A_1142 = vector.broadcast %jit3A_1140 : f32 to vector<128x3200xf32>
    %broadcast_in_dim3A_1143 = vector.broadcast %jit3A_1141 : f32 to vector<128x3200xf32>
    %select_n3A_1144 = arith.select %eq3A_1139, %broadcast_in_dim3A_1142, %broadcast_in_dim3A_1143 : vector<128x3200xi1>, vector<128x3200xf32>
    %dot_general3A_1145 = arith.constant dense<0.000000e+00> : vector<8x3200xf32>
    %dot_general3A_1146 = tpu.matmul %get3A_24, %select_n3A_1144, %dot_general3A_1145 {dimension_numbers = #tpu.dot_dimension_numbers<[1], [0], [0], [1], [0, 0, 1, 1], [], []>, transpose_lhs_hint = false} : vector<8x128xf32>, vector<128x3200xf32>, vector<8x3200xf32> -> vector<8x3200xf32>
    %convert_element_type3A_1147 = arith.fptosi %dot_general3A_1146 : vector<8x3200xf32> to vector<8x3200xi32>
    %or3A_1148 = arith.ori %convert_element_type3A_1147, %and3A_1132 : vector<8x3200xi32>
    %and3A_1149 = arith.andi %convert_element_type3A_1147, %or3A_1131 : vector<8x3200xi32>
    %add3A_1150 = arith.addi %and3A_1149, %or3A_1131 : vector<8x3200xi32>
    %shift_right_arithmetic3A_1151 = arith.constant 16 : i32
    %shift_right_arithmetic3A_1152 = vector.broadcast %shift_right_arithmetic3A_1151 : i32 to vector<8x3200xi32>
    %shift_right_arithmetic3A_1153 = arith.shrsi %add3A_1150, %shift_right_arithmetic3A_1152 : vector<8x3200xi32>
    %and3A_1154 = arith.constant 65535 : i32
    %and3A_1155 = vector.broadcast %and3A_1154 : i32 to vector<8x3200xi32>
    %and3A_1156 = arith.andi %add3A_1150, %and3A_1155 : vector<8x3200xi32>
    %add3A_1157 = arith.constant 1 : i32
    %add3A_1158 = vector.broadcast %add3A_1157 : i32 to vector<8x3200xi32>
    %add3A_1159 = arith.addi %and3A_1156, %add3A_1158 : vector<8x3200xi32>
    %shift_right_arithmetic3A_1160 = arith.constant 16 : i32
    %shift_right_arithmetic3A_1161 = vector.broadcast %shift_right_arithmetic3A_1160 : i32 to vector<8x3200xi32>
    %shift_right_arithmetic3A_1162 = arith.shrsi %add3A_1159, %shift_right_arithmetic3A_1161 : vector<8x3200xi32>
    %broadcast_in_dim3A_1163 = arith.constant 0 : i32
    %broadcast_in_dim3A_1164 = vector.broadcast %broadcast_in_dim3A_1163 : i32 to vector<1x3200xi32>
    %slice3A_1165 = vector.extract_strided_slice %shift_right_arithmetic3A_1153 {offsets = [0, 0], sizes = [7, 3200], strides = [1, 1]} : vector<8x3200xi32> to vector<7x3200xi32>
    %concatenate3A_1166 = tpu.concatenate %broadcast_in_dim3A_1164, %slice3A_1165 in 0 : vector<1x3200xi32>, vector<7x3200xi32> -> vector<8x3200xi32>
    %and3A_1167 = arith.andi %shift_right_arithmetic3A_1162, %concatenate3A_1166 : vector<8x3200xi32>
    %or3A_1168 = arith.ori %shift_right_arithmetic3A_1153, %and3A_1167 : vector<8x3200xi32>
    %broadcast_in_dim3A_1169 = arith.constant 0 : i32
    %broadcast_in_dim3A_1170 = vector.broadcast %broadcast_in_dim3A_1169 : i32 to vector<1x3200xi32>
    %slice3A_1171 = vector.extract_strided_slice %shift_right_arithmetic3A_1162 {offsets = [0, 0], sizes = [7, 3200], strides = [1, 1]} : vector<8x3200xi32> to vector<7x3200xi32>
    %concatenate3A_1172 = tpu.concatenate %broadcast_in_dim3A_1170, %slice3A_1171 in 0 : vector<1x3200xi32>, vector<7x3200xi32> -> vector<8x3200xi32>
    %and3A_1173 = arith.andi %shift_right_arithmetic3A_1162, %concatenate3A_1172 : vector<8x3200xi32>
    %broadcast_in_dim3A_1174 = arith.constant 0 : i32
    %broadcast_in_dim3A_1175 = vector.broadcast %broadcast_in_dim3A_1174 : i32 to vector<2x3200xi32>
    %slice3A_1176 = vector.extract_strided_slice %or3A_1168 {offsets = [0, 0], sizes = [6, 3200], strides = [1, 1]} : vector<8x3200xi32> to vector<6x3200xi32>
    %concatenate3A_1177 = tpu.concatenate %broadcast_in_dim3A_1175, %slice3A_1176 in 0 : vector<2x3200xi32>, vector<6x3200xi32> -> vector<8x3200xi32>
    %and3A_1178 = arith.andi %and3A_1173, %concatenate3A_1177 : vector<8x3200xi32>
    %or3A_1179 = arith.ori %or3A_1168, %and3A_1178 : vector<8x3200xi32>
    %broadcast_in_dim3A_1180 = arith.constant 0 : i32
    %broadcast_in_dim3A_1181 = vector.broadcast %broadcast_in_dim3A_1180 : i32 to vector<2x3200xi32>
    %slice3A_1182 = vector.extract_strided_slice %and3A_1173 {offsets = [0, 0], sizes = [6, 3200], strides = [1, 1]} : vector<8x3200xi32> to vector<6x3200xi32>
    %concatenate3A_1183 = tpu.concatenate %broadcast_in_dim3A_1181, %slice3A_1182 in 0 : vector<2x3200xi32>, vector<6x3200xi32> -> vector<8x3200xi32>
    %and3A_1184 = arith.andi %and3A_1173, %concatenate3A_1183 : vector<8x3200xi32>
    %broadcast_in_dim3A_1185 = arith.constant 0 : i32
    %broadcast_in_dim3A_1186 = vector.broadcast %broadcast_in_dim3A_1185 : i32 to vector<4x3200xi32>
    %slice3A_1187 = vector.extract_strided_slice %or3A_1179 {offsets = [0, 0], sizes = [4, 3200], strides = [1, 1]} : vector<8x3200xi32> to vector<4x3200xi32>
    %concatenate3A_1188 = tpu.concatenate %broadcast_in_dim3A_1186, %slice3A_1187 in 0 : vector<4x3200xi32>, vector<4x3200xi32> -> vector<8x3200xi32>
    %and3A_1189 = arith.andi %and3A_1184, %concatenate3A_1188 : vector<8x3200xi32>
    %or3A_1190 = arith.ori %or3A_1179, %and3A_1189 : vector<8x3200xi32>
    %broadcast_in_dim3A_1191 = arith.constant 0 : i32
    %broadcast_in_dim3A_1192 = vector.broadcast %broadcast_in_dim3A_1191 : i32 to vector<1x3200xi32>
    %slice3A_1193 = vector.extract_strided_slice %or3A_1190 {offsets = [0, 0], sizes = [7, 3200], strides = [1, 1]} : vector<8x3200xi32> to vector<7x3200xi32>
    %concatenate3A_1194 = tpu.concatenate %broadcast_in_dim3A_1192, %slice3A_1193 in 0 : vector<1x3200xi32>, vector<7x3200xi32> -> vector<8x3200xi32>
    %add3A_1195 = arith.addi %and3A_1156, %concatenate3A_1194 : vector<8x3200xi32>
    %and3A_1196 = arith.constant 65535 : i32
    %and3A_1197 = vector.broadcast %and3A_1196 : i32 to vector<8x3200xi32>
    %and3A_1198 = arith.andi %add3A_1195, %and3A_1197 : vector<8x3200xi32>
    %xor3A_1199 = arith.xori %and3A_1198, %or3A_1131 : vector<8x3200xi32>
    %or3A_1200 = arith.ori %xor3A_1199, %convert_element_type3A_1147 : vector<8x3200xi32>
    %or3A_1201 = arith.ori %or3A_1200, %or3A_1131 : vector<8x3200xi32>
    %xor3A_1202 = arith.constant 65535 : i32
    %xor3A_1203 = vector.broadcast %xor3A_1202 : i32 to vector<8x3200xi32>
    %xor3A_1204 = arith.xori %or3A_1201, %xor3A_1203 : vector<8x3200xi32>
    %or3A_1205 = arith.ori %and3A_1132, %xor3A_1204 : vector<8x3200xi32>
    %and3A_1206 = arith.andi %or3A_1131, %or3A_1200 : vector<8x3200xi32>
    %and3A_1207 = arith.andi %or3A_1205, %get3A_15 : vector<8x3200xi32>
    %ne3A_1208 = arith.constant 0 : i32
    %ne3A_1209 = vector.broadcast %ne3A_1208 : i32 to vector<8x3200xi32>
    %ne3A_1210 = arith.cmpi ne, %and3A_1207, %ne3A_1209 : vector<8x3200xi32>
    %jit3A_1211 = arith.constant 1 : i32
    %jit3A_1212 = arith.constant 0 : i32
    %broadcast_in_dim3A_1213 = vector.broadcast %jit3A_1211 : i32 to vector<8x3200xi32>
    %broadcast_in_dim3A_1214 = vector.broadcast %jit3A_1212 : i32 to vector<8x3200xi32>
    %select_n3A_1215 = arith.select %ne3A_1210, %broadcast_in_dim3A_1213, %broadcast_in_dim3A_1214 : vector<8x3200xi1>, vector<8x3200xi32>
    %and3A_1216 = arith.andi %and3A_1206, %get3A_15 : vector<8x3200xi32>
    %ne3A_1217 = arith.constant 0 : i32
    %ne3A_1218 = vector.broadcast %ne3A_1217 : i32 to vector<8x3200xi32>
    %ne3A_1219 = arith.cmpi ne, %and3A_1216, %ne3A_1218 : vector<8x3200xi32>
    %jit3A_1220 = arith.constant 1 : i32
    %jit3A_1221 = arith.constant 0 : i32
    %broadcast_in_dim3A_1222 = vector.broadcast %jit3A_1220 : i32 to vector<8x3200xi32>
    %broadcast_in_dim3A_1223 = vector.broadcast %jit3A_1221 : i32 to vector<8x3200xi32>
    %select_n3A_1224 = arith.select %ne3A_1219, %broadcast_in_dim3A_1222, %broadcast_in_dim3A_1223 : vector<8x3200xi1>, vector<8x3200xi32>
    %add3A_1225 = arith.addi %sub3A_1086, %select_n3A_1215 : vector<8x3200xi32>
    %sub3A_1226 = arith.subi %add3A_1225, %select_n3A_1224 : vector<8x3200xi32>
    %mul3A_1227 = arith.constant 16 : i32
    %mul3A_1228 = arith.muli %arg0, %mul3A_1227 : i32
    %add3A_1229 = arith.constant 8 : i32
    %add3A_1230 = arith.addi %mul3A_1228, %add3A_1229 : i32
    %add3A_1231 = arith.constant 1 : i32
    %add3A_1232 = arith.addi %add3A_1230, %add3A_1231 : i32
    %eq3A_1233 = vector.broadcast %add3A_1232 : i32 to vector<1x3200xi32>
    %eq3A_1234 = arith.cmpi eq, %get3A_27, %eq3A_1233 : vector<1x3200xi32>
    %broadcast_in_dim3A_1235 = vector.shape_cast %eq3A_1234 : vector<1x3200xi1> to vector<1x3200xi1>
    %broadcast_in_dim3A_1236 = vector.broadcast %broadcast_in_dim3A_1235 : vector<1x3200xi1> to vector<8x3200xi1>
    %select_n3A_1237 = arith.select %broadcast_in_dim3A_1236, %sub3A_1226, %select_n3A_1097 : vector<8x3200xi1>, vector<8x3200xi32>
    %shift_left3A_1238 = arith.constant 1 : i32
    %shift_left3A_1239 = vector.broadcast %shift_left3A_1238 : i32 to vector<8x3200xi32>
    %shift_left3A_1240 = arith.shli %or3A_1205, %shift_left3A_1239 : vector<8x3200xi32>
    %and3A_1241 = arith.constant 65535 : i32
    %and3A_1242 = vector.broadcast %and3A_1241 : i32 to vector<8x3200xi32>
    %and3A_1243 = arith.andi %shift_left3A_1240, %and3A_1242 : vector<8x3200xi32>
    %shift_right_arithmetic3A_1244 = arith.constant 15 : i32
    %shift_right_arithmetic3A_1245 = vector.broadcast %shift_right_arithmetic3A_1244 : i32 to vector<8x3200xi32>
    %shift_right_arithmetic3A_1246 = arith.shrsi %or3A_1205, %shift_right_arithmetic3A_1245 : vector<8x3200xi32>
    %broadcast_in_dim3A_1247 = arith.constant 0 : i32
    %broadcast_in_dim3A_1248 = vector.broadcast %broadcast_in_dim3A_1247 : i32 to vector<1x3200xi32>
    %slice3A_1249 = vector.extract_strided_slice %shift_right_arithmetic3A_1246 {offsets = [0, 0], sizes = [7, 3200], strides = [1, 1]} : vector<8x3200xi32> to vector<7x3200xi32>
    %concatenate3A_1250 = tpu.concatenate %broadcast_in_dim3A_1248, %slice3A_1249 in 0 : vector<1x3200xi32>, vector<7x3200xi32> -> vector<8x3200xi32>
    %or3A_1251 = arith.ori %and3A_1243, %concatenate3A_1250 : vector<8x3200xi32>
    %or3A_1252 = arith.ori %or3A_1251, %get3A_18 : vector<8x3200xi32>
    %shift_left3A_1253 = arith.constant 1 : i32
    %shift_left3A_1254 = vector.broadcast %shift_left3A_1253 : i32 to vector<8x3200xi32>
    %shift_left3A_1255 = arith.shli %and3A_1206, %shift_left3A_1254 : vector<8x3200xi32>
    %and3A_1256 = arith.constant 65535 : i32
    %and3A_1257 = vector.broadcast %and3A_1256 : i32 to vector<8x3200xi32>
    %and3A_1258 = arith.andi %shift_left3A_1255, %and3A_1257 : vector<8x3200xi32>
    %shift_right_arithmetic3A_1259 = arith.constant 15 : i32
    %shift_right_arithmetic3A_1260 = vector.broadcast %shift_right_arithmetic3A_1259 : i32 to vector<8x3200xi32>
    %shift_right_arithmetic3A_1261 = arith.shrsi %and3A_1206, %shift_right_arithmetic3A_1260 : vector<8x3200xi32>
    %broadcast_in_dim3A_1262 = arith.constant 0 : i32
    %broadcast_in_dim3A_1263 = vector.broadcast %broadcast_in_dim3A_1262 : i32 to vector<1x3200xi32>
    %slice3A_1264 = vector.extract_strided_slice %shift_right_arithmetic3A_1261 {offsets = [0, 0], sizes = [7, 3200], strides = [1, 1]} : vector<8x3200xi32> to vector<7x3200xi32>
    %concatenate3A_1265 = tpu.concatenate %broadcast_in_dim3A_1263, %slice3A_1264 in 0 : vector<1x3200xi32>, vector<7x3200xi32> -> vector<8x3200xi32>
    %or3A_1266 = arith.ori %and3A_1258, %concatenate3A_1265 : vector<8x3200xi32>
    %or3A_1267 = arith.ori %or3A_1148, %or3A_1252 : vector<8x3200xi32>
    %xor3A_1268 = arith.constant 65535 : i32
    %xor3A_1269 = vector.broadcast %xor3A_1268 : i32 to vector<8x3200xi32>
    %xor3A_1270 = arith.xori %or3A_1267, %xor3A_1269 : vector<8x3200xi32>
    %or3A_1271 = arith.ori %or3A_1266, %xor3A_1270 : vector<8x3200xi32>
    %and3A_1272 = arith.andi %or3A_1252, %or3A_1148 : vector<8x3200xi32>
    %get3A_1273 = arith.constant 9 : index
    %get3A_1274 = arith.constant 0 : index
    %get3A_1275 = arith.constant 0 : index
    %get3A_1276 = vector.load %arg1[%get3A_1273, %get3A_1274, %get3A_1275] : memref<16x1x3200xi32, #tpu.memory_space<vmem>>, vector<1x1x3200xi32>
    %get3A_1277 = vector.shape_cast %get3A_1276 : vector<1x1x3200xi32> to vector<1x3200xi32>
    %eq3A_1278 = vector.broadcast %get3A_1277 : vector<1x3200xi32> to vector<128x3200xi32>
    %eq3A_1279 = arith.cmpi eq, %get3A_21, %eq3A_1278 : vector<128x3200xi32>
    %jit3A_1280 = arith.constant 1.000000e+00 : f32
    %jit3A_1281 = arith.constant 0.000000e+00 : f32
    %broadcast_in_dim3A_1282 = vector.broadcast %jit3A_1280 : f32 to vector<128x3200xf32>
    %broadcast_in_dim3A_1283 = vector.broadcast %jit3A_1281 : f32 to vector<128x3200xf32>
    %select_n3A_1284 = arith.select %eq3A_1279, %broadcast_in_dim3A_1282, %broadcast_in_dim3A_1283 : vector<128x3200xi1>, vector<128x3200xf32>
    %dot_general3A_1285 = arith.constant dense<0.000000e+00> : vector<8x3200xf32>
    %dot_general3A_1286 = tpu.matmul %get3A_24, %select_n3A_1284, %dot_general3A_1285 {dimension_numbers = #tpu.dot_dimension_numbers<[1], [0], [0], [1], [0, 0, 1, 1], [], []>, transpose_lhs_hint = false} : vector<8x128xf32>, vector<128x3200xf32>, vector<8x3200xf32> -> vector<8x3200xf32>
    %convert_element_type3A_1287 = arith.fptosi %dot_general3A_1286 : vector<8x3200xf32> to vector<8x3200xi32>
    %or3A_1288 = arith.ori %convert_element_type3A_1287, %and3A_1272 : vector<8x3200xi32>
    %and3A_1289 = arith.andi %convert_element_type3A_1287, %or3A_1271 : vector<8x3200xi32>
    %add3A_1290 = arith.addi %and3A_1289, %or3A_1271 : vector<8x3200xi32>
    %shift_right_arithmetic3A_1291 = arith.constant 16 : i32
    %shift_right_arithmetic3A_1292 = vector.broadcast %shift_right_arithmetic3A_1291 : i32 to vector<8x3200xi32>
    %shift_right_arithmetic3A_1293 = arith.shrsi %add3A_1290, %shift_right_arithmetic3A_1292 : vector<8x3200xi32>
    %and3A_1294 = arith.constant 65535 : i32
    %and3A_1295 = vector.broadcast %and3A_1294 : i32 to vector<8x3200xi32>
    %and3A_1296 = arith.andi %add3A_1290, %and3A_1295 : vector<8x3200xi32>
    %add3A_1297 = arith.constant 1 : i32
    %add3A_1298 = vector.broadcast %add3A_1297 : i32 to vector<8x3200xi32>
    %add3A_1299 = arith.addi %and3A_1296, %add3A_1298 : vector<8x3200xi32>
    %shift_right_arithmetic3A_1300 = arith.constant 16 : i32
    %shift_right_arithmetic3A_1301 = vector.broadcast %shift_right_arithmetic3A_1300 : i32 to vector<8x3200xi32>
    %shift_right_arithmetic3A_1302 = arith.shrsi %add3A_1299, %shift_right_arithmetic3A_1301 : vector<8x3200xi32>
    %broadcast_in_dim3A_1303 = arith.constant 0 : i32
    %broadcast_in_dim3A_1304 = vector.broadcast %broadcast_in_dim3A_1303 : i32 to vector<1x3200xi32>
    %slice3A_1305 = vector.extract_strided_slice %shift_right_arithmetic3A_1293 {offsets = [0, 0], sizes = [7, 3200], strides = [1, 1]} : vector<8x3200xi32> to vector<7x3200xi32>
    %concatenate3A_1306 = tpu.concatenate %broadcast_in_dim3A_1304, %slice3A_1305 in 0 : vector<1x3200xi32>, vector<7x3200xi32> -> vector<8x3200xi32>
    %and3A_1307 = arith.andi %shift_right_arithmetic3A_1302, %concatenate3A_1306 : vector<8x3200xi32>
    %or3A_1308 = arith.ori %shift_right_arithmetic3A_1293, %and3A_1307 : vector<8x3200xi32>
    %broadcast_in_dim3A_1309 = arith.constant 0 : i32
    %broadcast_in_dim3A_1310 = vector.broadcast %broadcast_in_dim3A_1309 : i32 to vector<1x3200xi32>
    %slice3A_1311 = vector.extract_strided_slice %shift_right_arithmetic3A_1302 {offsets = [0, 0], sizes = [7, 3200], strides = [1, 1]} : vector<8x3200xi32> to vector<7x3200xi32>
    %concatenate3A_1312 = tpu.concatenate %broadcast_in_dim3A_1310, %slice3A_1311 in 0 : vector<1x3200xi32>, vector<7x3200xi32> -> vector<8x3200xi32>
    %and3A_1313 = arith.andi %shift_right_arithmetic3A_1302, %concatenate3A_1312 : vector<8x3200xi32>
    %broadcast_in_dim3A_1314 = arith.constant 0 : i32
    %broadcast_in_dim3A_1315 = vector.broadcast %broadcast_in_dim3A_1314 : i32 to vector<2x3200xi32>
    %slice3A_1316 = vector.extract_strided_slice %or3A_1308 {offsets = [0, 0], sizes = [6, 3200], strides = [1, 1]} : vector<8x3200xi32> to vector<6x3200xi32>
    %concatenate3A_1317 = tpu.concatenate %broadcast_in_dim3A_1315, %slice3A_1316 in 0 : vector<2x3200xi32>, vector<6x3200xi32> -> vector<8x3200xi32>
    %and3A_1318 = arith.andi %and3A_1313, %concatenate3A_1317 : vector<8x3200xi32>
    %or3A_1319 = arith.ori %or3A_1308, %and3A_1318 : vector<8x3200xi32>
    %broadcast_in_dim3A_1320 = arith.constant 0 : i32
    %broadcast_in_dim3A_1321 = vector.broadcast %broadcast_in_dim3A_1320 : i32 to vector<2x3200xi32>
    %slice3A_1322 = vector.extract_strided_slice %and3A_1313 {offsets = [0, 0], sizes = [6, 3200], strides = [1, 1]} : vector<8x3200xi32> to vector<6x3200xi32>
    %concatenate3A_1323 = tpu.concatenate %broadcast_in_dim3A_1321, %slice3A_1322 in 0 : vector<2x3200xi32>, vector<6x3200xi32> -> vector<8x3200xi32>
    %and3A_1324 = arith.andi %and3A_1313, %concatenate3A_1323 : vector<8x3200xi32>
    %broadcast_in_dim3A_1325 = arith.constant 0 : i32
    %broadcast_in_dim3A_1326 = vector.broadcast %broadcast_in_dim3A_1325 : i32 to vector<4x3200xi32>
    %slice3A_1327 = vector.extract_strided_slice %or3A_1319 {offsets = [0, 0], sizes = [4, 3200], strides = [1, 1]} : vector<8x3200xi32> to vector<4x3200xi32>
    %concatenate3A_1328 = tpu.concatenate %broadcast_in_dim3A_1326, %slice3A_1327 in 0 : vector<4x3200xi32>, vector<4x3200xi32> -> vector<8x3200xi32>
    %and3A_1329 = arith.andi %and3A_1324, %concatenate3A_1328 : vector<8x3200xi32>
    %or3A_1330 = arith.ori %or3A_1319, %and3A_1329 : vector<8x3200xi32>
    %broadcast_in_dim3A_1331 = arith.constant 0 : i32
    %broadcast_in_dim3A_1332 = vector.broadcast %broadcast_in_dim3A_1331 : i32 to vector<1x3200xi32>
    %slice3A_1333 = vector.extract_strided_slice %or3A_1330 {offsets = [0, 0], sizes = [7, 3200], strides = [1, 1]} : vector<8x3200xi32> to vector<7x3200xi32>
    %concatenate3A_1334 = tpu.concatenate %broadcast_in_dim3A_1332, %slice3A_1333 in 0 : vector<1x3200xi32>, vector<7x3200xi32> -> vector<8x3200xi32>
    %add3A_1335 = arith.addi %and3A_1296, %concatenate3A_1334 : vector<8x3200xi32>
    %and3A_1336 = arith.constant 65535 : i32
    %and3A_1337 = vector.broadcast %and3A_1336 : i32 to vector<8x3200xi32>
    %and3A_1338 = arith.andi %add3A_1335, %and3A_1337 : vector<8x3200xi32>
    %xor3A_1339 = arith.xori %and3A_1338, %or3A_1271 : vector<8x3200xi32>
    %or3A_1340 = arith.ori %xor3A_1339, %convert_element_type3A_1287 : vector<8x3200xi32>
    %or3A_1341 = arith.ori %or3A_1340, %or3A_1271 : vector<8x3200xi32>
    %xor3A_1342 = arith.constant 65535 : i32
    %xor3A_1343 = vector.broadcast %xor3A_1342 : i32 to vector<8x3200xi32>
    %xor3A_1344 = arith.xori %or3A_1341, %xor3A_1343 : vector<8x3200xi32>
    %or3A_1345 = arith.ori %and3A_1272, %xor3A_1344 : vector<8x3200xi32>
    %and3A_1346 = arith.andi %or3A_1271, %or3A_1340 : vector<8x3200xi32>
    %and3A_1347 = arith.andi %or3A_1345, %get3A_15 : vector<8x3200xi32>
    %ne3A_1348 = arith.constant 0 : i32
    %ne3A_1349 = vector.broadcast %ne3A_1348 : i32 to vector<8x3200xi32>
    %ne3A_1350 = arith.cmpi ne, %and3A_1347, %ne3A_1349 : vector<8x3200xi32>
    %jit3A_1351 = arith.constant 1 : i32
    %jit3A_1352 = arith.constant 0 : i32
    %broadcast_in_dim3A_1353 = vector.broadcast %jit3A_1351 : i32 to vector<8x3200xi32>
    %broadcast_in_dim3A_1354 = vector.broadcast %jit3A_1352 : i32 to vector<8x3200xi32>
    %select_n3A_1355 = arith.select %ne3A_1350, %broadcast_in_dim3A_1353, %broadcast_in_dim3A_1354 : vector<8x3200xi1>, vector<8x3200xi32>
    %and3A_1356 = arith.andi %and3A_1346, %get3A_15 : vector<8x3200xi32>
    %ne3A_1357 = arith.constant 0 : i32
    %ne3A_1358 = vector.broadcast %ne3A_1357 : i32 to vector<8x3200xi32>
    %ne3A_1359 = arith.cmpi ne, %and3A_1356, %ne3A_1358 : vector<8x3200xi32>
    %jit3A_1360 = arith.constant 1 : i32
    %jit3A_1361 = arith.constant 0 : i32
    %broadcast_in_dim3A_1362 = vector.broadcast %jit3A_1360 : i32 to vector<8x3200xi32>
    %broadcast_in_dim3A_1363 = vector.broadcast %jit3A_1361 : i32 to vector<8x3200xi32>
    %select_n3A_1364 = arith.select %ne3A_1359, %broadcast_in_dim3A_1362, %broadcast_in_dim3A_1363 : vector<8x3200xi1>, vector<8x3200xi32>
    %add3A_1365 = arith.addi %sub3A_1226, %select_n3A_1355 : vector<8x3200xi32>
    %sub3A_1366 = arith.subi %add3A_1365, %select_n3A_1364 : vector<8x3200xi32>
    %mul3A_1367 = arith.constant 16 : i32
    %mul3A_1368 = arith.muli %arg0, %mul3A_1367 : i32
    %add3A_1369 = arith.constant 9 : i32
    %add3A_1370 = arith.addi %mul3A_1368, %add3A_1369 : i32
    %add3A_1371 = arith.constant 1 : i32
    %add3A_1372 = arith.addi %add3A_1370, %add3A_1371 : i32
    %eq3A_1373 = vector.broadcast %add3A_1372 : i32 to vector<1x3200xi32>
    %eq3A_1374 = arith.cmpi eq, %get3A_27, %eq3A_1373 : vector<1x3200xi32>
    %broadcast_in_dim3A_1375 = vector.shape_cast %eq3A_1374 : vector<1x3200xi1> to vector<1x3200xi1>
    %broadcast_in_dim3A_1376 = vector.broadcast %broadcast_in_dim3A_1375 : vector<1x3200xi1> to vector<8x3200xi1>
    %select_n3A_1377 = arith.select %broadcast_in_dim3A_1376, %sub3A_1366, %select_n3A_1237 : vector<8x3200xi1>, vector<8x3200xi32>
    %shift_left3A_1378 = arith.constant 1 : i32
    %shift_left3A_1379 = vector.broadcast %shift_left3A_1378 : i32 to vector<8x3200xi32>
    %shift_left3A_1380 = arith.shli %or3A_1345, %shift_left3A_1379 : vector<8x3200xi32>
    %and3A_1381 = arith.constant 65535 : i32
    %and3A_1382 = vector.broadcast %and3A_1381 : i32 to vector<8x3200xi32>
    %and3A_1383 = arith.andi %shift_left3A_1380, %and3A_1382 : vector<8x3200xi32>
    %shift_right_arithmetic3A_1384 = arith.constant 15 : i32
    %shift_right_arithmetic3A_1385 = vector.broadcast %shift_right_arithmetic3A_1384 : i32 to vector<8x3200xi32>
    %shift_right_arithmetic3A_1386 = arith.shrsi %or3A_1345, %shift_right_arithmetic3A_1385 : vector<8x3200xi32>
    %broadcast_in_dim3A_1387 = arith.constant 0 : i32
    %broadcast_in_dim3A_1388 = vector.broadcast %broadcast_in_dim3A_1387 : i32 to vector<1x3200xi32>
    %slice3A_1389 = vector.extract_strided_slice %shift_right_arithmetic3A_1386 {offsets = [0, 0], sizes = [7, 3200], strides = [1, 1]} : vector<8x3200xi32> to vector<7x3200xi32>
    %concatenate3A_1390 = tpu.concatenate %broadcast_in_dim3A_1388, %slice3A_1389 in 0 : vector<1x3200xi32>, vector<7x3200xi32> -> vector<8x3200xi32>
    %or3A_1391 = arith.ori %and3A_1383, %concatenate3A_1390 : vector<8x3200xi32>
    %or3A_1392 = arith.ori %or3A_1391, %get3A_18 : vector<8x3200xi32>
    %shift_left3A_1393 = arith.constant 1 : i32
    %shift_left3A_1394 = vector.broadcast %shift_left3A_1393 : i32 to vector<8x3200xi32>
    %shift_left3A_1395 = arith.shli %and3A_1346, %shift_left3A_1394 : vector<8x3200xi32>
    %and3A_1396 = arith.constant 65535 : i32
    %and3A_1397 = vector.broadcast %and3A_1396 : i32 to vector<8x3200xi32>
    %and3A_1398 = arith.andi %shift_left3A_1395, %and3A_1397 : vector<8x3200xi32>
    %shift_right_arithmetic3A_1399 = arith.constant 15 : i32
    %shift_right_arithmetic3A_1400 = vector.broadcast %shift_right_arithmetic3A_1399 : i32 to vector<8x3200xi32>
    %shift_right_arithmetic3A_1401 = arith.shrsi %and3A_1346, %shift_right_arithmetic3A_1400 : vector<8x3200xi32>
    %broadcast_in_dim3A_1402 = arith.constant 0 : i32
    %broadcast_in_dim3A_1403 = vector.broadcast %broadcast_in_dim3A_1402 : i32 to vector<1x3200xi32>
    %slice3A_1404 = vector.extract_strided_slice %shift_right_arithmetic3A_1401 {offsets = [0, 0], sizes = [7, 3200], strides = [1, 1]} : vector<8x3200xi32> to vector<7x3200xi32>
    %concatenate3A_1405 = tpu.concatenate %broadcast_in_dim3A_1403, %slice3A_1404 in 0 : vector<1x3200xi32>, vector<7x3200xi32> -> vector<8x3200xi32>
    %or3A_1406 = arith.ori %and3A_1398, %concatenate3A_1405 : vector<8x3200xi32>
    %or3A_1407 = arith.ori %or3A_1288, %or3A_1392 : vector<8x3200xi32>
    %xor3A_1408 = arith.constant 65535 : i32
    %xor3A_1409 = vector.broadcast %xor3A_1408 : i32 to vector<8x3200xi32>
    %xor3A_1410 = arith.xori %or3A_1407, %xor3A_1409 : vector<8x3200xi32>
    %or3A_1411 = arith.ori %or3A_1406, %xor3A_1410 : vector<8x3200xi32>
    %and3A_1412 = arith.andi %or3A_1392, %or3A_1288 : vector<8x3200xi32>
    %get3A_1413 = arith.constant 10 : index
    %get3A_1414 = arith.constant 0 : index
    %get3A_1415 = arith.constant 0 : index
    %get3A_1416 = vector.load %arg1[%get3A_1413, %get3A_1414, %get3A_1415] : memref<16x1x3200xi32, #tpu.memory_space<vmem>>, vector<1x1x3200xi32>
    %get3A_1417 = vector.shape_cast %get3A_1416 : vector<1x1x3200xi32> to vector<1x3200xi32>
    %eq3A_1418 = vector.broadcast %get3A_1417 : vector<1x3200xi32> to vector<128x3200xi32>
    %eq3A_1419 = arith.cmpi eq, %get3A_21, %eq3A_1418 : vector<128x3200xi32>
    %jit3A_1420 = arith.constant 1.000000e+00 : f32
    %jit3A_1421 = arith.constant 0.000000e+00 : f32
    %broadcast_in_dim3A_1422 = vector.broadcast %jit3A_1420 : f32 to vector<128x3200xf32>
    %broadcast_in_dim3A_1423 = vector.broadcast %jit3A_1421 : f32 to vector<128x3200xf32>
    %select_n3A_1424 = arith.select %eq3A_1419, %broadcast_in_dim3A_1422, %broadcast_in_dim3A_1423 : vector<128x3200xi1>, vector<128x3200xf32>
    %dot_general3A_1425 = arith.constant dense<0.000000e+00> : vector<8x3200xf32>
    %dot_general3A_1426 = tpu.matmul %get3A_24, %select_n3A_1424, %dot_general3A_1425 {dimension_numbers = #tpu.dot_dimension_numbers<[1], [0], [0], [1], [0, 0, 1, 1], [], []>, transpose_lhs_hint = false} : vector<8x128xf32>, vector<128x3200xf32>, vector<8x3200xf32> -> vector<8x3200xf32>
    %convert_element_type3A_1427 = arith.fptosi %dot_general3A_1426 : vector<8x3200xf32> to vector<8x3200xi32>
    %or3A_1428 = arith.ori %convert_element_type3A_1427, %and3A_1412 : vector<8x3200xi32>
    %and3A_1429 = arith.andi %convert_element_type3A_1427, %or3A_1411 : vector<8x3200xi32>
    %add3A_1430 = arith.addi %and3A_1429, %or3A_1411 : vector<8x3200xi32>
    %shift_right_arithmetic3A_1431 = arith.constant 16 : i32
    %shift_right_arithmetic3A_1432 = vector.broadcast %shift_right_arithmetic3A_1431 : i32 to vector<8x3200xi32>
    %shift_right_arithmetic3A_1433 = arith.shrsi %add3A_1430, %shift_right_arithmetic3A_1432 : vector<8x3200xi32>
    %and3A_1434 = arith.constant 65535 : i32
    %and3A_1435 = vector.broadcast %and3A_1434 : i32 to vector<8x3200xi32>
    %and3A_1436 = arith.andi %add3A_1430, %and3A_1435 : vector<8x3200xi32>
    %add3A_1437 = arith.constant 1 : i32
    %add3A_1438 = vector.broadcast %add3A_1437 : i32 to vector<8x3200xi32>
    %add3A_1439 = arith.addi %and3A_1436, %add3A_1438 : vector<8x3200xi32>
    %shift_right_arithmetic3A_1440 = arith.constant 16 : i32
    %shift_right_arithmetic3A_1441 = vector.broadcast %shift_right_arithmetic3A_1440 : i32 to vector<8x3200xi32>
    %shift_right_arithmetic3A_1442 = arith.shrsi %add3A_1439, %shift_right_arithmetic3A_1441 : vector<8x3200xi32>
    %broadcast_in_dim3A_1443 = arith.constant 0 : i32
    %broadcast_in_dim3A_1444 = vector.broadcast %broadcast_in_dim3A_1443 : i32 to vector<1x3200xi32>
    %slice3A_1445 = vector.extract_strided_slice %shift_right_arithmetic3A_1433 {offsets = [0, 0], sizes = [7, 3200], strides = [1, 1]} : vector<8x3200xi32> to vector<7x3200xi32>
    %concatenate3A_1446 = tpu.concatenate %broadcast_in_dim3A_1444, %slice3A_1445 in 0 : vector<1x3200xi32>, vector<7x3200xi32> -> vector<8x3200xi32>
    %and3A_1447 = arith.andi %shift_right_arithmetic3A_1442, %concatenate3A_1446 : vector<8x3200xi32>
    %or3A_1448 = arith.ori %shift_right_arithmetic3A_1433, %and3A_1447 : vector<8x3200xi32>
    %broadcast_in_dim3A_1449 = arith.constant 0 : i32
    %broadcast_in_dim3A_1450 = vector.broadcast %broadcast_in_dim3A_1449 : i32 to vector<1x3200xi32>
    %slice3A_1451 = vector.extract_strided_slice %shift_right_arithmetic3A_1442 {offsets = [0, 0], sizes = [7, 3200], strides = [1, 1]} : vector<8x3200xi32> to vector<7x3200xi32>
    %concatenate3A_1452 = tpu.concatenate %broadcast_in_dim3A_1450, %slice3A_1451 in 0 : vector<1x3200xi32>, vector<7x3200xi32> -> vector<8x3200xi32>
    %and3A_1453 = arith.andi %shift_right_arithmetic3A_1442, %concatenate3A_1452 : vector<8x3200xi32>
    %broadcast_in_dim3A_1454 = arith.constant 0 : i32
    %broadcast_in_dim3A_1455 = vector.broadcast %broadcast_in_dim3A_1454 : i32 to vector<2x3200xi32>
    %slice3A_1456 = vector.extract_strided_slice %or3A_1448 {offsets = [0, 0], sizes = [6, 3200], strides = [1, 1]} : vector<8x3200xi32> to vector<6x3200xi32>
    %concatenate3A_1457 = tpu.concatenate %broadcast_in_dim3A_1455, %slice3A_1456 in 0 : vector<2x3200xi32>, vector<6x3200xi32> -> vector<8x3200xi32>
    %and3A_1458 = arith.andi %and3A_1453, %concatenate3A_1457 : vector<8x3200xi32>
    %or3A_1459 = arith.ori %or3A_1448, %and3A_1458 : vector<8x3200xi32>
    %broadcast_in_dim3A_1460 = arith.constant 0 : i32
    %broadcast_in_dim3A_1461 = vector.broadcast %broadcast_in_dim3A_1460 : i32 to vector<2x3200xi32>
    %slice3A_1462 = vector.extract_strided_slice %and3A_1453 {offsets = [0, 0], sizes = [6, 3200], strides = [1, 1]} : vector<8x3200xi32> to vector<6x3200xi32>
    %concatenate3A_1463 = tpu.concatenate %broadcast_in_dim3A_1461, %slice3A_1462 in 0 : vector<2x3200xi32>, vector<6x3200xi32> -> vector<8x3200xi32>
    %and3A_1464 = arith.andi %and3A_1453, %concatenate3A_1463 : vector<8x3200xi32>
    %broadcast_in_dim3A_1465 = arith.constant 0 : i32
    %broadcast_in_dim3A_1466 = vector.broadcast %broadcast_in_dim3A_1465 : i32 to vector<4x3200xi32>
    %slice3A_1467 = vector.extract_strided_slice %or3A_1459 {offsets = [0, 0], sizes = [4, 3200], strides = [1, 1]} : vector<8x3200xi32> to vector<4x3200xi32>
    %concatenate3A_1468 = tpu.concatenate %broadcast_in_dim3A_1466, %slice3A_1467 in 0 : vector<4x3200xi32>, vector<4x3200xi32> -> vector<8x3200xi32>
    %and3A_1469 = arith.andi %and3A_1464, %concatenate3A_1468 : vector<8x3200xi32>
    %or3A_1470 = arith.ori %or3A_1459, %and3A_1469 : vector<8x3200xi32>
    %broadcast_in_dim3A_1471 = arith.constant 0 : i32
    %broadcast_in_dim3A_1472 = vector.broadcast %broadcast_in_dim3A_1471 : i32 to vector<1x3200xi32>
    %slice3A_1473 = vector.extract_strided_slice %or3A_1470 {offsets = [0, 0], sizes = [7, 3200], strides = [1, 1]} : vector<8x3200xi32> to vector<7x3200xi32>
    %concatenate3A_1474 = tpu.concatenate %broadcast_in_dim3A_1472, %slice3A_1473 in 0 : vector<1x3200xi32>, vector<7x3200xi32> -> vector<8x3200xi32>
    %add3A_1475 = arith.addi %and3A_1436, %concatenate3A_1474 : vector<8x3200xi32>
    %and3A_1476 = arith.constant 65535 : i32
    %and3A_1477 = vector.broadcast %and3A_1476 : i32 to vector<8x3200xi32>
    %and3A_1478 = arith.andi %add3A_1475, %and3A_1477 : vector<8x3200xi32>
    %xor3A_1479 = arith.xori %and3A_1478, %or3A_1411 : vector<8x3200xi32>
    %or3A_1480 = arith.ori %xor3A_1479, %convert_element_type3A_1427 : vector<8x3200xi32>
    %or3A_1481 = arith.ori %or3A_1480, %or3A_1411 : vector<8x3200xi32>
    %xor3A_1482 = arith.constant 65535 : i32
    %xor3A_1483 = vector.broadcast %xor3A_1482 : i32 to vector<8x3200xi32>
    %xor3A_1484 = arith.xori %or3A_1481, %xor3A_1483 : vector<8x3200xi32>
    %or3A_1485 = arith.ori %and3A_1412, %xor3A_1484 : vector<8x3200xi32>
    %and3A_1486 = arith.andi %or3A_1411, %or3A_1480 : vector<8x3200xi32>
    %and3A_1487 = arith.andi %or3A_1485, %get3A_15 : vector<8x3200xi32>
    %ne3A_1488 = arith.constant 0 : i32
    %ne3A_1489 = vector.broadcast %ne3A_1488 : i32 to vector<8x3200xi32>
    %ne3A_1490 = arith.cmpi ne, %and3A_1487, %ne3A_1489 : vector<8x3200xi32>
    %jit3A_1491 = arith.constant 1 : i32
    %jit3A_1492 = arith.constant 0 : i32
    %broadcast_in_dim3A_1493 = vector.broadcast %jit3A_1491 : i32 to vector<8x3200xi32>
    %broadcast_in_dim3A_1494 = vector.broadcast %jit3A_1492 : i32 to vector<8x3200xi32>
    %select_n3A_1495 = arith.select %ne3A_1490, %broadcast_in_dim3A_1493, %broadcast_in_dim3A_1494 : vector<8x3200xi1>, vector<8x3200xi32>
    %and3A_1496 = arith.andi %and3A_1486, %get3A_15 : vector<8x3200xi32>
    %ne3A_1497 = arith.constant 0 : i32
    %ne3A_1498 = vector.broadcast %ne3A_1497 : i32 to vector<8x3200xi32>
    %ne3A_1499 = arith.cmpi ne, %and3A_1496, %ne3A_1498 : vector<8x3200xi32>
    %jit3A_1500 = arith.constant 1 : i32
    %jit3A_1501 = arith.constant 0 : i32
    %broadcast_in_dim3A_1502 = vector.broadcast %jit3A_1500 : i32 to vector<8x3200xi32>
    %broadcast_in_dim3A_1503 = vector.broadcast %jit3A_1501 : i32 to vector<8x3200xi32>
    %select_n3A_1504 = arith.select %ne3A_1499, %broadcast_in_dim3A_1502, %broadcast_in_dim3A_1503 : vector<8x3200xi1>, vector<8x3200xi32>
    %add3A_1505 = arith.addi %sub3A_1366, %select_n3A_1495 : vector<8x3200xi32>
    %sub3A_1506 = arith.subi %add3A_1505, %select_n3A_1504 : vector<8x3200xi32>
    %mul3A_1507 = arith.constant 16 : i32
    %mul3A_1508 = arith.muli %arg0, %mul3A_1507 : i32
    %add3A_1509 = arith.constant 10 : i32
    %add3A_1510 = arith.addi %mul3A_1508, %add3A_1509 : i32
    %add3A_1511 = arith.constant 1 : i32
    %add3A_1512 = arith.addi %add3A_1510, %add3A_1511 : i32
    %eq3A_1513 = vector.broadcast %add3A_1512 : i32 to vector<1x3200xi32>
    %eq3A_1514 = arith.cmpi eq, %get3A_27, %eq3A_1513 : vector<1x3200xi32>
    %broadcast_in_dim3A_1515 = vector.shape_cast %eq3A_1514 : vector<1x3200xi1> to vector<1x3200xi1>
    %broadcast_in_dim3A_1516 = vector.broadcast %broadcast_in_dim3A_1515 : vector<1x3200xi1> to vector<8x3200xi1>
    %select_n3A_1517 = arith.select %broadcast_in_dim3A_1516, %sub3A_1506, %select_n3A_1377 : vector<8x3200xi1>, vector<8x3200xi32>
    %shift_left3A_1518 = arith.constant 1 : i32
    %shift_left3A_1519 = vector.broadcast %shift_left3A_1518 : i32 to vector<8x3200xi32>
    %shift_left3A_1520 = arith.shli %or3A_1485, %shift_left3A_1519 : vector<8x3200xi32>
    %and3A_1521 = arith.constant 65535 : i32
    %and3A_1522 = vector.broadcast %and3A_1521 : i32 to vector<8x3200xi32>
    %and3A_1523 = arith.andi %shift_left3A_1520, %and3A_1522 : vector<8x3200xi32>
    %shift_right_arithmetic3A_1524 = arith.constant 15 : i32
    %shift_right_arithmetic3A_1525 = vector.broadcast %shift_right_arithmetic3A_1524 : i32 to vector<8x3200xi32>
    %shift_right_arithmetic3A_1526 = arith.shrsi %or3A_1485, %shift_right_arithmetic3A_1525 : vector<8x3200xi32>
    %broadcast_in_dim3A_1527 = arith.constant 0 : i32
    %broadcast_in_dim3A_1528 = vector.broadcast %broadcast_in_dim3A_1527 : i32 to vector<1x3200xi32>
    %slice3A_1529 = vector.extract_strided_slice %shift_right_arithmetic3A_1526 {offsets = [0, 0], sizes = [7, 3200], strides = [1, 1]} : vector<8x3200xi32> to vector<7x3200xi32>
    %concatenate3A_1530 = tpu.concatenate %broadcast_in_dim3A_1528, %slice3A_1529 in 0 : vector<1x3200xi32>, vector<7x3200xi32> -> vector<8x3200xi32>
    %or3A_1531 = arith.ori %and3A_1523, %concatenate3A_1530 : vector<8x3200xi32>
    %or3A_1532 = arith.ori %or3A_1531, %get3A_18 : vector<8x3200xi32>
    %shift_left3A_1533 = arith.constant 1 : i32
    %shift_left3A_1534 = vector.broadcast %shift_left3A_1533 : i32 to vector<8x3200xi32>
    %shift_left3A_1535 = arith.shli %and3A_1486, %shift_left3A_1534 : vector<8x3200xi32>
    %and3A_1536 = arith.constant 65535 : i32
    %and3A_1537 = vector.broadcast %and3A_1536 : i32 to vector<8x3200xi32>
    %and3A_1538 = arith.andi %shift_left3A_1535, %and3A_1537 : vector<8x3200xi32>
    %shift_right_arithmetic3A_1539 = arith.constant 15 : i32
    %shift_right_arithmetic3A_1540 = vector.broadcast %shift_right_arithmetic3A_1539 : i32 to vector<8x3200xi32>
    %shift_right_arithmetic3A_1541 = arith.shrsi %and3A_1486, %shift_right_arithmetic3A_1540 : vector<8x3200xi32>
    %broadcast_in_dim3A_1542 = arith.constant 0 : i32
    %broadcast_in_dim3A_1543 = vector.broadcast %broadcast_in_dim3A_1542 : i32 to vector<1x3200xi32>
    %slice3A_1544 = vector.extract_strided_slice %shift_right_arithmetic3A_1541 {offsets = [0, 0], sizes = [7, 3200], strides = [1, 1]} : vector<8x3200xi32> to vector<7x3200xi32>
    %concatenate3A_1545 = tpu.concatenate %broadcast_in_dim3A_1543, %slice3A_1544 in 0 : vector<1x3200xi32>, vector<7x3200xi32> -> vector<8x3200xi32>
    %or3A_1546 = arith.ori %and3A_1538, %concatenate3A_1545 : vector<8x3200xi32>
    %or3A_1547 = arith.ori %or3A_1428, %or3A_1532 : vector<8x3200xi32>
    %xor3A_1548 = arith.constant 65535 : i32
    %xor3A_1549 = vector.broadcast %xor3A_1548 : i32 to vector<8x3200xi32>
    %xor3A_1550 = arith.xori %or3A_1547, %xor3A_1549 : vector<8x3200xi32>
    %or3A_1551 = arith.ori %or3A_1546, %xor3A_1550 : vector<8x3200xi32>
    %and3A_1552 = arith.andi %or3A_1532, %or3A_1428 : vector<8x3200xi32>
    %get3A_1553 = arith.constant 11 : index
    %get3A_1554 = arith.constant 0 : index
    %get3A_1555 = arith.constant 0 : index
    %get3A_1556 = vector.load %arg1[%get3A_1553, %get3A_1554, %get3A_1555] : memref<16x1x3200xi32, #tpu.memory_space<vmem>>, vector<1x1x3200xi32>
    %get3A_1557 = vector.shape_cast %get3A_1556 : vector<1x1x3200xi32> to vector<1x3200xi32>
    %eq3A_1558 = vector.broadcast %get3A_1557 : vector<1x3200xi32> to vector<128x3200xi32>
    %eq3A_1559 = arith.cmpi eq, %get3A_21, %eq3A_1558 : vector<128x3200xi32>
    %jit3A_1560 = arith.constant 1.000000e+00 : f32
    %jit3A_1561 = arith.constant 0.000000e+00 : f32
    %broadcast_in_dim3A_1562 = vector.broadcast %jit3A_1560 : f32 to vector<128x3200xf32>
    %broadcast_in_dim3A_1563 = vector.broadcast %jit3A_1561 : f32 to vector<128x3200xf32>
    %select_n3A_1564 = arith.select %eq3A_1559, %broadcast_in_dim3A_1562, %broadcast_in_dim3A_1563 : vector<128x3200xi1>, vector<128x3200xf32>
    %dot_general3A_1565 = arith.constant dense<0.000000e+00> : vector<8x3200xf32>
    %dot_general3A_1566 = tpu.matmul %get3A_24, %select_n3A_1564, %dot_general3A_1565 {dimension_numbers = #tpu.dot_dimension_numbers<[1], [0], [0], [1], [0, 0, 1, 1], [], []>, transpose_lhs_hint = false} : vector<8x128xf32>, vector<128x3200xf32>, vector<8x3200xf32> -> vector<8x3200xf32>
    %convert_element_type3A_1567 = arith.fptosi %dot_general3A_1566 : vector<8x3200xf32> to vector<8x3200xi32>
    %or3A_1568 = arith.ori %convert_element_type3A_1567, %and3A_1552 : vector<8x3200xi32>
    %and3A_1569 = arith.andi %convert_element_type3A_1567, %or3A_1551 : vector<8x3200xi32>
    %add3A_1570 = arith.addi %and3A_1569, %or3A_1551 : vector<8x3200xi32>
    %shift_right_arithmetic3A_1571 = arith.constant 16 : i32
    %shift_right_arithmetic3A_1572 = vector.broadcast %shift_right_arithmetic3A_1571 : i32 to vector<8x3200xi32>
    %shift_right_arithmetic3A_1573 = arith.shrsi %add3A_1570, %shift_right_arithmetic3A_1572 : vector<8x3200xi32>
    %and3A_1574 = arith.constant 65535 : i32
    %and3A_1575 = vector.broadcast %and3A_1574 : i32 to vector<8x3200xi32>
    %and3A_1576 = arith.andi %add3A_1570, %and3A_1575 : vector<8x3200xi32>
    %add3A_1577 = arith.constant 1 : i32
    %add3A_1578 = vector.broadcast %add3A_1577 : i32 to vector<8x3200xi32>
    %add3A_1579 = arith.addi %and3A_1576, %add3A_1578 : vector<8x3200xi32>
    %shift_right_arithmetic3A_1580 = arith.constant 16 : i32
    %shift_right_arithmetic3A_1581 = vector.broadcast %shift_right_arithmetic3A_1580 : i32 to vector<8x3200xi32>
    %shift_right_arithmetic3A_1582 = arith.shrsi %add3A_1579, %shift_right_arithmetic3A_1581 : vector<8x3200xi32>
    %broadcast_in_dim3A_1583 = arith.constant 0 : i32
    %broadcast_in_dim3A_1584 = vector.broadcast %broadcast_in_dim3A_1583 : i32 to vector<1x3200xi32>
    %slice3A_1585 = vector.extract_strided_slice %shift_right_arithmetic3A_1573 {offsets = [0, 0], sizes = [7, 3200], strides = [1, 1]} : vector<8x3200xi32> to vector<7x3200xi32>
    %concatenate3A_1586 = tpu.concatenate %broadcast_in_dim3A_1584, %slice3A_1585 in 0 : vector<1x3200xi32>, vector<7x3200xi32> -> vector<8x3200xi32>
    %and3A_1587 = arith.andi %shift_right_arithmetic3A_1582, %concatenate3A_1586 : vector<8x3200xi32>
    %or3A_1588 = arith.ori %shift_right_arithmetic3A_1573, %and3A_1587 : vector<8x3200xi32>
    %broadcast_in_dim3A_1589 = arith.constant 0 : i32
    %broadcast_in_dim3A_1590 = vector.broadcast %broadcast_in_dim3A_1589 : i32 to vector<1x3200xi32>
    %slice3A_1591 = vector.extract_strided_slice %shift_right_arithmetic3A_1582 {offsets = [0, 0], sizes = [7, 3200], strides = [1, 1]} : vector<8x3200xi32> to vector<7x3200xi32>
    %concatenate3A_1592 = tpu.concatenate %broadcast_in_dim3A_1590, %slice3A_1591 in 0 : vector<1x3200xi32>, vector<7x3200xi32> -> vector<8x3200xi32>
    %and3A_1593 = arith.andi %shift_right_arithmetic3A_1582, %concatenate3A_1592 : vector<8x3200xi32>
    %broadcast_in_dim3A_1594 = arith.constant 0 : i32
    %broadcast_in_dim3A_1595 = vector.broadcast %broadcast_in_dim3A_1594 : i32 to vector<2x3200xi32>
    %slice3A_1596 = vector.extract_strided_slice %or3A_1588 {offsets = [0, 0], sizes = [6, 3200], strides = [1, 1]} : vector<8x3200xi32> to vector<6x3200xi32>
    %concatenate3A_1597 = tpu.concatenate %broadcast_in_dim3A_1595, %slice3A_1596 in 0 : vector<2x3200xi32>, vector<6x3200xi32> -> vector<8x3200xi32>
    %and3A_1598 = arith.andi %and3A_1593, %concatenate3A_1597 : vector<8x3200xi32>
    %or3A_1599 = arith.ori %or3A_1588, %and3A_1598 : vector<8x3200xi32>
    %broadcast_in_dim3A_1600 = arith.constant 0 : i32
    %broadcast_in_dim3A_1601 = vector.broadcast %broadcast_in_dim3A_1600 : i32 to vector<2x3200xi32>
    %slice3A_1602 = vector.extract_strided_slice %and3A_1593 {offsets = [0, 0], sizes = [6, 3200], strides = [1, 1]} : vector<8x3200xi32> to vector<6x3200xi32>
    %concatenate3A_1603 = tpu.concatenate %broadcast_in_dim3A_1601, %slice3A_1602 in 0 : vector<2x3200xi32>, vector<6x3200xi32> -> vector<8x3200xi32>
    %and3A_1604 = arith.andi %and3A_1593, %concatenate3A_1603 : vector<8x3200xi32>
    %broadcast_in_dim3A_1605 = arith.constant 0 : i32
    %broadcast_in_dim3A_1606 = vector.broadcast %broadcast_in_dim3A_1605 : i32 to vector<4x3200xi32>
    %slice3A_1607 = vector.extract_strided_slice %or3A_1599 {offsets = [0, 0], sizes = [4, 3200], strides = [1, 1]} : vector<8x3200xi32> to vector<4x3200xi32>
    %concatenate3A_1608 = tpu.concatenate %broadcast_in_dim3A_1606, %slice3A_1607 in 0 : vector<4x3200xi32>, vector<4x3200xi32> -> vector<8x3200xi32>
    %and3A_1609 = arith.andi %and3A_1604, %concatenate3A_1608 : vector<8x3200xi32>
    %or3A_1610 = arith.ori %or3A_1599, %and3A_1609 : vector<8x3200xi32>
    %broadcast_in_dim3A_1611 = arith.constant 0 : i32
    %broadcast_in_dim3A_1612 = vector.broadcast %broadcast_in_dim3A_1611 : i32 to vector<1x3200xi32>
    %slice3A_1613 = vector.extract_strided_slice %or3A_1610 {offsets = [0, 0], sizes = [7, 3200], strides = [1, 1]} : vector<8x3200xi32> to vector<7x3200xi32>
    %concatenate3A_1614 = tpu.concatenate %broadcast_in_dim3A_1612, %slice3A_1613 in 0 : vector<1x3200xi32>, vector<7x3200xi32> -> vector<8x3200xi32>
    %add3A_1615 = arith.addi %and3A_1576, %concatenate3A_1614 : vector<8x3200xi32>
    %and3A_1616 = arith.constant 65535 : i32
    %and3A_1617 = vector.broadcast %and3A_1616 : i32 to vector<8x3200xi32>
    %and3A_1618 = arith.andi %add3A_1615, %and3A_1617 : vector<8x3200xi32>
    %xor3A_1619 = arith.xori %and3A_1618, %or3A_1551 : vector<8x3200xi32>
    %or3A_1620 = arith.ori %xor3A_1619, %convert_element_type3A_1567 : vector<8x3200xi32>
    %or3A_1621 = arith.ori %or3A_1620, %or3A_1551 : vector<8x3200xi32>
    %xor3A_1622 = arith.constant 65535 : i32
    %xor3A_1623 = vector.broadcast %xor3A_1622 : i32 to vector<8x3200xi32>
    %xor3A_1624 = arith.xori %or3A_1621, %xor3A_1623 : vector<8x3200xi32>
    %or3A_1625 = arith.ori %and3A_1552, %xor3A_1624 : vector<8x3200xi32>
    %and3A_1626 = arith.andi %or3A_1551, %or3A_1620 : vector<8x3200xi32>
    %and3A_1627 = arith.andi %or3A_1625, %get3A_15 : vector<8x3200xi32>
    %ne3A_1628 = arith.constant 0 : i32
    %ne3A_1629 = vector.broadcast %ne3A_1628 : i32 to vector<8x3200xi32>
    %ne3A_1630 = arith.cmpi ne, %and3A_1627, %ne3A_1629 : vector<8x3200xi32>
    %jit3A_1631 = arith.constant 1 : i32
    %jit3A_1632 = arith.constant 0 : i32
    %broadcast_in_dim3A_1633 = vector.broadcast %jit3A_1631 : i32 to vector<8x3200xi32>
    %broadcast_in_dim3A_1634 = vector.broadcast %jit3A_1632 : i32 to vector<8x3200xi32>
    %select_n3A_1635 = arith.select %ne3A_1630, %broadcast_in_dim3A_1633, %broadcast_in_dim3A_1634 : vector<8x3200xi1>, vector<8x3200xi32>
    %and3A_1636 = arith.andi %and3A_1626, %get3A_15 : vector<8x3200xi32>
    %ne3A_1637 = arith.constant 0 : i32
    %ne3A_1638 = vector.broadcast %ne3A_1637 : i32 to vector<8x3200xi32>
    %ne3A_1639 = arith.cmpi ne, %and3A_1636, %ne3A_1638 : vector<8x3200xi32>
    %jit3A_1640 = arith.constant 1 : i32
    %jit3A_1641 = arith.constant 0 : i32
    %broadcast_in_dim3A_1642 = vector.broadcast %jit3A_1640 : i32 to vector<8x3200xi32>
    %broadcast_in_dim3A_1643 = vector.broadcast %jit3A_1641 : i32 to vector<8x3200xi32>
    %select_n3A_1644 = arith.select %ne3A_1639, %broadcast_in_dim3A_1642, %broadcast_in_dim3A_1643 : vector<8x3200xi1>, vector<8x3200xi32>
    %add3A_1645 = arith.addi %sub3A_1506, %select_n3A_1635 : vector<8x3200xi32>
    %sub3A_1646 = arith.subi %add3A_1645, %select_n3A_1644 : vector<8x3200xi32>
    %mul3A_1647 = arith.constant 16 : i32
    %mul3A_1648 = arith.muli %arg0, %mul3A_1647 : i32
    %add3A_1649 = arith.constant 11 : i32
    %add3A_1650 = arith.addi %mul3A_1648, %add3A_1649 : i32
    %add3A_1651 = arith.constant 1 : i32
    %add3A_1652 = arith.addi %add3A_1650, %add3A_1651 : i32
    %eq3A_1653 = vector.broadcast %add3A_1652 : i32 to vector<1x3200xi32>
    %eq3A_1654 = arith.cmpi eq, %get3A_27, %eq3A_1653 : vector<1x3200xi32>
    %broadcast_in_dim3A_1655 = vector.shape_cast %eq3A_1654 : vector<1x3200xi1> to vector<1x3200xi1>
    %broadcast_in_dim3A_1656 = vector.broadcast %broadcast_in_dim3A_1655 : vector<1x3200xi1> to vector<8x3200xi1>
    %select_n3A_1657 = arith.select %broadcast_in_dim3A_1656, %sub3A_1646, %select_n3A_1517 : vector<8x3200xi1>, vector<8x3200xi32>
    %shift_left3A_1658 = arith.constant 1 : i32
    %shift_left3A_1659 = vector.broadcast %shift_left3A_1658 : i32 to vector<8x3200xi32>
    %shift_left3A_1660 = arith.shli %or3A_1625, %shift_left3A_1659 : vector<8x3200xi32>
    %and3A_1661 = arith.constant 65535 : i32
    %and3A_1662 = vector.broadcast %and3A_1661 : i32 to vector<8x3200xi32>
    %and3A_1663 = arith.andi %shift_left3A_1660, %and3A_1662 : vector<8x3200xi32>
    %shift_right_arithmetic3A_1664 = arith.constant 15 : i32
    %shift_right_arithmetic3A_1665 = vector.broadcast %shift_right_arithmetic3A_1664 : i32 to vector<8x3200xi32>
    %shift_right_arithmetic3A_1666 = arith.shrsi %or3A_1625, %shift_right_arithmetic3A_1665 : vector<8x3200xi32>
    %broadcast_in_dim3A_1667 = arith.constant 0 : i32
    %broadcast_in_dim3A_1668 = vector.broadcast %broadcast_in_dim3A_1667 : i32 to vector<1x3200xi32>
    %slice3A_1669 = vector.extract_strided_slice %shift_right_arithmetic3A_1666 {offsets = [0, 0], sizes = [7, 3200], strides = [1, 1]} : vector<8x3200xi32> to vector<7x3200xi32>
    %concatenate3A_1670 = tpu.concatenate %broadcast_in_dim3A_1668, %slice3A_1669 in 0 : vector<1x3200xi32>, vector<7x3200xi32> -> vector<8x3200xi32>
    %or3A_1671 = arith.ori %and3A_1663, %concatenate3A_1670 : vector<8x3200xi32>
    %or3A_1672 = arith.ori %or3A_1671, %get3A_18 : vector<8x3200xi32>
    %shift_left3A_1673 = arith.constant 1 : i32
    %shift_left3A_1674 = vector.broadcast %shift_left3A_1673 : i32 to vector<8x3200xi32>
    %shift_left3A_1675 = arith.shli %and3A_1626, %shift_left3A_1674 : vector<8x3200xi32>
    %and3A_1676 = arith.constant 65535 : i32
    %and3A_1677 = vector.broadcast %and3A_1676 : i32 to vector<8x3200xi32>
    %and3A_1678 = arith.andi %shift_left3A_1675, %and3A_1677 : vector<8x3200xi32>
    %shift_right_arithmetic3A_1679 = arith.constant 15 : i32
    %shift_right_arithmetic3A_1680 = vector.broadcast %shift_right_arithmetic3A_1679 : i32 to vector<8x3200xi32>
    %shift_right_arithmetic3A_1681 = arith.shrsi %and3A_1626, %shift_right_arithmetic3A_1680 : vector<8x3200xi32>
    %broadcast_in_dim3A_1682 = arith.constant 0 : i32
    %broadcast_in_dim3A_1683 = vector.broadcast %broadcast_in_dim3A_1682 : i32 to vector<1x3200xi32>
    %slice3A_1684 = vector.extract_strided_slice %shift_right_arithmetic3A_1681 {offsets = [0, 0], sizes = [7, 3200], strides = [1, 1]} : vector<8x3200xi32> to vector<7x3200xi32>
    %concatenate3A_1685 = tpu.concatenate %broadcast_in_dim3A_1683, %slice3A_1684 in 0 : vector<1x3200xi32>, vector<7x3200xi32> -> vector<8x3200xi32>
    %or3A_1686 = arith.ori %and3A_1678, %concatenate3A_1685 : vector<8x3200xi32>
    %or3A_1687 = arith.ori %or3A_1568, %or3A_1672 : vector<8x3200xi32>
    %xor3A_1688 = arith.constant 65535 : i32
    %xor3A_1689 = vector.broadcast %xor3A_1688 : i32 to vector<8x3200xi32>
    %xor3A_1690 = arith.xori %or3A_1687, %xor3A_1689 : vector<8x3200xi32>
    %or3A_1691 = arith.ori %or3A_1686, %xor3A_1690 : vector<8x3200xi32>
    %and3A_1692 = arith.andi %or3A_1672, %or3A_1568 : vector<8x3200xi32>
    %get3A_1693 = arith.constant 12 : index
    %get3A_1694 = arith.constant 0 : index
    %get3A_1695 = arith.constant 0 : index
    %get3A_1696 = vector.load %arg1[%get3A_1693, %get3A_1694, %get3A_1695] : memref<16x1x3200xi32, #tpu.memory_space<vmem>>, vector<1x1x3200xi32>
    %get3A_1697 = vector.shape_cast %get3A_1696 : vector<1x1x3200xi32> to vector<1x3200xi32>
    %eq3A_1698 = vector.broadcast %get3A_1697 : vector<1x3200xi32> to vector<128x3200xi32>
    %eq3A_1699 = arith.cmpi eq, %get3A_21, %eq3A_1698 : vector<128x3200xi32>
    %jit3A_1700 = arith.constant 1.000000e+00 : f32
    %jit3A_1701 = arith.constant 0.000000e+00 : f32
    %broadcast_in_dim3A_1702 = vector.broadcast %jit3A_1700 : f32 to vector<128x3200xf32>
    %broadcast_in_dim3A_1703 = vector.broadcast %jit3A_1701 : f32 to vector<128x3200xf32>
    %select_n3A_1704 = arith.select %eq3A_1699, %broadcast_in_dim3A_1702, %broadcast_in_dim3A_1703 : vector<128x3200xi1>, vector<128x3200xf32>
    %dot_general3A_1705 = arith.constant dense<0.000000e+00> : vector<8x3200xf32>
    %dot_general3A_1706 = tpu.matmul %get3A_24, %select_n3A_1704, %dot_general3A_1705 {dimension_numbers = #tpu.dot_dimension_numbers<[1], [0], [0], [1], [0, 0, 1, 1], [], []>, transpose_lhs_hint = false} : vector<8x128xf32>, vector<128x3200xf32>, vector<8x3200xf32> -> vector<8x3200xf32>
    %convert_element_type3A_1707 = arith.fptosi %dot_general3A_1706 : vector<8x3200xf32> to vector<8x3200xi32>
    %or3A_1708 = arith.ori %convert_element_type3A_1707, %and3A_1692 : vector<8x3200xi32>
    %and3A_1709 = arith.andi %convert_element_type3A_1707, %or3A_1691 : vector<8x3200xi32>
    %add3A_1710 = arith.addi %and3A_1709, %or3A_1691 : vector<8x3200xi32>
    %shift_right_arithmetic3A_1711 = arith.constant 16 : i32
    %shift_right_arithmetic3A_1712 = vector.broadcast %shift_right_arithmetic3A_1711 : i32 to vector<8x3200xi32>
    %shift_right_arithmetic3A_1713 = arith.shrsi %add3A_1710, %shift_right_arithmetic3A_1712 : vector<8x3200xi32>
    %and3A_1714 = arith.constant 65535 : i32
    %and3A_1715 = vector.broadcast %and3A_1714 : i32 to vector<8x3200xi32>
    %and3A_1716 = arith.andi %add3A_1710, %and3A_1715 : vector<8x3200xi32>
    %add3A_1717 = arith.constant 1 : i32
    %add3A_1718 = vector.broadcast %add3A_1717 : i32 to vector<8x3200xi32>
    %add3A_1719 = arith.addi %and3A_1716, %add3A_1718 : vector<8x3200xi32>
    %shift_right_arithmetic3A_1720 = arith.constant 16 : i32
    %shift_right_arithmetic3A_1721 = vector.broadcast %shift_right_arithmetic3A_1720 : i32 to vector<8x3200xi32>
    %shift_right_arithmetic3A_1722 = arith.shrsi %add3A_1719, %shift_right_arithmetic3A_1721 : vector<8x3200xi32>
    %broadcast_in_dim3A_1723 = arith.constant 0 : i32
    %broadcast_in_dim3A_1724 = vector.broadcast %broadcast_in_dim3A_1723 : i32 to vector<1x3200xi32>
    %slice3A_1725 = vector.extract_strided_slice %shift_right_arithmetic3A_1713 {offsets = [0, 0], sizes = [7, 3200], strides = [1, 1]} : vector<8x3200xi32> to vector<7x3200xi32>
    %concatenate3A_1726 = tpu.concatenate %broadcast_in_dim3A_1724, %slice3A_1725 in 0 : vector<1x3200xi32>, vector<7x3200xi32> -> vector<8x3200xi32>
    %and3A_1727 = arith.andi %shift_right_arithmetic3A_1722, %concatenate3A_1726 : vector<8x3200xi32>
    %or3A_1728 = arith.ori %shift_right_arithmetic3A_1713, %and3A_1727 : vector<8x3200xi32>
    %broadcast_in_dim3A_1729 = arith.constant 0 : i32
    %broadcast_in_dim3A_1730 = vector.broadcast %broadcast_in_dim3A_1729 : i32 to vector<1x3200xi32>
    %slice3A_1731 = vector.extract_strided_slice %shift_right_arithmetic3A_1722 {offsets = [0, 0], sizes = [7, 3200], strides = [1, 1]} : vector<8x3200xi32> to vector<7x3200xi32>
    %concatenate3A_1732 = tpu.concatenate %broadcast_in_dim3A_1730, %slice3A_1731 in 0 : vector<1x3200xi32>, vector<7x3200xi32> -> vector<8x3200xi32>
    %and3A_1733 = arith.andi %shift_right_arithmetic3A_1722, %concatenate3A_1732 : vector<8x3200xi32>
    %broadcast_in_dim3A_1734 = arith.constant 0 : i32
    %broadcast_in_dim3A_1735 = vector.broadcast %broadcast_in_dim3A_1734 : i32 to vector<2x3200xi32>
    %slice3A_1736 = vector.extract_strided_slice %or3A_1728 {offsets = [0, 0], sizes = [6, 3200], strides = [1, 1]} : vector<8x3200xi32> to vector<6x3200xi32>
    %concatenate3A_1737 = tpu.concatenate %broadcast_in_dim3A_1735, %slice3A_1736 in 0 : vector<2x3200xi32>, vector<6x3200xi32> -> vector<8x3200xi32>
    %and3A_1738 = arith.andi %and3A_1733, %concatenate3A_1737 : vector<8x3200xi32>
    %or3A_1739 = arith.ori %or3A_1728, %and3A_1738 : vector<8x3200xi32>
    %broadcast_in_dim3A_1740 = arith.constant 0 : i32
    %broadcast_in_dim3A_1741 = vector.broadcast %broadcast_in_dim3A_1740 : i32 to vector<2x3200xi32>
    %slice3A_1742 = vector.extract_strided_slice %and3A_1733 {offsets = [0, 0], sizes = [6, 3200], strides = [1, 1]} : vector<8x3200xi32> to vector<6x3200xi32>
    %concatenate3A_1743 = tpu.concatenate %broadcast_in_dim3A_1741, %slice3A_1742 in 0 : vector<2x3200xi32>, vector<6x3200xi32> -> vector<8x3200xi32>
    %and3A_1744 = arith.andi %and3A_1733, %concatenate3A_1743 : vector<8x3200xi32>
    %broadcast_in_dim3A_1745 = arith.constant 0 : i32
    %broadcast_in_dim3A_1746 = vector.broadcast %broadcast_in_dim3A_1745 : i32 to vector<4x3200xi32>
    %slice3A_1747 = vector.extract_strided_slice %or3A_1739 {offsets = [0, 0], sizes = [4, 3200], strides = [1, 1]} : vector<8x3200xi32> to vector<4x3200xi32>
    %concatenate3A_1748 = tpu.concatenate %broadcast_in_dim3A_1746, %slice3A_1747 in 0 : vector<4x3200xi32>, vector<4x3200xi32> -> vector<8x3200xi32>
    %and3A_1749 = arith.andi %and3A_1744, %concatenate3A_1748 : vector<8x3200xi32>
    %or3A_1750 = arith.ori %or3A_1739, %and3A_1749 : vector<8x3200xi32>
    %broadcast_in_dim3A_1751 = arith.constant 0 : i32
    %broadcast_in_dim3A_1752 = vector.broadcast %broadcast_in_dim3A_1751 : i32 to vector<1x3200xi32>
    %slice3A_1753 = vector.extract_strided_slice %or3A_1750 {offsets = [0, 0], sizes = [7, 3200], strides = [1, 1]} : vector<8x3200xi32> to vector<7x3200xi32>
    %concatenate3A_1754 = tpu.concatenate %broadcast_in_dim3A_1752, %slice3A_1753 in 0 : vector<1x3200xi32>, vector<7x3200xi32> -> vector<8x3200xi32>
    %add3A_1755 = arith.addi %and3A_1716, %concatenate3A_1754 : vector<8x3200xi32>
    %and3A_1756 = arith.constant 65535 : i32
    %and3A_1757 = vector.broadcast %and3A_1756 : i32 to vector<8x3200xi32>
    %and3A_1758 = arith.andi %add3A_1755, %and3A_1757 : vector<8x3200xi32>
    %xor3A_1759 = arith.xori %and3A_1758, %or3A_1691 : vector<8x3200xi32>
    %or3A_1760 = arith.ori %xor3A_1759, %convert_element_type3A_1707 : vector<8x3200xi32>
    %or3A_1761 = arith.ori %or3A_1760, %or3A_1691 : vector<8x3200xi32>
    %xor3A_1762 = arith.constant 65535 : i32
    %xor3A_1763 = vector.broadcast %xor3A_1762 : i32 to vector<8x3200xi32>
    %xor3A_1764 = arith.xori %or3A_1761, %xor3A_1763 : vector<8x3200xi32>
    %or3A_1765 = arith.ori %and3A_1692, %xor3A_1764 : vector<8x3200xi32>
    %and3A_1766 = arith.andi %or3A_1691, %or3A_1760 : vector<8x3200xi32>
    %and3A_1767 = arith.andi %or3A_1765, %get3A_15 : vector<8x3200xi32>
    %ne3A_1768 = arith.constant 0 : i32
    %ne3A_1769 = vector.broadcast %ne3A_1768 : i32 to vector<8x3200xi32>
    %ne3A_1770 = arith.cmpi ne, %and3A_1767, %ne3A_1769 : vector<8x3200xi32>
    %jit3A_1771 = arith.constant 1 : i32
    %jit3A_1772 = arith.constant 0 : i32
    %broadcast_in_dim3A_1773 = vector.broadcast %jit3A_1771 : i32 to vector<8x3200xi32>
    %broadcast_in_dim3A_1774 = vector.broadcast %jit3A_1772 : i32 to vector<8x3200xi32>
    %select_n3A_1775 = arith.select %ne3A_1770, %broadcast_in_dim3A_1773, %broadcast_in_dim3A_1774 : vector<8x3200xi1>, vector<8x3200xi32>
    %and3A_1776 = arith.andi %and3A_1766, %get3A_15 : vector<8x3200xi32>
    %ne3A_1777 = arith.constant 0 : i32
    %ne3A_1778 = vector.broadcast %ne3A_1777 : i32 to vector<8x3200xi32>
    %ne3A_1779 = arith.cmpi ne, %and3A_1776, %ne3A_1778 : vector<8x3200xi32>
    %jit3A_1780 = arith.constant 1 : i32
    %jit3A_1781 = arith.constant 0 : i32
    %broadcast_in_dim3A_1782 = vector.broadcast %jit3A_1780 : i32 to vector<8x3200xi32>
    %broadcast_in_dim3A_1783 = vector.broadcast %jit3A_1781 : i32 to vector<8x3200xi32>
    %select_n3A_1784 = arith.select %ne3A_1779, %broadcast_in_dim3A_1782, %broadcast_in_dim3A_1783 : vector<8x3200xi1>, vector<8x3200xi32>
    %add3A_1785 = arith.addi %sub3A_1646, %select_n3A_1775 : vector<8x3200xi32>
    %sub3A_1786 = arith.subi %add3A_1785, %select_n3A_1784 : vector<8x3200xi32>
    %mul3A_1787 = arith.constant 16 : i32
    %mul3A_1788 = arith.muli %arg0, %mul3A_1787 : i32
    %add3A_1789 = arith.constant 12 : i32
    %add3A_1790 = arith.addi %mul3A_1788, %add3A_1789 : i32
    %add3A_1791 = arith.constant 1 : i32
    %add3A_1792 = arith.addi %add3A_1790, %add3A_1791 : i32
    %eq3A_1793 = vector.broadcast %add3A_1792 : i32 to vector<1x3200xi32>
    %eq3A_1794 = arith.cmpi eq, %get3A_27, %eq3A_1793 : vector<1x3200xi32>
    %broadcast_in_dim3A_1795 = vector.shape_cast %eq3A_1794 : vector<1x3200xi1> to vector<1x3200xi1>
    %broadcast_in_dim3A_1796 = vector.broadcast %broadcast_in_dim3A_1795 : vector<1x3200xi1> to vector<8x3200xi1>
    %select_n3A_1797 = arith.select %broadcast_in_dim3A_1796, %sub3A_1786, %select_n3A_1657 : vector<8x3200xi1>, vector<8x3200xi32>
    %shift_left3A_1798 = arith.constant 1 : i32
    %shift_left3A_1799 = vector.broadcast %shift_left3A_1798 : i32 to vector<8x3200xi32>
    %shift_left3A_1800 = arith.shli %or3A_1765, %shift_left3A_1799 : vector<8x3200xi32>
    %and3A_1801 = arith.constant 65535 : i32
    %and3A_1802 = vector.broadcast %and3A_1801 : i32 to vector<8x3200xi32>
    %and3A_1803 = arith.andi %shift_left3A_1800, %and3A_1802 : vector<8x3200xi32>
    %shift_right_arithmetic3A_1804 = arith.constant 15 : i32
    %shift_right_arithmetic3A_1805 = vector.broadcast %shift_right_arithmetic3A_1804 : i32 to vector<8x3200xi32>
    %shift_right_arithmetic3A_1806 = arith.shrsi %or3A_1765, %shift_right_arithmetic3A_1805 : vector<8x3200xi32>
    %broadcast_in_dim3A_1807 = arith.constant 0 : i32
    %broadcast_in_dim3A_1808 = vector.broadcast %broadcast_in_dim3A_1807 : i32 to vector<1x3200xi32>
    %slice3A_1809 = vector.extract_strided_slice %shift_right_arithmetic3A_1806 {offsets = [0, 0], sizes = [7, 3200], strides = [1, 1]} : vector<8x3200xi32> to vector<7x3200xi32>
    %concatenate3A_1810 = tpu.concatenate %broadcast_in_dim3A_1808, %slice3A_1809 in 0 : vector<1x3200xi32>, vector<7x3200xi32> -> vector<8x3200xi32>
    %or3A_1811 = arith.ori %and3A_1803, %concatenate3A_1810 : vector<8x3200xi32>
    %or3A_1812 = arith.ori %or3A_1811, %get3A_18 : vector<8x3200xi32>
    %shift_left3A_1813 = arith.constant 1 : i32
    %shift_left3A_1814 = vector.broadcast %shift_left3A_1813 : i32 to vector<8x3200xi32>
    %shift_left3A_1815 = arith.shli %and3A_1766, %shift_left3A_1814 : vector<8x3200xi32>
    %and3A_1816 = arith.constant 65535 : i32
    %and3A_1817 = vector.broadcast %and3A_1816 : i32 to vector<8x3200xi32>
    %and3A_1818 = arith.andi %shift_left3A_1815, %and3A_1817 : vector<8x3200xi32>
    %shift_right_arithmetic3A_1819 = arith.constant 15 : i32
    %shift_right_arithmetic3A_1820 = vector.broadcast %shift_right_arithmetic3A_1819 : i32 to vector<8x3200xi32>
    %shift_right_arithmetic3A_1821 = arith.shrsi %and3A_1766, %shift_right_arithmetic3A_1820 : vector<8x3200xi32>
    %broadcast_in_dim3A_1822 = arith.constant 0 : i32
    %broadcast_in_dim3A_1823 = vector.broadcast %broadcast_in_dim3A_1822 : i32 to vector<1x3200xi32>
    %slice3A_1824 = vector.extract_strided_slice %shift_right_arithmetic3A_1821 {offsets = [0, 0], sizes = [7, 3200], strides = [1, 1]} : vector<8x3200xi32> to vector<7x3200xi32>
    %concatenate3A_1825 = tpu.concatenate %broadcast_in_dim3A_1823, %slice3A_1824 in 0 : vector<1x3200xi32>, vector<7x3200xi32> -> vector<8x3200xi32>
    %or3A_1826 = arith.ori %and3A_1818, %concatenate3A_1825 : vector<8x3200xi32>
    %or3A_1827 = arith.ori %or3A_1708, %or3A_1812 : vector<8x3200xi32>
    %xor3A_1828 = arith.constant 65535 : i32
    %xor3A_1829 = vector.broadcast %xor3A_1828 : i32 to vector<8x3200xi32>
    %xor3A_1830 = arith.xori %or3A_1827, %xor3A_1829 : vector<8x3200xi32>
    %or3A_1831 = arith.ori %or3A_1826, %xor3A_1830 : vector<8x3200xi32>
    %and3A_1832 = arith.andi %or3A_1812, %or3A_1708 : vector<8x3200xi32>
    %get3A_1833 = arith.constant 13 : index
    %get3A_1834 = arith.constant 0 : index
    %get3A_1835 = arith.constant 0 : index
    %get3A_1836 = vector.load %arg1[%get3A_1833, %get3A_1834, %get3A_1835] : memref<16x1x3200xi32, #tpu.memory_space<vmem>>, vector<1x1x3200xi32>
    %get3A_1837 = vector.shape_cast %get3A_1836 : vector<1x1x3200xi32> to vector<1x3200xi32>
    %eq3A_1838 = vector.broadcast %get3A_1837 : vector<1x3200xi32> to vector<128x3200xi32>
    %eq3A_1839 = arith.cmpi eq, %get3A_21, %eq3A_1838 : vector<128x3200xi32>
    %jit3A_1840 = arith.constant 1.000000e+00 : f32
    %jit3A_1841 = arith.constant 0.000000e+00 : f32
    %broadcast_in_dim3A_1842 = vector.broadcast %jit3A_1840 : f32 to vector<128x3200xf32>
    %broadcast_in_dim3A_1843 = vector.broadcast %jit3A_1841 : f32 to vector<128x3200xf32>
    %select_n3A_1844 = arith.select %eq3A_1839, %broadcast_in_dim3A_1842, %broadcast_in_dim3A_1843 : vector<128x3200xi1>, vector<128x3200xf32>
    %dot_general3A_1845 = arith.constant dense<0.000000e+00> : vector<8x3200xf32>
    %dot_general3A_1846 = tpu.matmul %get3A_24, %select_n3A_1844, %dot_general3A_1845 {dimension_numbers = #tpu.dot_dimension_numbers<[1], [0], [0], [1], [0, 0, 1, 1], [], []>, transpose_lhs_hint = false} : vector<8x128xf32>, vector<128x3200xf32>, vector<8x3200xf32> -> vector<8x3200xf32>
    %convert_element_type3A_1847 = arith.fptosi %dot_general3A_1846 : vector<8x3200xf32> to vector<8x3200xi32>
    %or3A_1848 = arith.ori %convert_element_type3A_1847, %and3A_1832 : vector<8x3200xi32>
    %and3A_1849 = arith.andi %convert_element_type3A_1847, %or3A_1831 : vector<8x3200xi32>
    %add3A_1850 = arith.addi %and3A_1849, %or3A_1831 : vector<8x3200xi32>
    %shift_right_arithmetic3A_1851 = arith.constant 16 : i32
    %shift_right_arithmetic3A_1852 = vector.broadcast %shift_right_arithmetic3A_1851 : i32 to vector<8x3200xi32>
    %shift_right_arithmetic3A_1853 = arith.shrsi %add3A_1850, %shift_right_arithmetic3A_1852 : vector<8x3200xi32>
    %and3A_1854 = arith.constant 65535 : i32
    %and3A_1855 = vector.broadcast %and3A_1854 : i32 to vector<8x3200xi32>
    %and3A_1856 = arith.andi %add3A_1850, %and3A_1855 : vector<8x3200xi32>
    %add3A_1857 = arith.constant 1 : i32
    %add3A_1858 = vector.broadcast %add3A_1857 : i32 to vector<8x3200xi32>
    %add3A_1859 = arith.addi %and3A_1856, %add3A_1858 : vector<8x3200xi32>
    %shift_right_arithmetic3A_1860 = arith.constant 16 : i32
    %shift_right_arithmetic3A_1861 = vector.broadcast %shift_right_arithmetic3A_1860 : i32 to vector<8x3200xi32>
    %shift_right_arithmetic3A_1862 = arith.shrsi %add3A_1859, %shift_right_arithmetic3A_1861 : vector<8x3200xi32>
    %broadcast_in_dim3A_1863 = arith.constant 0 : i32
    %broadcast_in_dim3A_1864 = vector.broadcast %broadcast_in_dim3A_1863 : i32 to vector<1x3200xi32>
    %slice3A_1865 = vector.extract_strided_slice %shift_right_arithmetic3A_1853 {offsets = [0, 0], sizes = [7, 3200], strides = [1, 1]} : vector<8x3200xi32> to vector<7x3200xi32>
    %concatenate3A_1866 = tpu.concatenate %broadcast_in_dim3A_1864, %slice3A_1865 in 0 : vector<1x3200xi32>, vector<7x3200xi32> -> vector<8x3200xi32>
    %and3A_1867 = arith.andi %shift_right_arithmetic3A_1862, %concatenate3A_1866 : vector<8x3200xi32>
    %or3A_1868 = arith.ori %shift_right_arithmetic3A_1853, %and3A_1867 : vector<8x3200xi32>
    %broadcast_in_dim3A_1869 = arith.constant 0 : i32
    %broadcast_in_dim3A_1870 = vector.broadcast %broadcast_in_dim3A_1869 : i32 to vector<1x3200xi32>
    %slice3A_1871 = vector.extract_strided_slice %shift_right_arithmetic3A_1862 {offsets = [0, 0], sizes = [7, 3200], strides = [1, 1]} : vector<8x3200xi32> to vector<7x3200xi32>
    %concatenate3A_1872 = tpu.concatenate %broadcast_in_dim3A_1870, %slice3A_1871 in 0 : vector<1x3200xi32>, vector<7x3200xi32> -> vector<8x3200xi32>
    %and3A_1873 = arith.andi %shift_right_arithmetic3A_1862, %concatenate3A_1872 : vector<8x3200xi32>
    %broadcast_in_dim3A_1874 = arith.constant 0 : i32
    %broadcast_in_dim3A_1875 = vector.broadcast %broadcast_in_dim3A_1874 : i32 to vector<2x3200xi32>
    %slice3A_1876 = vector.extract_strided_slice %or3A_1868 {offsets = [0, 0], sizes = [6, 3200], strides = [1, 1]} : vector<8x3200xi32> to vector<6x3200xi32>
    %concatenate3A_1877 = tpu.concatenate %broadcast_in_dim3A_1875, %slice3A_1876 in 0 : vector<2x3200xi32>, vector<6x3200xi32> -> vector<8x3200xi32>
    %and3A_1878 = arith.andi %and3A_1873, %concatenate3A_1877 : vector<8x3200xi32>
    %or3A_1879 = arith.ori %or3A_1868, %and3A_1878 : vector<8x3200xi32>
    %broadcast_in_dim3A_1880 = arith.constant 0 : i32
    %broadcast_in_dim3A_1881 = vector.broadcast %broadcast_in_dim3A_1880 : i32 to vector<2x3200xi32>
    %slice3A_1882 = vector.extract_strided_slice %and3A_1873 {offsets = [0, 0], sizes = [6, 3200], strides = [1, 1]} : vector<8x3200xi32> to vector<6x3200xi32>
    %concatenate3A_1883 = tpu.concatenate %broadcast_in_dim3A_1881, %slice3A_1882 in 0 : vector<2x3200xi32>, vector<6x3200xi32> -> vector<8x3200xi32>
    %and3A_1884 = arith.andi %and3A_1873, %concatenate3A_1883 : vector<8x3200xi32>
    %broadcast_in_dim3A_1885 = arith.constant 0 : i32
    %broadcast_in_dim3A_1886 = vector.broadcast %broadcast_in_dim3A_1885 : i32 to vector<4x3200xi32>
    %slice3A_1887 = vector.extract_strided_slice %or3A_1879 {offsets = [0, 0], sizes = [4, 3200], strides = [1, 1]} : vector<8x3200xi32> to vector<4x3200xi32>
    %concatenate3A_1888 = tpu.concatenate %broadcast_in_dim3A_1886, %slice3A_1887 in 0 : vector<4x3200xi32>, vector<4x3200xi32> -> vector<8x3200xi32>
    %and3A_1889 = arith.andi %and3A_1884, %concatenate3A_1888 : vector<8x3200xi32>
    %or3A_1890 = arith.ori %or3A_1879, %and3A_1889 : vector<8x3200xi32>
    %broadcast_in_dim3A_1891 = arith.constant 0 : i32
    %broadcast_in_dim3A_1892 = vector.broadcast %broadcast_in_dim3A_1891 : i32 to vector<1x3200xi32>
    %slice3A_1893 = vector.extract_strided_slice %or3A_1890 {offsets = [0, 0], sizes = [7, 3200], strides = [1, 1]} : vector<8x3200xi32> to vector<7x3200xi32>
    %concatenate3A_1894 = tpu.concatenate %broadcast_in_dim3A_1892, %slice3A_1893 in 0 : vector<1x3200xi32>, vector<7x3200xi32> -> vector<8x3200xi32>
    %add3A_1895 = arith.addi %and3A_1856, %concatenate3A_1894 : vector<8x3200xi32>
    %and3A_1896 = arith.constant 65535 : i32
    %and3A_1897 = vector.broadcast %and3A_1896 : i32 to vector<8x3200xi32>
    %and3A_1898 = arith.andi %add3A_1895, %and3A_1897 : vector<8x3200xi32>
    %xor3A_1899 = arith.xori %and3A_1898, %or3A_1831 : vector<8x3200xi32>
    %or3A_1900 = arith.ori %xor3A_1899, %convert_element_type3A_1847 : vector<8x3200xi32>
    %or3A_1901 = arith.ori %or3A_1900, %or3A_1831 : vector<8x3200xi32>
    %xor3A_1902 = arith.constant 65535 : i32
    %xor3A_1903 = vector.broadcast %xor3A_1902 : i32 to vector<8x3200xi32>
    %xor3A_1904 = arith.xori %or3A_1901, %xor3A_1903 : vector<8x3200xi32>
    %or3A_1905 = arith.ori %and3A_1832, %xor3A_1904 : vector<8x3200xi32>
    %and3A_1906 = arith.andi %or3A_1831, %or3A_1900 : vector<8x3200xi32>
    %and3A_1907 = arith.andi %or3A_1905, %get3A_15 : vector<8x3200xi32>
    %ne3A_1908 = arith.constant 0 : i32
    %ne3A_1909 = vector.broadcast %ne3A_1908 : i32 to vector<8x3200xi32>
    %ne3A_1910 = arith.cmpi ne, %and3A_1907, %ne3A_1909 : vector<8x3200xi32>
    %jit3A_1911 = arith.constant 1 : i32
    %jit3A_1912 = arith.constant 0 : i32
    %broadcast_in_dim3A_1913 = vector.broadcast %jit3A_1911 : i32 to vector<8x3200xi32>
    %broadcast_in_dim3A_1914 = vector.broadcast %jit3A_1912 : i32 to vector<8x3200xi32>
    %select_n3A_1915 = arith.select %ne3A_1910, %broadcast_in_dim3A_1913, %broadcast_in_dim3A_1914 : vector<8x3200xi1>, vector<8x3200xi32>
    %and3A_1916 = arith.andi %and3A_1906, %get3A_15 : vector<8x3200xi32>
    %ne3A_1917 = arith.constant 0 : i32
    %ne3A_1918 = vector.broadcast %ne3A_1917 : i32 to vector<8x3200xi32>
    %ne3A_1919 = arith.cmpi ne, %and3A_1916, %ne3A_1918 : vector<8x3200xi32>
    %jit3A_1920 = arith.constant 1 : i32
    %jit3A_1921 = arith.constant 0 : i32
    %broadcast_in_dim3A_1922 = vector.broadcast %jit3A_1920 : i32 to vector<8x3200xi32>
    %broadcast_in_dim3A_1923 = vector.broadcast %jit3A_1921 : i32 to vector<8x3200xi32>
    %select_n3A_1924 = arith.select %ne3A_1919, %broadcast_in_dim3A_1922, %broadcast_in_dim3A_1923 : vector<8x3200xi1>, vector<8x3200xi32>
    %add3A_1925 = arith.addi %sub3A_1786, %select_n3A_1915 : vector<8x3200xi32>
    %sub3A_1926 = arith.subi %add3A_1925, %select_n3A_1924 : vector<8x3200xi32>
    %mul3A_1927 = arith.constant 16 : i32
    %mul3A_1928 = arith.muli %arg0, %mul3A_1927 : i32
    %add3A_1929 = arith.constant 13 : i32
    %add3A_1930 = arith.addi %mul3A_1928, %add3A_1929 : i32
    %add3A_1931 = arith.constant 1 : i32
    %add3A_1932 = arith.addi %add3A_1930, %add3A_1931 : i32
    %eq3A_1933 = vector.broadcast %add3A_1932 : i32 to vector<1x3200xi32>
    %eq3A_1934 = arith.cmpi eq, %get3A_27, %eq3A_1933 : vector<1x3200xi32>
    %broadcast_in_dim3A_1935 = vector.shape_cast %eq3A_1934 : vector<1x3200xi1> to vector<1x3200xi1>
    %broadcast_in_dim3A_1936 = vector.broadcast %broadcast_in_dim3A_1935 : vector<1x3200xi1> to vector<8x3200xi1>
    %select_n3A_1937 = arith.select %broadcast_in_dim3A_1936, %sub3A_1926, %select_n3A_1797 : vector<8x3200xi1>, vector<8x3200xi32>
    %shift_left3A_1938 = arith.constant 1 : i32
    %shift_left3A_1939 = vector.broadcast %shift_left3A_1938 : i32 to vector<8x3200xi32>
    %shift_left3A_1940 = arith.shli %or3A_1905, %shift_left3A_1939 : vector<8x3200xi32>
    %and3A_1941 = arith.constant 65535 : i32
    %and3A_1942 = vector.broadcast %and3A_1941 : i32 to vector<8x3200xi32>
    %and3A_1943 = arith.andi %shift_left3A_1940, %and3A_1942 : vector<8x3200xi32>
    %shift_right_arithmetic3A_1944 = arith.constant 15 : i32
    %shift_right_arithmetic3A_1945 = vector.broadcast %shift_right_arithmetic3A_1944 : i32 to vector<8x3200xi32>
    %shift_right_arithmetic3A_1946 = arith.shrsi %or3A_1905, %shift_right_arithmetic3A_1945 : vector<8x3200xi32>
    %broadcast_in_dim3A_1947 = arith.constant 0 : i32
    %broadcast_in_dim3A_1948 = vector.broadcast %broadcast_in_dim3A_1947 : i32 to vector<1x3200xi32>
    %slice3A_1949 = vector.extract_strided_slice %shift_right_arithmetic3A_1946 {offsets = [0, 0], sizes = [7, 3200], strides = [1, 1]} : vector<8x3200xi32> to vector<7x3200xi32>
    %concatenate3A_1950 = tpu.concatenate %broadcast_in_dim3A_1948, %slice3A_1949 in 0 : vector<1x3200xi32>, vector<7x3200xi32> -> vector<8x3200xi32>
    %or3A_1951 = arith.ori %and3A_1943, %concatenate3A_1950 : vector<8x3200xi32>
    %or3A_1952 = arith.ori %or3A_1951, %get3A_18 : vector<8x3200xi32>
    %shift_left3A_1953 = arith.constant 1 : i32
    %shift_left3A_1954 = vector.broadcast %shift_left3A_1953 : i32 to vector<8x3200xi32>
    %shift_left3A_1955 = arith.shli %and3A_1906, %shift_left3A_1954 : vector<8x3200xi32>
    %and3A_1956 = arith.constant 65535 : i32
    %and3A_1957 = vector.broadcast %and3A_1956 : i32 to vector<8x3200xi32>
    %and3A_1958 = arith.andi %shift_left3A_1955, %and3A_1957 : vector<8x3200xi32>
    %shift_right_arithmetic3A_1959 = arith.constant 15 : i32
    %shift_right_arithmetic3A_1960 = vector.broadcast %shift_right_arithmetic3A_1959 : i32 to vector<8x3200xi32>
    %shift_right_arithmetic3A_1961 = arith.shrsi %and3A_1906, %shift_right_arithmetic3A_1960 : vector<8x3200xi32>
    %broadcast_in_dim3A_1962 = arith.constant 0 : i32
    %broadcast_in_dim3A_1963 = vector.broadcast %broadcast_in_dim3A_1962 : i32 to vector<1x3200xi32>
    %slice3A_1964 = vector.extract_strided_slice %shift_right_arithmetic3A_1961 {offsets = [0, 0], sizes = [7, 3200], strides = [1, 1]} : vector<8x3200xi32> to vector<7x3200xi32>
    %concatenate3A_1965 = tpu.concatenate %broadcast_in_dim3A_1963, %slice3A_1964 in 0 : vector<1x3200xi32>, vector<7x3200xi32> -> vector<8x3200xi32>
    %or3A_1966 = arith.ori %and3A_1958, %concatenate3A_1965 : vector<8x3200xi32>
    %or3A_1967 = arith.ori %or3A_1848, %or3A_1952 : vector<8x3200xi32>
    %xor3A_1968 = arith.constant 65535 : i32
    %xor3A_1969 = vector.broadcast %xor3A_1968 : i32 to vector<8x3200xi32>
    %xor3A_1970 = arith.xori %or3A_1967, %xor3A_1969 : vector<8x3200xi32>
    %or3A_1971 = arith.ori %or3A_1966, %xor3A_1970 : vector<8x3200xi32>
    %and3A_1972 = arith.andi %or3A_1952, %or3A_1848 : vector<8x3200xi32>
    %get3A_1973 = arith.constant 14 : index
    %get3A_1974 = arith.constant 0 : index
    %get3A_1975 = arith.constant 0 : index
    %get3A_1976 = vector.load %arg1[%get3A_1973, %get3A_1974, %get3A_1975] : memref<16x1x3200xi32, #tpu.memory_space<vmem>>, vector<1x1x3200xi32>
    %get3A_1977 = vector.shape_cast %get3A_1976 : vector<1x1x3200xi32> to vector<1x3200xi32>
    %eq3A_1978 = vector.broadcast %get3A_1977 : vector<1x3200xi32> to vector<128x3200xi32>
    %eq3A_1979 = arith.cmpi eq, %get3A_21, %eq3A_1978 : vector<128x3200xi32>
    %jit3A_1980 = arith.constant 1.000000e+00 : f32
    %jit3A_1981 = arith.constant 0.000000e+00 : f32
    %broadcast_in_dim3A_1982 = vector.broadcast %jit3A_1980 : f32 to vector<128x3200xf32>
    %broadcast_in_dim3A_1983 = vector.broadcast %jit3A_1981 : f32 to vector<128x3200xf32>
    %select_n3A_1984 = arith.select %eq3A_1979, %broadcast_in_dim3A_1982, %broadcast_in_dim3A_1983 : vector<128x3200xi1>, vector<128x3200xf32>
    %dot_general3A_1985 = arith.constant dense<0.000000e+00> : vector<8x3200xf32>
    %dot_general3A_1986 = tpu.matmul %get3A_24, %select_n3A_1984, %dot_general3A_1985 {dimension_numbers = #tpu.dot_dimension_numbers<[1], [0], [0], [1], [0, 0, 1, 1], [], []>, transpose_lhs_hint = false} : vector<8x128xf32>, vector<128x3200xf32>, vector<8x3200xf32> -> vector<8x3200xf32>
    %convert_element_type3A_1987 = arith.fptosi %dot_general3A_1986 : vector<8x3200xf32> to vector<8x3200xi32>
    %or3A_1988 = arith.ori %convert_element_type3A_1987, %and3A_1972 : vector<8x3200xi32>
    %and3A_1989 = arith.andi %convert_element_type3A_1987, %or3A_1971 : vector<8x3200xi32>
    %add3A_1990 = arith.addi %and3A_1989, %or3A_1971 : vector<8x3200xi32>
    %shift_right_arithmetic3A_1991 = arith.constant 16 : i32
    %shift_right_arithmetic3A_1992 = vector.broadcast %shift_right_arithmetic3A_1991 : i32 to vector<8x3200xi32>
    %shift_right_arithmetic3A_1993 = arith.shrsi %add3A_1990, %shift_right_arithmetic3A_1992 : vector<8x3200xi32>
    %and3A_1994 = arith.constant 65535 : i32
    %and3A_1995 = vector.broadcast %and3A_1994 : i32 to vector<8x3200xi32>
    %and3A_1996 = arith.andi %add3A_1990, %and3A_1995 : vector<8x3200xi32>
    %add3A_1997 = arith.constant 1 : i32
    %add3A_1998 = vector.broadcast %add3A_1997 : i32 to vector<8x3200xi32>
    %add3A_1999 = arith.addi %and3A_1996, %add3A_1998 : vector<8x3200xi32>
    %shift_right_arithmetic3A_2000 = arith.constant 16 : i32
    %shift_right_arithmetic3A_2001 = vector.broadcast %shift_right_arithmetic3A_2000 : i32 to vector<8x3200xi32>
    %shift_right_arithmetic3A_2002 = arith.shrsi %add3A_1999, %shift_right_arithmetic3A_2001 : vector<8x3200xi32>
    %broadcast_in_dim3A_2003 = arith.constant 0 : i32
    %broadcast_in_dim3A_2004 = vector.broadcast %broadcast_in_dim3A_2003 : i32 to vector<1x3200xi32>
    %slice3A_2005 = vector.extract_strided_slice %shift_right_arithmetic3A_1993 {offsets = [0, 0], sizes = [7, 3200], strides = [1, 1]} : vector<8x3200xi32> to vector<7x3200xi32>
    %concatenate3A_2006 = tpu.concatenate %broadcast_in_dim3A_2004, %slice3A_2005 in 0 : vector<1x3200xi32>, vector<7x3200xi32> -> vector<8x3200xi32>
    %and3A_2007 = arith.andi %shift_right_arithmetic3A_2002, %concatenate3A_2006 : vector<8x3200xi32>
    %or3A_2008 = arith.ori %shift_right_arithmetic3A_1993, %and3A_2007 : vector<8x3200xi32>
    %broadcast_in_dim3A_2009 = arith.constant 0 : i32
    %broadcast_in_dim3A_2010 = vector.broadcast %broadcast_in_dim3A_2009 : i32 to vector<1x3200xi32>
    %slice3A_2011 = vector.extract_strided_slice %shift_right_arithmetic3A_2002 {offsets = [0, 0], sizes = [7, 3200], strides = [1, 1]} : vector<8x3200xi32> to vector<7x3200xi32>
    %concatenate3A_2012 = tpu.concatenate %broadcast_in_dim3A_2010, %slice3A_2011 in 0 : vector<1x3200xi32>, vector<7x3200xi32> -> vector<8x3200xi32>
    %and3A_2013 = arith.andi %shift_right_arithmetic3A_2002, %concatenate3A_2012 : vector<8x3200xi32>
    %broadcast_in_dim3A_2014 = arith.constant 0 : i32
    %broadcast_in_dim3A_2015 = vector.broadcast %broadcast_in_dim3A_2014 : i32 to vector<2x3200xi32>
    %slice3A_2016 = vector.extract_strided_slice %or3A_2008 {offsets = [0, 0], sizes = [6, 3200], strides = [1, 1]} : vector<8x3200xi32> to vector<6x3200xi32>
    %concatenate3A_2017 = tpu.concatenate %broadcast_in_dim3A_2015, %slice3A_2016 in 0 : vector<2x3200xi32>, vector<6x3200xi32> -> vector<8x3200xi32>
    %and3A_2018 = arith.andi %and3A_2013, %concatenate3A_2017 : vector<8x3200xi32>
    %or3A_2019 = arith.ori %or3A_2008, %and3A_2018 : vector<8x3200xi32>
    %broadcast_in_dim3A_2020 = arith.constant 0 : i32
    %broadcast_in_dim3A_2021 = vector.broadcast %broadcast_in_dim3A_2020 : i32 to vector<2x3200xi32>
    %slice3A_2022 = vector.extract_strided_slice %and3A_2013 {offsets = [0, 0], sizes = [6, 3200], strides = [1, 1]} : vector<8x3200xi32> to vector<6x3200xi32>
    %concatenate3A_2023 = tpu.concatenate %broadcast_in_dim3A_2021, %slice3A_2022 in 0 : vector<2x3200xi32>, vector<6x3200xi32> -> vector<8x3200xi32>
    %and3A_2024 = arith.andi %and3A_2013, %concatenate3A_2023 : vector<8x3200xi32>
    %broadcast_in_dim3A_2025 = arith.constant 0 : i32
    %broadcast_in_dim3A_2026 = vector.broadcast %broadcast_in_dim3A_2025 : i32 to vector<4x3200xi32>
    %slice3A_2027 = vector.extract_strided_slice %or3A_2019 {offsets = [0, 0], sizes = [4, 3200], strides = [1, 1]} : vector<8x3200xi32> to vector<4x3200xi32>
    %concatenate3A_2028 = tpu.concatenate %broadcast_in_dim3A_2026, %slice3A_2027 in 0 : vector<4x3200xi32>, vector<4x3200xi32> -> vector<8x3200xi32>
    %and3A_2029 = arith.andi %and3A_2024, %concatenate3A_2028 : vector<8x3200xi32>
    %or3A_2030 = arith.ori %or3A_2019, %and3A_2029 : vector<8x3200xi32>
    %broadcast_in_dim3A_2031 = arith.constant 0 : i32
    %broadcast_in_dim3A_2032 = vector.broadcast %broadcast_in_dim3A_2031 : i32 to vector<1x3200xi32>
    %slice3A_2033 = vector.extract_strided_slice %or3A_2030 {offsets = [0, 0], sizes = [7, 3200], strides = [1, 1]} : vector<8x3200xi32> to vector<7x3200xi32>
    %concatenate3A_2034 = tpu.concatenate %broadcast_in_dim3A_2032, %slice3A_2033 in 0 : vector<1x3200xi32>, vector<7x3200xi32> -> vector<8x3200xi32>
    %add3A_2035 = arith.addi %and3A_1996, %concatenate3A_2034 : vector<8x3200xi32>
    %and3A_2036 = arith.constant 65535 : i32
    %and3A_2037 = vector.broadcast %and3A_2036 : i32 to vector<8x3200xi32>
    %and3A_2038 = arith.andi %add3A_2035, %and3A_2037 : vector<8x3200xi32>
    %xor3A_2039 = arith.xori %and3A_2038, %or3A_1971 : vector<8x3200xi32>
    %or3A_2040 = arith.ori %xor3A_2039, %convert_element_type3A_1987 : vector<8x3200xi32>
    %or3A_2041 = arith.ori %or3A_2040, %or3A_1971 : vector<8x3200xi32>
    %xor3A_2042 = arith.constant 65535 : i32
    %xor3A_2043 = vector.broadcast %xor3A_2042 : i32 to vector<8x3200xi32>
    %xor3A_2044 = arith.xori %or3A_2041, %xor3A_2043 : vector<8x3200xi32>
    %or3A_2045 = arith.ori %and3A_1972, %xor3A_2044 : vector<8x3200xi32>
    %and3A_2046 = arith.andi %or3A_1971, %or3A_2040 : vector<8x3200xi32>
    %and3A_2047 = arith.andi %or3A_2045, %get3A_15 : vector<8x3200xi32>
    %ne3A_2048 = arith.constant 0 : i32
    %ne3A_2049 = vector.broadcast %ne3A_2048 : i32 to vector<8x3200xi32>
    %ne3A_2050 = arith.cmpi ne, %and3A_2047, %ne3A_2049 : vector<8x3200xi32>
    %jit3A_2051 = arith.constant 1 : i32
    %jit3A_2052 = arith.constant 0 : i32
    %broadcast_in_dim3A_2053 = vector.broadcast %jit3A_2051 : i32 to vector<8x3200xi32>
    %broadcast_in_dim3A_2054 = vector.broadcast %jit3A_2052 : i32 to vector<8x3200xi32>
    %select_n3A_2055 = arith.select %ne3A_2050, %broadcast_in_dim3A_2053, %broadcast_in_dim3A_2054 : vector<8x3200xi1>, vector<8x3200xi32>
    %and3A_2056 = arith.andi %and3A_2046, %get3A_15 : vector<8x3200xi32>
    %ne3A_2057 = arith.constant 0 : i32
    %ne3A_2058 = vector.broadcast %ne3A_2057 : i32 to vector<8x3200xi32>
    %ne3A_2059 = arith.cmpi ne, %and3A_2056, %ne3A_2058 : vector<8x3200xi32>
    %jit3A_2060 = arith.constant 1 : i32
    %jit3A_2061 = arith.constant 0 : i32
    %broadcast_in_dim3A_2062 = vector.broadcast %jit3A_2060 : i32 to vector<8x3200xi32>
    %broadcast_in_dim3A_2063 = vector.broadcast %jit3A_2061 : i32 to vector<8x3200xi32>
    %select_n3A_2064 = arith.select %ne3A_2059, %broadcast_in_dim3A_2062, %broadcast_in_dim3A_2063 : vector<8x3200xi1>, vector<8x3200xi32>
    %add3A_2065 = arith.addi %sub3A_1926, %select_n3A_2055 : vector<8x3200xi32>
    %sub3A_2066 = arith.subi %add3A_2065, %select_n3A_2064 : vector<8x3200xi32>
    %mul3A_2067 = arith.constant 16 : i32
    %mul3A_2068 = arith.muli %arg0, %mul3A_2067 : i32
    %add3A_2069 = arith.constant 14 : i32
    %add3A_2070 = arith.addi %mul3A_2068, %add3A_2069 : i32
    %add3A_2071 = arith.constant 1 : i32
    %add3A_2072 = arith.addi %add3A_2070, %add3A_2071 : i32
    %eq3A_2073 = vector.broadcast %add3A_2072 : i32 to vector<1x3200xi32>
    %eq3A_2074 = arith.cmpi eq, %get3A_27, %eq3A_2073 : vector<1x3200xi32>
    %broadcast_in_dim3A_2075 = vector.shape_cast %eq3A_2074 : vector<1x3200xi1> to vector<1x3200xi1>
    %broadcast_in_dim3A_2076 = vector.broadcast %broadcast_in_dim3A_2075 : vector<1x3200xi1> to vector<8x3200xi1>
    %select_n3A_2077 = arith.select %broadcast_in_dim3A_2076, %sub3A_2066, %select_n3A_1937 : vector<8x3200xi1>, vector<8x3200xi32>
    %shift_left3A_2078 = arith.constant 1 : i32
    %shift_left3A_2079 = vector.broadcast %shift_left3A_2078 : i32 to vector<8x3200xi32>
    %shift_left3A_2080 = arith.shli %or3A_2045, %shift_left3A_2079 : vector<8x3200xi32>
    %and3A_2081 = arith.constant 65535 : i32
    %and3A_2082 = vector.broadcast %and3A_2081 : i32 to vector<8x3200xi32>
    %and3A_2083 = arith.andi %shift_left3A_2080, %and3A_2082 : vector<8x3200xi32>
    %shift_right_arithmetic3A_2084 = arith.constant 15 : i32
    %shift_right_arithmetic3A_2085 = vector.broadcast %shift_right_arithmetic3A_2084 : i32 to vector<8x3200xi32>
    %shift_right_arithmetic3A_2086 = arith.shrsi %or3A_2045, %shift_right_arithmetic3A_2085 : vector<8x3200xi32>
    %broadcast_in_dim3A_2087 = arith.constant 0 : i32
    %broadcast_in_dim3A_2088 = vector.broadcast %broadcast_in_dim3A_2087 : i32 to vector<1x3200xi32>
    %slice3A_2089 = vector.extract_strided_slice %shift_right_arithmetic3A_2086 {offsets = [0, 0], sizes = [7, 3200], strides = [1, 1]} : vector<8x3200xi32> to vector<7x3200xi32>
    %concatenate3A_2090 = tpu.concatenate %broadcast_in_dim3A_2088, %slice3A_2089 in 0 : vector<1x3200xi32>, vector<7x3200xi32> -> vector<8x3200xi32>
    %or3A_2091 = arith.ori %and3A_2083, %concatenate3A_2090 : vector<8x3200xi32>
    %or3A_2092 = arith.ori %or3A_2091, %get3A_18 : vector<8x3200xi32>
    %shift_left3A_2093 = arith.constant 1 : i32
    %shift_left3A_2094 = vector.broadcast %shift_left3A_2093 : i32 to vector<8x3200xi32>
    %shift_left3A_2095 = arith.shli %and3A_2046, %shift_left3A_2094 : vector<8x3200xi32>
    %and3A_2096 = arith.constant 65535 : i32
    %and3A_2097 = vector.broadcast %and3A_2096 : i32 to vector<8x3200xi32>
    %and3A_2098 = arith.andi %shift_left3A_2095, %and3A_2097 : vector<8x3200xi32>
    %shift_right_arithmetic3A_2099 = arith.constant 15 : i32
    %shift_right_arithmetic3A_2100 = vector.broadcast %shift_right_arithmetic3A_2099 : i32 to vector<8x3200xi32>
    %shift_right_arithmetic3A_2101 = arith.shrsi %and3A_2046, %shift_right_arithmetic3A_2100 : vector<8x3200xi32>
    %broadcast_in_dim3A_2102 = arith.constant 0 : i32
    %broadcast_in_dim3A_2103 = vector.broadcast %broadcast_in_dim3A_2102 : i32 to vector<1x3200xi32>
    %slice3A_2104 = vector.extract_strided_slice %shift_right_arithmetic3A_2101 {offsets = [0, 0], sizes = [7, 3200], strides = [1, 1]} : vector<8x3200xi32> to vector<7x3200xi32>
    %concatenate3A_2105 = tpu.concatenate %broadcast_in_dim3A_2103, %slice3A_2104 in 0 : vector<1x3200xi32>, vector<7x3200xi32> -> vector<8x3200xi32>
    %or3A_2106 = arith.ori %and3A_2098, %concatenate3A_2105 : vector<8x3200xi32>
    %or3A_2107 = arith.ori %or3A_1988, %or3A_2092 : vector<8x3200xi32>
    %xor3A_2108 = arith.constant 65535 : i32
    %xor3A_2109 = vector.broadcast %xor3A_2108 : i32 to vector<8x3200xi32>
    %xor3A_2110 = arith.xori %or3A_2107, %xor3A_2109 : vector<8x3200xi32>
    %or3A_2111 = arith.ori %or3A_2106, %xor3A_2110 : vector<8x3200xi32>
    %and3A_2112 = arith.andi %or3A_2092, %or3A_1988 : vector<8x3200xi32>
    %get3A_2113 = arith.constant 15 : index
    %get3A_2114 = arith.constant 0 : index
    %get3A_2115 = arith.constant 0 : index
    %get3A_2116 = vector.load %arg1[%get3A_2113, %get3A_2114, %get3A_2115] : memref<16x1x3200xi32, #tpu.memory_space<vmem>>, vector<1x1x3200xi32>
    %get3A_2117 = vector.shape_cast %get3A_2116 : vector<1x1x3200xi32> to vector<1x3200xi32>
    %eq3A_2118 = vector.broadcast %get3A_2117 : vector<1x3200xi32> to vector<128x3200xi32>
    %eq3A_2119 = arith.cmpi eq, %get3A_21, %eq3A_2118 : vector<128x3200xi32>
    %jit3A_2120 = arith.constant 1.000000e+00 : f32
    %jit3A_2121 = arith.constant 0.000000e+00 : f32
    %broadcast_in_dim3A_2122 = vector.broadcast %jit3A_2120 : f32 to vector<128x3200xf32>
    %broadcast_in_dim3A_2123 = vector.broadcast %jit3A_2121 : f32 to vector<128x3200xf32>
    %select_n3A_2124 = arith.select %eq3A_2119, %broadcast_in_dim3A_2122, %broadcast_in_dim3A_2123 : vector<128x3200xi1>, vector<128x3200xf32>
    %dot_general3A_2125 = arith.constant dense<0.000000e+00> : vector<8x3200xf32>
    %dot_general3A_2126 = tpu.matmul %get3A_24, %select_n3A_2124, %dot_general3A_2125 {dimension_numbers = #tpu.dot_dimension_numbers<[1], [0], [0], [1], [0, 0, 1, 1], [], []>, transpose_lhs_hint = false} : vector<8x128xf32>, vector<128x3200xf32>, vector<8x3200xf32> -> vector<8x3200xf32>
    %convert_element_type3A_2127 = arith.fptosi %dot_general3A_2126 : vector<8x3200xf32> to vector<8x3200xi32>
    %or3A_2128 = arith.ori %convert_element_type3A_2127, %and3A_2112 : vector<8x3200xi32>
    %and3A_2129 = arith.andi %convert_element_type3A_2127, %or3A_2111 : vector<8x3200xi32>
    %add3A_2130 = arith.addi %and3A_2129, %or3A_2111 : vector<8x3200xi32>
    %shift_right_arithmetic3A_2131 = arith.constant 16 : i32
    %shift_right_arithmetic3A_2132 = vector.broadcast %shift_right_arithmetic3A_2131 : i32 to vector<8x3200xi32>
    %shift_right_arithmetic3A_2133 = arith.shrsi %add3A_2130, %shift_right_arithmetic3A_2132 : vector<8x3200xi32>
    %and3A_2134 = arith.constant 65535 : i32
    %and3A_2135 = vector.broadcast %and3A_2134 : i32 to vector<8x3200xi32>
    %and3A_2136 = arith.andi %add3A_2130, %and3A_2135 : vector<8x3200xi32>
    %add3A_2137 = arith.constant 1 : i32
    %add3A_2138 = vector.broadcast %add3A_2137 : i32 to vector<8x3200xi32>
    %add3A_2139 = arith.addi %and3A_2136, %add3A_2138 : vector<8x3200xi32>
    %shift_right_arithmetic3A_2140 = arith.constant 16 : i32
    %shift_right_arithmetic3A_2141 = vector.broadcast %shift_right_arithmetic3A_2140 : i32 to vector<8x3200xi32>
    %shift_right_arithmetic3A_2142 = arith.shrsi %add3A_2139, %shift_right_arithmetic3A_2141 : vector<8x3200xi32>
    %broadcast_in_dim3A_2143 = arith.constant 0 : i32
    %broadcast_in_dim3A_2144 = vector.broadcast %broadcast_in_dim3A_2143 : i32 to vector<1x3200xi32>
    %slice3A_2145 = vector.extract_strided_slice %shift_right_arithmetic3A_2133 {offsets = [0, 0], sizes = [7, 3200], strides = [1, 1]} : vector<8x3200xi32> to vector<7x3200xi32>
    %concatenate3A_2146 = tpu.concatenate %broadcast_in_dim3A_2144, %slice3A_2145 in 0 : vector<1x3200xi32>, vector<7x3200xi32> -> vector<8x3200xi32>
    %and3A_2147 = arith.andi %shift_right_arithmetic3A_2142, %concatenate3A_2146 : vector<8x3200xi32>
    %or3A_2148 = arith.ori %shift_right_arithmetic3A_2133, %and3A_2147 : vector<8x3200xi32>
    %broadcast_in_dim3A_2149 = arith.constant 0 : i32
    %broadcast_in_dim3A_2150 = vector.broadcast %broadcast_in_dim3A_2149 : i32 to vector<1x3200xi32>
    %slice3A_2151 = vector.extract_strided_slice %shift_right_arithmetic3A_2142 {offsets = [0, 0], sizes = [7, 3200], strides = [1, 1]} : vector<8x3200xi32> to vector<7x3200xi32>
    %concatenate3A_2152 = tpu.concatenate %broadcast_in_dim3A_2150, %slice3A_2151 in 0 : vector<1x3200xi32>, vector<7x3200xi32> -> vector<8x3200xi32>
    %and3A_2153 = arith.andi %shift_right_arithmetic3A_2142, %concatenate3A_2152 : vector<8x3200xi32>
    %broadcast_in_dim3A_2154 = arith.constant 0 : i32
    %broadcast_in_dim3A_2155 = vector.broadcast %broadcast_in_dim3A_2154 : i32 to vector<2x3200xi32>
    %slice3A_2156 = vector.extract_strided_slice %or3A_2148 {offsets = [0, 0], sizes = [6, 3200], strides = [1, 1]} : vector<8x3200xi32> to vector<6x3200xi32>
    %concatenate3A_2157 = tpu.concatenate %broadcast_in_dim3A_2155, %slice3A_2156 in 0 : vector<2x3200xi32>, vector<6x3200xi32> -> vector<8x3200xi32>
    %and3A_2158 = arith.andi %and3A_2153, %concatenate3A_2157 : vector<8x3200xi32>
    %or3A_2159 = arith.ori %or3A_2148, %and3A_2158 : vector<8x3200xi32>
    %broadcast_in_dim3A_2160 = arith.constant 0 : i32
    %broadcast_in_dim3A_2161 = vector.broadcast %broadcast_in_dim3A_2160 : i32 to vector<2x3200xi32>
    %slice3A_2162 = vector.extract_strided_slice %and3A_2153 {offsets = [0, 0], sizes = [6, 3200], strides = [1, 1]} : vector<8x3200xi32> to vector<6x3200xi32>
    %concatenate3A_2163 = tpu.concatenate %broadcast_in_dim3A_2161, %slice3A_2162 in 0 : vector<2x3200xi32>, vector<6x3200xi32> -> vector<8x3200xi32>
    %and3A_2164 = arith.andi %and3A_2153, %concatenate3A_2163 : vector<8x3200xi32>
    %broadcast_in_dim3A_2165 = arith.constant 0 : i32
    %broadcast_in_dim3A_2166 = vector.broadcast %broadcast_in_dim3A_2165 : i32 to vector<4x3200xi32>
    %slice3A_2167 = vector.extract_strided_slice %or3A_2159 {offsets = [0, 0], sizes = [4, 3200], strides = [1, 1]} : vector<8x3200xi32> to vector<4x3200xi32>
    %concatenate3A_2168 = tpu.concatenate %broadcast_in_dim3A_2166, %slice3A_2167 in 0 : vector<4x3200xi32>, vector<4x3200xi32> -> vector<8x3200xi32>
    %and3A_2169 = arith.andi %and3A_2164, %concatenate3A_2168 : vector<8x3200xi32>
    %or3A_2170 = arith.ori %or3A_2159, %and3A_2169 : vector<8x3200xi32>
    %broadcast_in_dim3A_2171 = arith.constant 0 : i32
    %broadcast_in_dim3A_2172 = vector.broadcast %broadcast_in_dim3A_2171 : i32 to vector<1x3200xi32>
    %slice3A_2173 = vector.extract_strided_slice %or3A_2170 {offsets = [0, 0], sizes = [7, 3200], strides = [1, 1]} : vector<8x3200xi32> to vector<7x3200xi32>
    %concatenate3A_2174 = tpu.concatenate %broadcast_in_dim3A_2172, %slice3A_2173 in 0 : vector<1x3200xi32>, vector<7x3200xi32> -> vector<8x3200xi32>
    %add3A_2175 = arith.addi %and3A_2136, %concatenate3A_2174 : vector<8x3200xi32>
    %and3A_2176 = arith.constant 65535 : i32
    %and3A_2177 = vector.broadcast %and3A_2176 : i32 to vector<8x3200xi32>
    %and3A_2178 = arith.andi %add3A_2175, %and3A_2177 : vector<8x3200xi32>
    %xor3A_2179 = arith.xori %and3A_2178, %or3A_2111 : vector<8x3200xi32>
    %or3A_2180 = arith.ori %xor3A_2179, %convert_element_type3A_2127 : vector<8x3200xi32>
    %or3A_2181 = arith.ori %or3A_2180, %or3A_2111 : vector<8x3200xi32>
    %xor3A_2182 = arith.constant 65535 : i32
    %xor3A_2183 = vector.broadcast %xor3A_2182 : i32 to vector<8x3200xi32>
    %xor3A_2184 = arith.xori %or3A_2181, %xor3A_2183 : vector<8x3200xi32>
    %or3A_2185 = arith.ori %and3A_2112, %xor3A_2184 : vector<8x3200xi32>
    %and3A_2186 = arith.andi %or3A_2111, %or3A_2180 : vector<8x3200xi32>
    %and3A_2187 = arith.andi %or3A_2185, %get3A_15 : vector<8x3200xi32>
    %ne3A_2188 = arith.constant 0 : i32
    %ne3A_2189 = vector.broadcast %ne3A_2188 : i32 to vector<8x3200xi32>
    %ne3A_2190 = arith.cmpi ne, %and3A_2187, %ne3A_2189 : vector<8x3200xi32>
    %jit3A_2191 = arith.constant 1 : i32
    %jit3A_2192 = arith.constant 0 : i32
    %broadcast_in_dim3A_2193 = vector.broadcast %jit3A_2191 : i32 to vector<8x3200xi32>
    %broadcast_in_dim3A_2194 = vector.broadcast %jit3A_2192 : i32 to vector<8x3200xi32>
    %select_n3A_2195 = arith.select %ne3A_2190, %broadcast_in_dim3A_2193, %broadcast_in_dim3A_2194 : vector<8x3200xi1>, vector<8x3200xi32>
    %and3A_2196 = arith.andi %and3A_2186, %get3A_15 : vector<8x3200xi32>
    %ne3A_2197 = arith.constant 0 : i32
    %ne3A_2198 = vector.broadcast %ne3A_2197 : i32 to vector<8x3200xi32>
    %ne3A_2199 = arith.cmpi ne, %and3A_2196, %ne3A_2198 : vector<8x3200xi32>
    %jit3A_2200 = arith.constant 1 : i32
    %jit3A_2201 = arith.constant 0 : i32
    %broadcast_in_dim3A_2202 = vector.broadcast %jit3A_2200 : i32 to vector<8x3200xi32>
    %broadcast_in_dim3A_2203 = vector.broadcast %jit3A_2201 : i32 to vector<8x3200xi32>
    %select_n3A_2204 = arith.select %ne3A_2199, %broadcast_in_dim3A_2202, %broadcast_in_dim3A_2203 : vector<8x3200xi1>, vector<8x3200xi32>
    %add3A_2205 = arith.addi %sub3A_2066, %select_n3A_2195 : vector<8x3200xi32>
    %sub3A_2206 = arith.subi %add3A_2205, %select_n3A_2204 : vector<8x3200xi32>
    %mul3A_2207 = arith.constant 16 : i32
    %mul3A_2208 = arith.muli %arg0, %mul3A_2207 : i32
    %add3A_2209 = arith.constant 15 : i32
    %add3A_2210 = arith.addi %mul3A_2208, %add3A_2209 : i32
    %add3A_2211 = arith.constant 1 : i32
    %add3A_2212 = arith.addi %add3A_2210, %add3A_2211 : i32
    %eq3A_2213 = vector.broadcast %add3A_2212 : i32 to vector<1x3200xi32>
    %eq3A_2214 = arith.cmpi eq, %get3A_27, %eq3A_2213 : vector<1x3200xi32>
    %broadcast_in_dim3A_2215 = vector.shape_cast %eq3A_2214 : vector<1x3200xi1> to vector<1x3200xi1>
    %broadcast_in_dim3A_2216 = vector.broadcast %broadcast_in_dim3A_2215 : vector<1x3200xi1> to vector<8x3200xi1>
    %select_n3A_2217 = arith.select %broadcast_in_dim3A_2216, %sub3A_2206, %select_n3A_2077 : vector<8x3200xi1>, vector<8x3200xi32>
    %shift_left3A_2218 = arith.constant 1 : i32
    %shift_left3A_2219 = vector.broadcast %shift_left3A_2218 : i32 to vector<8x3200xi32>
    %shift_left3A_2220 = arith.shli %or3A_2185, %shift_left3A_2219 : vector<8x3200xi32>
    %and3A_2221 = arith.constant 65535 : i32
    %and3A_2222 = vector.broadcast %and3A_2221 : i32 to vector<8x3200xi32>
    %and3A_2223 = arith.andi %shift_left3A_2220, %and3A_2222 : vector<8x3200xi32>
    %shift_right_arithmetic3A_2224 = arith.constant 15 : i32
    %shift_right_arithmetic3A_2225 = vector.broadcast %shift_right_arithmetic3A_2224 : i32 to vector<8x3200xi32>
    %shift_right_arithmetic3A_2226 = arith.shrsi %or3A_2185, %shift_right_arithmetic3A_2225 : vector<8x3200xi32>
    %broadcast_in_dim3A_2227 = arith.constant 0 : i32
    %broadcast_in_dim3A_2228 = vector.broadcast %broadcast_in_dim3A_2227 : i32 to vector<1x3200xi32>
    %slice3A_2229 = vector.extract_strided_slice %shift_right_arithmetic3A_2226 {offsets = [0, 0], sizes = [7, 3200], strides = [1, 1]} : vector<8x3200xi32> to vector<7x3200xi32>
    %concatenate3A_2230 = tpu.concatenate %broadcast_in_dim3A_2228, %slice3A_2229 in 0 : vector<1x3200xi32>, vector<7x3200xi32> -> vector<8x3200xi32>
    %or3A_2231 = arith.ori %and3A_2223, %concatenate3A_2230 : vector<8x3200xi32>
    %or3A_2232 = arith.ori %or3A_2231, %get3A_18 : vector<8x3200xi32>
    %shift_left3A_2233 = arith.constant 1 : i32
    %shift_left3A_2234 = vector.broadcast %shift_left3A_2233 : i32 to vector<8x3200xi32>
    %shift_left3A_2235 = arith.shli %and3A_2186, %shift_left3A_2234 : vector<8x3200xi32>
    %and3A_2236 = arith.constant 65535 : i32
    %and3A_2237 = vector.broadcast %and3A_2236 : i32 to vector<8x3200xi32>
    %and3A_2238 = arith.andi %shift_left3A_2235, %and3A_2237 : vector<8x3200xi32>
    %shift_right_arithmetic3A_2239 = arith.constant 15 : i32
    %shift_right_arithmetic3A_2240 = vector.broadcast %shift_right_arithmetic3A_2239 : i32 to vector<8x3200xi32>
    %shift_right_arithmetic3A_2241 = arith.shrsi %and3A_2186, %shift_right_arithmetic3A_2240 : vector<8x3200xi32>
    %broadcast_in_dim3A_2242 = arith.constant 0 : i32
    %broadcast_in_dim3A_2243 = vector.broadcast %broadcast_in_dim3A_2242 : i32 to vector<1x3200xi32>
    %slice3A_2244 = vector.extract_strided_slice %shift_right_arithmetic3A_2241 {offsets = [0, 0], sizes = [7, 3200], strides = [1, 1]} : vector<8x3200xi32> to vector<7x3200xi32>
    %concatenate3A_2245 = tpu.concatenate %broadcast_in_dim3A_2243, %slice3A_2244 in 0 : vector<1x3200xi32>, vector<7x3200xi32> -> vector<8x3200xi32>
    %or3A_2246 = arith.ori %and3A_2238, %concatenate3A_2245 : vector<8x3200xi32>
    %or3A_2247 = arith.ori %or3A_2128, %or3A_2232 : vector<8x3200xi32>
    %xor3A_2248 = arith.constant 65535 : i32
    %xor3A_2249 = vector.broadcast %xor3A_2248 : i32 to vector<8x3200xi32>
    %xor3A_2250 = arith.xori %or3A_2247, %xor3A_2249 : vector<8x3200xi32>
    %or3A_2251 = arith.ori %or3A_2246, %xor3A_2250 : vector<8x3200xi32>
    %and3A_2252 = arith.andi %or3A_2232, %or3A_2128 : vector<8x3200xi32>
    %swap3A = arith.constant 0 : index
    %swap3A_2253 = arith.constant 0 : index
    %swap3A_2254 = vector.load %arg9[%swap3A, %swap3A_2253] : memref<8x3200xi32, #tpu.memory_space<vmem>>, vector<8x3200xi32>
    tpu.vector_store %arg9[%swap3A, %swap3A_2253], %or3A_2251 {strides = array<i32>} : memref<8x3200xi32, #tpu.memory_space<vmem>>, vector<8x3200xi32>,
    %swap3A_2255 = arith.constant 0 : index
    %swap3A_2256 = arith.constant 0 : index
    %swap3A_2257 = vector.load %arg10[%swap3A_2255, %swap3A_2256] : memref<8x3200xi32, #tpu.memory_space<vmem>>, vector<8x3200xi32>
    tpu.vector_store %arg10[%swap3A_2255, %swap3A_2256], %and3A_2252 {strides = array<i32>} : memref<8x3200xi32, #tpu.memory_space<vmem>>, vector<8x3200xi32>,
    %swap3A_2258 = arith.constant 0 : index
    %swap3A_2259 = arith.constant 0 : index
    %swap3A_2260 = vector.load %arg11[%swap3A_2258, %swap3A_2259] : memref<8x3200xi32, #tpu.memory_space<vmem>>, vector<8x3200xi32>
    tpu.vector_store %arg11[%swap3A_2258, %swap3A_2259], %sub3A_2206 {strides = array<i32>} : memref<8x3200xi32, #tpu.memory_space<vmem>>, vector<8x3200xi32>,
    %swap3A_2261 = arith.constant 0 : index
    %swap3A_2262 = arith.constant 0 : index
    %swap3A_2263 = vector.load %arg12[%swap3A_2261, %swap3A_2262] : memref<8x3200xi32, #tpu.memory_space<vmem>>, vector<8x3200xi32>
    tpu.vector_store %arg12[%swap3A_2261, %swap3A_2262], %select_n3A_2217 {strides = array<i32>} : memref<8x3200xi32, #tpu.memory_space<vmem>>, vector<8x3200xi32>,
    %eq3A_2264 = arith.constant 7 : i32
    %eq3A_2265 = arith.cmpi eq, %arg0, %eq3A_2264 : i32
    %convert_element_type3A_2266 = arith.extui %eq3A_2265 : i1 to i32
    %cond3A_2267 = arith.constant 0 : i32
    %cond3A_2268 = arith.cmpi ne, %convert_element_type3A_2266, %cond3A_2267 : i32
    scf.if %cond3A_2268 {
      %reduce_sum3A = arith.constant dense<0> : vector<3200xi32>
      %reduce_sum3A_2269 = vector.multi_reduction <add>, %select_n3A_2217, %reduce_sum3A [0] : vector<8x3200xi32> to vector<3200xi32>
      %broadcast_in_dim3A_2270 = vector.shape_cast %reduce_sum3A_2269 : vector<3200xi32> to vector<1x3200xi32>
      %convert_element_type3A_2271 = arith.sitofp %broadcast_in_dim3A_2270 : vector<1x3200xi32> to vector<1x3200xf32>
      %swap3A_2272 = arith.constant 0 : index
      %swap3A_2273 = arith.constant 0 : index
      %swap3A_2274 = vector.load %arg7[%swap3A_2272, %swap3A_2273] : memref<1x3200xf32, #tpu.memory_space<vmem>>, vector<1x3200xf32>
      tpu.vector_store %arg7[%swap3A_2272, %swap3A_2273], %convert_element_type3A_2271 {strides = array<i32>} : memref<1x3200xf32, #tpu.memory_space<vmem>>, vector<1x3200xf32>,
    } else {
    }
    return
  }
  func.func @transform_0(%arg0: i32) -> (i32, i32, i32) {
    %c0_i32 = arith.constant 0 : i32
    %c0_i32_0 = arith.constant 0 : i32
    %c0_i32_1 = arith.constant 0 : i32
    return %arg0, %c0_i32, %c0_i32_0 : i32, i32, i32
  }
  func.func @transform_1(%arg0: i32) -> (i32, i32) {
    %c0_i32 = arith.constant 0 : i32
    %c0_i32_0 = arith.constant 0 : i32
    %c0_i32_1 = arith.constant 0 : i32
    return %c0_i32, %c0_i32_0 : i32, i32
  }
  func.func @transform_2(%arg0: i32) -> (i32, i32) {
    %c0_i32 = arith.constant 0 : i32
    %c0_i32_0 = arith.constant 0 : i32
    %c0_i32_1 = arith.constant 0 : i32
    return %c0_i32, %c0_i32_0 : i32, i32
  }
  func.func @transform_3(%arg0: i32) -> (i32, i32) {
    %c0_i32 = arith.constant 0 : i32
    %c0_i32_0 = arith.constant 0 : i32
    %c0_i32_1 = arith.constant 0 : i32
    return %c0_i32, %c0_i32_0 : i32, i32
  }
  func.func @transform_4(%arg0: i32) -> (i32, i32) {
    %c0_i32 = arith.constant 0 : i32
    %c0_i32_0 = arith.constant 0 : i32
    %c0_i32_1 = arith.constant 0 : i32
    return %c0_i32, %c0_i32_0 : i32, i32
  }
  func.func @transform_5(%arg0: i32) -> (i32, i32) {
    %c0_i32 = arith.constant 0 : i32
    %c0_i32_0 = arith.constant 0 : i32
    %c0_i32_1 = arith.constant 0 : i32
    return %c0_i32, %c0_i32_0 : i32, i32
  }
  func.func @transform_6(%arg0: i32) -> (i32, i32) {
    %c0_i32 = arith.constant 0 : i32
    %c0_i32_0 = arith.constant 0 : i32
    %c0_i32_1 = arith.constant 0 : i32
    return %c0_i32, %c0_i32_0 : i32, i32
  }
}

</mosaic_0001>

<sc_bundles>
// kernel: kernel.5.cloned.1.call-start
scs
__scs_entry_jumppad:
0x0: {  	(pc) =	sbr.rel $0x88, $3  }
0x1: {  	(tag) =	ssettag $0x0;
	lr =	simm.s32 $0x1  }
0x2: {  	[smem:$0x3F9A] =	sst lr;
	_ =	strace $0xD0000000  }
0x3: {  	_ = 	snop  }
0x4: {  	_ = 	snop  }
0x5: {  	_ = 	snop  }
0x6: {  	_ = 	snop  }
0x7: {  	_ = 	snop  }
__scs_overlays_trampoline_lowered:
0x8: {  	[smem:$0x3FA9] =	sst s0  }
0x9: {  	[smem:$0x3FAA] =	sst s1  }
0xa: {  	[smem:$0x3FAB] =	sst s2  }
0xb: {  	[smem:$0x3FAC] =	sst s3  }
0xc: {  	[smem:$0x3FAD] =	sst s4  }
0xd: {  	[smem:$0x3FAE] =	sst s5  }
0xe: {  	[smem:$0x3FAF] =	sst s6  }
0xf: {  	[smem:$0x3FB0] =	sst s7  }
0x10: {  	[smem:$0x3FB1] =	sst s8  }
0x11: {  	[smem:$0x3FB2] =	sst s9;
	s0 =	simm.s32 @!p0 $0x0  }
0x12: {  	s1 =	sld [smem:$0x3F98];
	s0 =	simm.s32 @p0 $0x1  }
0x13: {  	[smem:$0x3FB3] =	sst s0;
	s0 =	simm.s32 @!p1 $0x0  }
0x14: {  	s2 =	sld [smem:$0x3F97];
	s0 =	simm.s32 @p1 $0x1  }
0x15: {  	[smem:$0x3FB4] =	sst s0;
	s0 =	simm.s32 @!p2 $0x0  }
0x16: {  	s3 =	sld [smem:$0x3FDB];
	s0 =	simm.s32 @p2 $0x1  }
0x17: {  	s4 =	simm.s32 $0x1BF5;
	[smem:$0x3FB6] =	sst s0  }
0x18: {  	s0 =	sld [smem:$0x3F99];
	_ =	swait.ge [sflag:s4], $0x0  }
0x19: {  	s7 =	sld [smem:$0x3F9A]  }
0x1a: {  	s8 =	sadd.s32 $0xFFFFE003, lr  }
0x1b: {  	s9 =	sadd.s32 $0xFFFFFEF7, lr;
	s5 =	simm.s32 $0xFFFFFFFF;
	p2 =	slt.u32 s8, $0xFFFFF086  }
0x1c: {  	p1 =	slt.u32 s9, $0xF7A;
	s5 =	simm.s32 @!p2 $0x0  }
0x1d: {  	s5 =	simm.s32 @p1 $0x1;
	p0 =	seq.s32 s7, s2  }
0x1e: {  	s7 =	smul.u32 @!p0 $0xF7A, s2;
	p2 =	seq.s32 @!p0 s5, $0x0  }
0x1f: {  	s9 =	smul.u32 $0xF7A, s1;
	s8 =	simm.s32 @!p0 $0x1BF5;
	p2 =	por !p2, p0  }
0x20: {  	[sflag:s8] =	ssyncset.s32 @!p0 $0xFFFFF086;
	s6 =	sadd.s32 @!p0 s3, s7;
	s7 =	simm.s32 @!p0 $0x108  }
0x21: {  	s3 =	sadd.s32 s3, s9;
	s6 =	sadd.s32 @!p0 $0x88, s6;
	s7 =	simm.s32 @p2 $0x1082  }
0x22: {  	[simem:s7], [sflag:s8] =	dma.local @!p0 [hbm:s6], $0xF7A  }
0x23: {  	s9 =	sor.u32 $0xD0000000, s2;
	s6 =	simm.s32 $0x108;
	_ =	swait.ge @!p0 [sflag:s8], $0x0  }
0x24: {  	s3 =	sadd.s32 $0x88, s3;
	s6 =	simm.s32 @!p1 $0x1082;
	[sflag:s4] =	ssyncset.s32 $0xFFFFF086  }
0x25: {  	[simem:s6], [sflag:s4] =	dma.local [hbm:s3], $0xF7A  }
0x26: {  	[smem:$0x3F9A] =	sst s1;
	(tag) =	ssettag s2;
	_ =	strace s9  }
0x27: {  	s1 =	sld [smem:$0x3FAA]  }
0x28: {  	s2 =	sld [smem:$0x3FAB]  }
0x29: {  	s4 =	sld [smem:$0x3FAD]  }
0x2a: {  	p0 =	seq.s32 s5, $0x0;
	s5 =	sld [smem:$0x3FAE]  }
0x2b: {  	s6 =	sld [smem:$0x3FAF]  }
0x2c: {  	s7 =	sld [smem:$0x3FB0]  }
0x2d: {  	s3 =	simm.s32 $0x108;
	s8 =	sld [smem:$0x3FB1]  }
0x2e: {  	s3 =	simm.s32 @!p0 $0x1082;
	s9 =	sld [smem:$0x3FB2]  }
0x2f: {  	lr =	sadd.s32 s0, s3;
	s0 =	sld [smem:$0x3FA9]  }
0x30: {  	s3 =	sld [smem:$0x3FAC]  }
0x31: {  	[smem:$0x3FB5] =	sst s10  }
0x32: {  	s10 =	sld [smem:$0x3FB3];
	_ =	sdelay $0x3  }
0x33: {  	p0 =	seq.s32 s10, $0x1;
	s10 =	sld [smem:$0x3FB5];
	_ =	sdelay $0x3  }
0x34: {  	[smem:$0x3FB5] =	sst s10  }
0x35: {  	s10 =	sld [smem:$0x3FB4];
	_ =	sdelay $0x3  }
0x36: {  	p1 =	seq.s32 s10, $0x1;
	s10 =	sld [smem:$0x3FB5];
	_ =	sdelay $0x3  }
0x37: {  	[smem:$0x3FB5] =	sst s10  }
0x38: {  	s10 =	sld [smem:$0x3FB6]  }
0x39: {  	_ = 	snop;
	(pc) =	sbr.ind lr, $3  }
0x3a: {  	_ = 	snop  }
0x3b: {  	_ = 	snop  }
0x3c: {  	p2 =	seq.s32 s10, $0x1;
	s10 =	sld [smem:$0x3FB5]  }
0x3d: {  	_ =	shalt  }
0x3e: {  	_ =	shalt  }
0x3f: {  	_ =	shalt  }
0x40: {  	_ =	shalt  }
0x41: {  	_ =	shalt  }
0x42: {  	_ =	shalt  }
0x43: {  	_ =	shalt  }
0x44: {  	_ =	shalt  }
0x45: {  	_ =	shalt  }
0x46: {  	_ =	shalt  }
0x47: {  	_ =	shalt  }
0x48: {  	_ =	shalt  }
0x49: {  	_ =	shalt  }
0x4a: {  	_ =	shalt  }
0x4b: {  	_ =	shalt  }
0x4c: {  	_ =	shalt  }
0x4d: {  	_ =	shalt  }
0x4e: {  	_ =	shalt  }
0x4f: {  	_ =	shalt  }
0x50: {  	_ =	shalt  }
0x51: {  	_ =	shalt  }
0x52: {  	_ =	shalt  }
0x53: {  	_ =	shalt  }
0x54: {  	_ =	shalt  }
0x55: {  	_ =	shalt  }
0x56: {  	_ =	shalt  }
0x57: {  	_ =	shalt  }
0x58: {  	_ =	shalt  }
0x59: {  	_ =	shalt  }
0x5a: {  	_ =	shalt  }
0x5b: {  	_ =	shalt  }
0x5c: {  	_ =	shalt  }
0x5d: {  	_ =	shalt  }
0x5e: {  	_ =	shalt  }
0x5f: {  	_ =	shalt  }
0x60: {  	_ =	shalt  }
0x61: {  	_ =	shalt  }
0x62: {  	_ =	shalt  }
0x63: {  	_ =	shalt  }
0x64: {  	_ =	shalt  }
0x65: {  	_ =	shalt  }
0x66: {  	_ =	shalt  }
0x67: {  	_ =	shalt  }
0x68: {  	_ =	shalt  }
0x69: {  	_ =	shalt  }
0x6a: {  	_ =	shalt  }
0x6b: {  	_ =	shalt  }
0x6c: {  	_ =	shalt  }
0x6d: {  	_ =	shalt  }
0x6e: {  	_ =	shalt  }
0x6f: {  	_ =	shalt  }
0x70: {  	_ =	shalt  }
0x71: {  	_ =	shalt  }
0x72: {  	_ =	shalt  }
0x73: {  	_ =	shalt  }
0x74: {  	_ =	shalt  }
0x75: {  	_ =	shalt  }
0x76: {  	_ =	shalt  }
0x77: {  	_ =	shalt  }
0x78: {  	_ =	shalt  }
0x79: {  	_ =	shalt  }
0x7a: {  	_ =	shalt  }
0x7b: {  	_ =	shalt  }
0x7c: {  	_ =	shalt  }
0x7d: {  	_ =	shalt  }
0x7e: {  	_ =	shalt  }
0x7f: {  	_ =	shalt  }
0x80: {  	_ =	shalt  }
0x81: {  	_ =	shalt  }
0x82: {  	_ =	shalt  }
0x83: {  	_ =	shalt  }
0x84: {  	_ =	shalt  }
0x85: {  	_ =	shalt  }
0x86: {  	_ =	shalt  }
0x87: {  	_ =	shalt  }
.Lfunc_end0:
.L_simem_size_0:
called_computation_lowered:
.L_overlay_start_0:
0x88: {  	s2 =	sld [smem:$0x3FD9]  }
0x89: {  	s3 =	sld [smem:$0x3FFE];
	_ =	sdelay $0x1  }
0x8a: {  	s1 =	srdreg.scid  }
0x8b: {  	s0 =	sand.u32 $0x1, s1  }
0x8c: {  	s17 =	sshll.u32 s0, $0xA;
	s2 =	sadd.s32 s3, s2  }
0x8d: {  	s2 =	sadd.s32 s2, s17  }
0x8e: {  	[smem:$0x3FC1] =	sst s2  }
0x8f: {  	_ = 	snop  }
0x90: {  	s2 =	sld [smem:$0x3FC9]  }
0x91: {  	s18 =	sld [smem:$0x3FC8];
	(tm) =	ssettm $0x1  }
0x92: {  	s4 =	sld [smem:$0x3FFB];
	_ =	sdelay $0x3  }
0x93: {  	_ =	strace s4  }
0x94: {  	s4 =	sld [smem:$0x3FFC];
	_ =	sdelay $0x3  }
0x95: {  	_ =	strace s4  }
0x96: {  	s4 =	sld [smem:$0x3FFD];
	_ =	sdelay $0x3  }
0x97: {  	_ =	strace s4  }
0x98: {  	_ =	strace $0x8FFFFFFF  }
0x99: {  	s19 =	sld [smem:$0x3FDB];
	_ =	sdelay $0x1  }
0x9a: {  	s5 =	simm.s32 $_scs_section_size  }
0x9b: {  	s6 =	simm.s32 $_size__tile_overlayer_lowered;
	s7 =	simm.s32 $_tile_overlayer_lowered  }
0x9c: {  	s22 =	simm.s32 $0x1BFF;
	s21 =	sshll.u32 s7, $0x1;
	s4 =	sadd.s32 s5, s19  }
0x9d: {  	s8 =	simm.s32 $0x0;
	s20 =	sshll.u32 s6, $0x1;
	s6 =	sadd.s32 s21, s4  }
0x9e: {  	[timem:s8], [sflag:s22] =	dma.local [hbm:s6], s20  }
0x9f: {  	_ =	swait.ge [sflag:s22], s20  }
0xa0: {  	s5 =	ssub.s32 $0x0, s20;
	[sflag:s22] =	ssyncset.done $0x0  }
0xa1: {  	[sflag:s22] =	ssyncadd.s32 s5;
	_ =	sdelay $0x1  }
0xa2: {  	s23 =	simm.s32 $0x1B8B  }
0xa3: {  	_ =	swait.ge [sflag:s23], $0x1  }
0xa4: {  	[sflag:s23] =	ssyncset.done $0x0  }
0xa5: {  	s25 =	simm.s32 $0x1B8E;
	s24 =	sld [smem:$0x3FFE];
	[sflag:s23] =	ssyncadd.s32 $0xFFFFFFFF  }
0xa6: {  	s26 =	simm.s32 $execute0_lowered;
	[smem:$0x3FD2] =	sst s25  }
0xa7: {  	s6 =	sshll.u32 s26, $0x1;
	_ =	strace $0x80000046;
	[dreg:$0x1] =	wrdreg $0xFFFFFFFF  }
0xa8: {  	s28 =	simm.s32 $_size_execute0_lowered;
	s4 =	sadd.s32 s4, s6;
	[dreg:$0x0] =	wrdreg $0x0  }
0xa9: {  	s6 =	sshll.u32 s28, $0x1;
	[dreg:$0x2] =	wrdreg s4  }
0xaa: {  	[dreg:$0x3] =	wrdreg s6  }
0xab: {  	[dreg:$0x4] =	wrdreg $0xC0  }
0xac: {  	_ =	task [dreg:s8], $0x5FFFF  }
0xad: {  	[dreg:$0x1] =	wrdreg $0xFFFFFFFF  }
0xae: {  	[dreg:$0x0] =	wrdreg $0x60  }
0xaf: {  	[dreg:$0x2] =	wrdreg s2  }
0xb0: {  	[dreg:$0x3] =	wrdreg s18  }
0xb1: {  	[dreg:$0x4] =	wrdreg s24  }
0xb2: {  	[dreg:$0x5] =	wrdreg $0xC8000  }
0xb3: {  	[dreg:$0x6] =	wrdreg $0x9  }
0xb4: {  	_ =	task.clear_ibuf [dreg:s8], $0x7FFFF;
	_ =	strace $0x90000046  }
0xb5: {  	s29 =	simm.s32 $0x9;
	_ =	strace $0x80000048  }
0xb6: {  	_ =	swait.ge [sflag:s29], $0x1  }
0xb7: {  	[sflag:s29] =	ssyncadd.s32 $0xFFFFFFFF  }
0xb8: {  	_ =	strace $0x90000048  }
0xb9: {  	_ =	sfence  }
0xba: {  	s30 =	sld [smem:$0x0];
	_ =	sdelay $0x2  }
0xbb: {  	s31 =	sshll.u32 s1, $0xD;
	s1 =	sshrl.u32 s1, $0x2  }
0xbc: {  	s3 =	sand.u32 $0x4000, s31;
	s1 =	sadd.s32 s1, s30  }
0xbd: {  	s0 =	sor.u32 s3, s0;
	s1 =	sshll.u32 s1, $0x11  }
0xbe: {  	s0 =	sor.u32 s1, s0  }
0xbf: {  	s0 =	sadd.s32 $0x8F2B, s0  }
0xc0: {  	[sflag:s0] =	ssyncadd.remote.s32 $0x1  }
0xc1: {  	_ =	sfence.sel $0xFFFF  }
0xc2: {  	[dreg:$0x0] =	wrdreg $0xFFFFFFFF;
	(pc) =	sbr.abs _section_cstart, $3  }
0xc3: {  	[dreg:$0x1] =	wrdreg $0xFFFFFFFF  }
0xc4: {  	_ =	task.clear_ibuf [dreg:s8], $0x2FFFF;
	_ =	strace $0x9FFFFFFF  }
0xc5: {  	(tm) =	ssettm $0x7FFFFFFF  }
tec
execute0_lowered:
.L_overlay_start_1:
0x0: {  	(tag) =	ssettag $0x1  }
0x1: {  	s4 =	rddreg [dreg:$0x0]  }
0x2: {  	s5 =	rddreg [dreg:$0x1]  }
0x3: {  	s6 =	rddreg [dreg:$0x2]  }
0x4: {  	s1 =	rddreg [dreg:$0x3]  }
0x5: {  	s2 =	srdreg.scid;
	s0 =	rddreg [dreg:$0x4]  }
0x6: {  	s8 =	stileid.u32;
	s11 =	simm.s32 $0x80;
	s12 =	simm.s32 $0x1  }
0x7: {  	s13 =	simm.s32 $0x0;
	s3 =	sand.u32 $0x1, s2;
	s2 =	simm.s32 $0x0  }
0x8: {  	p0 =	sne.s32 s8, $0x0;
	s7 =	sshll.u32 s3, $0x4;
	[smem:$0x7FF] =	sst s2  }
0x9: {  	s10 =	ssub.s32 $0x2, s3;
	s3 =	sadd.s32 $0x1200, s6;
	s9 =	sor.u32 s8, s7  }
0xa: {  	_ =	strace $0x80000047;
	s6 =	sadd.s32 s7, s6;
	s31 =	sshrl.u32 s10, $0x1  }
0xb: {  	s8 =	sshrl.u32 @!p0 s1, $0x3;
	s9 =	smul.u32 $0xC80, s9;
	s7 =	ssub.s32 s10, s31  }
0xc: {  	s6 =	sadd.s32 $0x1400, s6;
	s10 =	simm.s32 $0x6400;
	s7 =	smax.u32 s7, $0x1  }
0xd: {  	s4 =	sadd.s32 s4, s9;
	s5 =	sadd.s32 s5, s9;
	s9 =	simm.s32 $0x2  }
.LBB2_1:
0xe: {  	s14 =	simm.s32 @!p0 $0x1C02  }
0xf: {  	[spmem:s8], [sflag:s14] =	dma.local @!p0 [hbm:s3], $0x190  }
0x10: {  	s14 =	simm.s32 @!p0 $0x2  }
0x11: {  	_ =	swait.ge @!p0 [sflag:s14], $0x190  }
0x12: {  	[sflag:s14] =	ssyncset.done @!p0 $0x0  }
0x13: {  	[sflag:s14] =	ssyncadd.s32 @!p0 $0xFFFFFE70  }
0x14: {  	[tilespmem:s2], [sflag:$0x2] =	stream.linear.gather [hbm4b:s4+s2], $0x6400, $0x38;
	[tilespmem:$0xC8C8] =	vst v63  }
0x15: {  	_ =	swait.ge [sflag:s9], $0x6400  }
0x16: {  	[sflag:s9] =	ssyncset.done $0x0  }
0x17: {  	[sflag:s9] =	ssyncadd.s32 $0xFFFF9C00  }
0x18: {  	[tilespmem:s10], [sflag:$0x2] =	stream.linear.gather [hbm4b:s5+s2], $0x6400, $0x38;
	[tilespmem:$0xC8C8] =	vst v63  }
0x19: {  	_ =	swait.ge [sflag:s9], $0x6400  }
0x1a: {  	[sflag:s9] =	ssyncset.done $0x0  }
0x1b: {  	[sflag:s9] =	ssyncadd.s32 $0xFFFF9C00  }
0x1c: {  	s14 =	simm.s32 $0x0;
	[bflag:$0x0] =	sbarrier.arrive $0xFFFF  }
.LBB2_2:
0x1d: {  	p1 =	sne.s32 s14, $0x18E00  }
.Ltmp0:
0x1e: {  	_ = 	snop;
	(pc) =	sbr.rel @p1 .LBB2_2-.Ltmp0, $4  }
0x1f: {  	_ = 	snop  }
0x20: {  	s15 =	sshra.s32 s14, $0x2  }
0x21: {  	s14 =	sadd.s32 $0x200, s14;
	s16 =	sadd.s32 $0x6400, s15  }
0x22: {  	[spmem:s1] =	stream.indirect.scatter.add.f32 [tilespmem:s15], [sflag:$0x1], $0x1, s16, s11, $0xb8;
	[tilespmem:$0xC8C8] =	vst v63  }
0x23: {  	_ =	swait.ge [sflag:s12], $0x80  }
0x24: {  	s14 =	simm.s32 $0xC7;
	[sflag:s12] =	ssyncset.done $0x0  }
.LBB2_4:
0x25: {  	p1 =	sne.s32 s14, $0x1;
	s14 =	sadd.s32 $0xFFFFFFFF, s14;
	[sflag:s12] =	ssyncadd.s32 $0xFFFFFF80  }
.Ltmp1:
0x26: {  	(pc) =	sbr.rel @p1 .LBB2_4-.Ltmp1, $3  }
0x27: {  	_ =	sdelay $0x1  }
0x28: {  	_ =	swait.ge [sflag:s12], $0x80  }
0x29: {  	[sflag:s12] =	ssyncset.done $0x0  }
0x2a: {  	[sflag:s12] =	ssyncadd.s32 $0xFFFFFF80;
	s14 =	simm.s32 @!p0 $0x1  }
0x2b: {  	s15 =	simm.s32 @!p0 $0x20;
	s16 =	simm.s32 @!p0 $0x10;
	s13 =	sadd.s32 $0x1, s13  }
0x2c: {  	s17 =	simm.s32 @!p0 $0x1C02;
	[bflag:$0x0] =	sbarrier.arrive $0xFFFF;
	p1 =	sne.s32 s13, s7  }
0x2d: {  	[hbm:s6@s15], [sflag:s17] =	dma.strided @!p0 [spmem:s8@s16], $0x190, s14, $0x10   }
.Ltmp2:
0x2e: {  	_ = 	snop;
	(pc) =	sbr.rel @p1 .LBB2_1-.Ltmp2, $4  }
0x2f: {  	s14 =	simm.s32 @!p0 $0x2  }
0x30: {  	_ =	swait.ge @!p0 [sflag:s14], $0x190  }
0x31: {  	[sflag:s14] =	ssyncset.done @!p0 $0x0  }
0x32: {  	[sflag:s14] =	ssyncadd.s32 @!p0 $0xFFFFFE70  }
0x33: {  	_ =	sfence.sel $0x180000  }
0x34: {  	[bflag:$0x0] =	sbarrier.arrive $0xFFFF  }
0x35: {  	_ =	strace $0x90000047  }
0x36: {  	s0 =	sadd.s32 @!p0 $0x100000, s0;
	[bflag:$0x2] =	sbarrier.arrive $0xFFFF  }
0x37: {  	[sflag:s0] =	ssyncadd.tile.s32 @!p0 $0x1;
	_ =	shalt  }
.Lfunc_end2:
_tile_overlayer_lowered:
.L_overlay_start_2:
0x38: {  	(tag) =	ssettag $0x2  }
0x39: {  	s0 =	rddreg [dreg:$0x0];
	s2 =	stileid.u32  }
0x3a: {  	s1 =	rddreg [dreg:$0x1];
	p0 =	sne.s32 s2, $0x0  }
0x3b: {  	s3 =	rddreg [dreg:$0x2];
	[bflag:$0x3] =	sbarrier.arrive $0xFFFF;
	s2 =	simm.s32 @!p0 $0x1C02  }
0x3c: {  	[timem:s3], [sflag:s2] =	dma.local @!p0 [hbm:s0], s1  }
0x3d: {  	s0 =	simm.s32 @!p0 $0x2  }
0x3e: {  	_ =	swait.ge @!p0 [sflag:s0], s1  }
0x3f: {  	s1 =	ssub.s32 @!p0 $0x0, s1;
	[sflag:s0] =	ssyncset.done @!p0 $0x0  }
0x40: {  	[sflag:s0] =	ssyncadd.s32 @!p0 s1  }
0x41: {  	[bflag:$0x3] =	sbarrier.arrive $0xFFFF  }
0x42: {  	_ =	shalt  }

</sc_bundles>
